<compile_context>
chip_gen: v7x
topology: tpu7x:2x2x1
jax: 0.10.2.dev20260603
libtpu: 0.0.44.dev20260713+nightly
codegen_flags: <defaults>
</compile_context>

<pallas_src>
import jax
import jax.numpy as jnp
from jax import lax
from jax.experimental import pallas as pl
from jax.experimental.pallas import tpu as pltpu
from jax.experimental.pallas import tpu_sc as plsc

F = 32
GB = 128
NWORK = 32
NBUF = 4
CORE0_SHARE = 0.5
NSUB = 16


def _sc_aggregate(h2, src_p, ridx_p, *, nba, nbb, n_nodes, ncg, r_rel,
                  with_deg):
    rnp = -(-(r_rel * n_nodes + 1) // (NSUB * GB)) * (NSUB * GB)
    zr = rnp // NSUB
    nblk = src_p.shape[1]
    nch = ncg * 4

    out_type = [jax.ShapeDtypeStruct((2, ncg, rnp, GB), jnp.float32)]
    if with_deg:
        out_type.append(jax.ShapeDtypeStruct((2, rnp, GB), jnp.float32))

    mesh = plsc.VectorSubcoreMesh(core_axis_name="c", subcore_axis_name="s",
                                  num_cores=2, num_subcores=NSUB)

    def body(h2_hbm, src_hbm, ridx_hbm, acc_hbm, *rest):
        if with_deg:
            deg_hbm = rest[0]
            rest = rest[1:]
        acc_sh, src2d, ridx2d, gidx, gbuf, zbuf = rest[:6]
        gsem = rest[6:6 + NBUF]
        ssem = rest[6 + NBUF:6 + 2 * NBUF]
        cid = lax.axis_index("c")
        sid = lax.axis_index("s")
        wid = sid * 2 + cid
        nbw = jnp.where(cid == 0, nba, nbb)

        pltpu.sync_copy(src_hbm.at[wid], src2d)
        pltpu.sync_copy(ridx_hbm.at[wid], ridx2d)

        def fill(ref, rows, val):
            def go(i, _):
                for k in range(F // 16):
                    ref[i, pl.ds(k * 16, 16)] = jnp.full((16,), val,
                                                         jnp.float32)
                return 0
            lax.fori_loop(0, rows, go, 0)
        fill(zbuf, GB, 0.0)

        def zero_stripe():
            def zz(k, _):
                pltpu.sync_copy(zbuf, acc_sh.at[pl.ds(sid * zr + k * GB, GB)])
                return 0
            lax.fori_loop(0, zr // GB, zz, 0)

        my_rows = pl.ds(sid * zr, zr)

        if with_deg:
            fill(gbuf.at[0], GB, 1.0)
            zero_stripe()
            plsc.subcore_barrier()

            def deg_blk(j, _):
                @pl.when(j < nbw)
                def _():
                    pltpu.sync_copy(gbuf.at[0], acc_sh.at[ridx2d.at[j]],
                                    add=True)
                return 0
            lax.fori_loop(0, nblk, deg_blk, 0)
            plsc.subcore_barrier()
            pltpu.sync_copy(acc_sh.at[my_rows],
                            deg_hbm.at[cid, my_rows, pl.ds(0, F)])
            plsc.subcore_barrier()

        def chunk(c32, _):
            zero_stripe()
            base = (c32 >> 2) * (4 * n_nodes) + (c32 & 3)

            def gi(j, _):
                for k in range(GB // 16):
                    v = src2d[j, pl.ds(k * 16, 16)]
                    gidx[j, pl.ds(k * 16, 16)] = v * 4 + base
                return 0
            lax.fori_loop(0, nblk, gi, 0)
            plsc.subcore_barrier()

            for b in range(NBUF):
                @pl.when(b < nbw)
                def _(b=b):
                    pltpu.async_copy(h2_hbm.at[gidx.at[b]], gbuf.at[b],
                                     gsem[b])

            def ring(g, _):
                for b in range(NBUF):
                    j = g * NBUF + b

                    @pl.when(j < nbw)
                    def _(j=j, b=b):
                        pltpu.make_async_copy(h2_hbm.at[gidx.at[b]],
                                              gbuf.at[b], gsem[b]).wait()
                        pltpu.async_copy(gbuf.at[b], acc_sh.at[ridx2d.at[j]],
                                         ssem[b], add=True)
                        pltpu.make_async_copy(gbuf.at[b],
                                              acc_sh.at[ridx2d.at[j]],
                                              ssem[b]).wait()

                    @pl.when(j + NBUF < nbw)
                    def _(j=j, b=b):
                        pltpu.async_copy(h2_hbm.at[gidx.at[j + NBUF]],
                                         gbuf.at[b], gsem[b])
                return 0
            lax.fori_loop(0, (nblk + NBUF - 1) // NBUF, ring, 0)
            plsc.subcore_barrier()
            pltpu.sync_copy(
                acc_sh.at[my_rows],
                acc_hbm.at[cid, c32 >> 2, my_rows,
                           pl.ds((c32 & 3) * F, F)])
            plsc.subcore_barrier()
            return 0
        lax.fori_loop(0, nch, chunk, 0)

    fn = pl.kernel(
        body,
        out_type=tuple(out_type),
        mesh=mesh,
        scratch_types=(
            pltpu.VMEM_SHARED((rnp, F), jnp.float32),
            pltpu.VMEM((nblk, GB), jnp.int32),
            pltpu.VMEM((nblk, GB), jnp.int32),
            pltpu.VMEM((nblk, GB), jnp.int32),
            pltpu.VMEM((NBUF, GB, F), jnp.float32),
            pltpu.VMEM((GB, F), jnp.float32),
        ) + (pltpu.SemaphoreType.DMA,) * (2 * NBUF),
        compiler_params=pltpu.CompilerParams(use_tc_tiling_on_sc=False),
    )
    return fn(h2, src_p, ridx_p)



def _concat_kernel(x, node_type3, type_emb, *, bn):
    n, d = x.shape
    nt, td = type_emb.shape
    nb = n // bn
    ncg = (d + td) // 128

    def body(x_ref, nt_ref, te_ref, o_ref):
        ids = nt_ref[0]
        temb = jnp.zeros((bn, td), jnp.float32)
        for t in range(nt):
            temb = jnp.where(ids == t, te_ref[t][None, :], temb)
        for g in range(d // 128):
            o_ref[g] = x_ref[:, g * 128:(g + 1) * 128]
        o_ref[ncg - 1] = temb

    return pl.pallas_call(
        body,
        grid=(nb,),
        in_specs=[
            pl.BlockSpec((bn, d), lambda i: (i, 0)),
            pl.BlockSpec((1, bn, 1), lambda i: (i, 0, 0)),
            pl.BlockSpec((nt, td), lambda i: (0, 0)),
        ],
        out_specs=pl.BlockSpec((ncg, bn, 128), lambda i: (0, i, 0)),
        out_shape=jax.ShapeDtypeStruct((ncg, n, 128), jnp.float32),
    )(x, node_type3, type_emb)


def _repack_kernel(acc, deg, *, n_nodes, r_rel, bn):
    _, ncg, rnp, f = acc.shape
    rn = r_rel * n_nodes
    nb = rn // bn

    def body(a_ref, d_ref, o_ref):
        d = d_ref[0, :, 0:1] + d_ref[1, :, 0:1]
        recip = 1.0 / jnp.maximum(d, 1.0)
        o_ref[...] = (a_ref[0, 0] + a_ref[1, 0]) * recip

    return pl.pallas_call(
        body,
        grid=(ncg, nb),
        in_specs=[
            pl.BlockSpec((2, 1, bn, f), lambda c, i: (0, c, i, 0)),
            pl.BlockSpec((2, bn, f), lambda c, i: (0, i, 0)),
        ],
        out_specs=pl.BlockSpec((bn, f), lambda c, i: (i, c)),
        out_shape=jax.ShapeDtypeStruct((rn, ncg * f), jnp.float32),
    )(acc, deg)


def _layer_matmul(h3, aggs, w_self, w_rel, b, *, bn, out_cgm):
    ncg, n, _ = h3.shape
    d_in = ncg * 128
    r_rel = w_rel.shape[0]
    d_out = w_self.shape[1]
    nb = n // bn
    ocg = d_out // 128

    def body(h_ref, a_ref, ws_ref, wr_ref, b_ref, o_ref):
        h_blk = jnp.concatenate([h_ref[g] for g in range(ncg)], axis=1)
        out = jnp.dot(h_blk, ws_ref[...],
                      preferred_element_type=jnp.float32) + b_ref[0][None, :]
        for r in range(r_rel):
            out += jnp.dot(a_ref[r], wr_ref[r],
                           preferred_element_type=jnp.float32)
        out = jnp.maximum(out, 0.0)
        if out_cgm:
            for g in range(ocg):
                o_ref[g] = out[:, g * 128:(g + 1) * 128]
        else:
            o_ref[...] = out

    if out_cgm:
        out_spec = pl.BlockSpec((ocg, bn, 128), lambda i: (0, i, 0))
        out_shape = jax.ShapeDtypeStruct((ocg, n, 128), jnp.float32)
    else:
        out_spec = pl.BlockSpec((bn, d_out), lambda i: (i, 0))
        out_shape = jax.ShapeDtypeStruct((n, d_out), jnp.float32)

    return pl.pallas_call(
        body,
        grid=(nb,),
        in_specs=[
            pl.BlockSpec((ncg, bn, 128), lambda i: (0, i, 0)),
            pl.BlockSpec((r_rel, bn, d_in), lambda i: (0, i, 0)),
            pl.BlockSpec((d_in, d_out), lambda i: (0, 0)),
            pl.BlockSpec((r_rel, d_in, d_out), lambda i: (0, 0, 0)),
            pl.BlockSpec((1, d_out), lambda i: (0, 0)),
        ],
        out_specs=out_spec,
        out_shape=out_shape,
    )(h3, aggs, w_self, w_rel, b)



def kernel(x, edge_index, edge_type, node_type, type_emb,
           W_self0, W_rel0, b0, W_self1, W_rel1, b1):
    n, d = x.shape
    e = edge_index.shape[1]
    r_rel = W_rel0.shape[0]
    d_in0 = d + type_emb.shape[1]

    tb = -(-e // (GB * NWORK)) * NWORK
    pad = tb * GB - e
    nbt = tb // NSUB
    nba = max(1, min(nbt - 1, round(nbt * CORE0_SHARE)))
    nbb = nbt - nba
    nbmax = max(nba, nbb)
    src = jnp.concatenate([edge_index[0], jnp.zeros((pad,), jnp.int32)])
    ridx = edge_type * n + edge_index[1]
    ridx = jnp.concatenate([ridx, jnp.full((pad,), r_rel * n, jnp.int32)])

    def part(a):
        a = a.reshape(tb, GB)
        blk_a = a[:NSUB * nba].reshape(NSUB, nba, GB)
        blk_b = a[NSUB * nba:].reshape(NSUB, nbb, GB)
        blk_a = jnp.pad(blk_a, ((0, 0), (0, nbmax - nba), (0, 0)))
        blk_b = jnp.pad(blk_b, ((0, 0), (0, nbmax - nbb), (0, 0)))
        return jnp.stack([blk_a, blk_b], axis=1).reshape(NWORK, nbmax, GB)
    src_p = part(src)
    ridx_p = part(ridx)
    node_type3 = node_type.reshape(n // 400, 400, 1)

    h0 = _concat_kernel(x, node_type3, type_emb, bn=400)
    ncg0 = d_in0 // 128
    acc0, deg = _sc_aggregate(h0.reshape(ncg0 * n * 4, F), src_p, ridx_p,
                              nba=nba, nbb=nbb, n_nodes=n, ncg=ncg0,
                              r_rel=r_rel, with_deg=True)
    agg0 = _repack_kernel(acc0, deg, n_nodes=n, r_rel=r_rel, bn=2000)
    h1 = _layer_matmul(h0, agg0.reshape(r_rel, n, d_in0),
                       W_self0, W_rel0, b0.reshape(1, -1), bn=400,
                       out_cgm=True)

    ncg1 = h1.shape[0]
    (acc1,) = _sc_aggregate(h1.reshape(ncg1 * n * 4, F), src_p, ridx_p,
                            nba=nba, nbb=nbb, n_nodes=n, ncg=ncg1,
                            r_rel=r_rel, with_deg=False)
    agg1 = _repack_kernel(acc1, deg, n_nodes=n, r_rel=r_rel, bn=2000)
    return _layer_matmul(h1, agg1.reshape(r_rel, n, ncg1 * 128),
                         W_self1, W_rel1, b1.reshape(1, -1), bn=400,
                         out_cgm=False)

# --- scband reference (transcript-rebuilt; emitter-appended) ---
"""Pipeline reference for scband-model-15736760172953 (READ-ONLY COPY).

The authoritative reference and input builder live on the scoring server;
editing this copy changes nothing except your own understanding.
"""

import jax, jax.numpy as jnp
import numpy as np

N = 10000
E = 160000
D = 512
TD = 128
R = 4
NT = 3


def setup_inputs(seed: int = 0):
    key = jax.random.key(seed)
    ks = jax.random.split(key, 12)
    x = jax.random.normal(ks[0], (N, D), dtype=jnp.float32)
    edge_index = jax.random.randint(ks[1], (2, E), 0, N, dtype=jnp.int32)
    edge_type = jax.random.randint(ks[2], (E,), 0, R, dtype=jnp.int32)
    node_type = jax.random.randint(ks[3], (N,), 0, NT, dtype=jnp.int32)
    type_emb = jax.random.normal(ks[4], (NT, TD), dtype=jnp.float32) * 0.02
    d_in0 = D + TD
    W_self0 = jax.random.normal(ks[5], (d_in0, D), dtype=jnp.float32) / np.sqrt(d_in0)
    W_rel0 = jax.random.normal(ks[6], (R, d_in0, D), dtype=jnp.float32) / np.sqrt(d_in0)
    b0 = jnp.zeros((D,), dtype=jnp.float32)
    W_self1 = jax.random.normal(ks[7], (D, D), dtype=jnp.float32) / np.sqrt(D)
    W_rel1 = jax.random.normal(ks[8], (R, D, D), dtype=jnp.float32) / np.sqrt(D)
    b1 = jnp.zeros((D,), dtype=jnp.float32)
    return {"x": x, "edge_index": edge_index, "edge_type": edge_type, "node_type": node_type,
            "type_emb": type_emb, "W_self0": W_self0, "W_rel0": W_rel0, "b0": b0,
            "W_self1": W_self1, "W_rel1": W_rel1, "b1": b1}


def _rgcn_layer(h, edge_index, edge_type, W_self, W_rel, b):
    src = edge_index[0]
    dst = edge_index[1]
    hs = h[src]
    out = h @ W_self + b
    for r in range(R):
        w = (edge_type == r).astype(h.dtype)
        msg = (hs @ W_rel[r]) * w[:, None]
        agg = jax.ops.segment_sum(msg, dst, num_segments=N)
        deg = jax.ops.segment_sum(w, dst, num_segments=N)
        out = out + agg / jnp.clip(deg, 1.0, None)[:, None]
    return jax.nn.relu(out)


def reference(x, edge_index, edge_type, node_type, type_emb, W_self0, W_rel0, b0, W_self1, W_rel1, b1):
    # Typed-node RGCN core of the doc-RE model: node-type embedding is
    # concatenated to node features, then num_layers relational GCN layers
    # with per-relation weight matrices, mean aggregation per relation,
    # self-loop transform, and ReLU.
    h = jnp.concatenate([x, type_emb[node_type]], axis=-1)
    h = _rgcn_layer(h, edge_index, edge_type, W_self0, W_rel0, b0)
    h = _rgcn_layer(h, edge_index, edge_type, W_self1, W_rel1, b1)
    return h

if __name__ == "__main__":
    import jax
    _d = setup_inputs()
    print(jax.jit(kernel)(*tuple(_d.values())))

</pallas_src>

<mosaic_0001>
#map = affine_map<(d0, d1) -> (0, 0)>
#map1 = affine_map<(d0, d1) -> (0, 0, 0)>
#map2 = affine_map<(d0, d1) -> (0, 0, 0, 0)>
module attributes {stable_mosaic.version = 14 : i64} {
  func.func @body(%arg0: i32, %arg1: i32, %arg2: memref<200000x32xf32, #tpu.memory_space<hbm>>, %arg3: memref<32x40x128xi32, #tpu.memory_space<hbm>>, %arg4: memref<32x40x128xi32, #tpu.memory_space<hbm>>, %arg5: memref<2x5x40960x128xf32, #tpu.memory_space<hbm>>, %arg6: memref<2x40960x128xf32, #tpu.memory_space<hbm>>, %arg7: memref<40960x32xf32, #tpu.memory_space<vmem_shared>>, %arg8: memref<40x128xi32, #tpu.memory_space<vmem>>, %arg9: memref<40x128xi32, #tpu.memory_space<vmem>>, %arg10: memref<40x128xi32, #tpu.memory_space<vmem>>, %arg11: memref<4x128x32xf32, #tpu.memory_space<vmem>>, %arg12: memref<128x32xf32, #tpu.memory_space<vmem>>, %arg13: memref<!tpu.dma_semaphore, #tpu.memory_space<semaphore_mem>>, %arg14: memref<!tpu.dma_semaphore, #tpu.memory_space<semaphore_mem>>, %arg15: memref<!tpu.dma_semaphore, #tpu.memory_space<semaphore_mem>>, %arg16: memref<!tpu.dma_semaphore, #tpu.memory_space<semaphore_mem>>, %arg17: memref<!tpu.dma_semaphore, #tpu.memory_space<semaphore_mem>>, %arg18: memref<!tpu.dma_semaphore, #tpu.memory_space<semaphore_mem>>, %arg19: memref<!tpu.dma_semaphore, #tpu.memory_space<semaphore_mem>>, %arg20: memref<!tpu.dma_semaphore, #tpu.memory_space<semaphore_mem>>) attributes {dimension_semantics = [#tpu.dimension_semantics<core_parallel>, #tpu.dimension_semantics<subcore_parallel>], iteration_bounds = array<i64: 2, 16>, scalar_prefetch = 0 : i64, scratch_operands = 14 : i64, tpu.core_type = #tpu.core_type<sc_vector_subcore>, window_params = [{transform_indices = #map}, {transform_indices = #map1}, {transform_indices = #map1}, {transform_indices = #map2}, {transform_indices = #map1}]} {
    %mul3A = arith.constant 2 : i32
    %mul3A_0 = arith.muli %arg1, %mul3A : i32
    %add3A = arith.addi %mul3A_0, %arg0 : i32
    %eq3A = arith.constant 0 : i32
    %eq3A_1 = arith.cmpi eq, %arg0, %eq3A : i32
    %jit3A = arith.constant 40 : i32
    %jit3A_2 = arith.constant 40 : i32
    %select_n3A = arith.select %eq3A_1, %jit3A, %jit3A_2 : i32
    "tpu.region"() ({
      %run_scoped3A = tpu.sem_alloc : memref<!tpu.dma_semaphore, #tpu.memory_space<semaphore_mem>>
      %dma_start3A = arith.constant 0 : i32
      %dma_start3A_42 = arith.constant 0 : i32
      %dma_start3A_43 = tpu.memref_slice %arg3[%add3A, %dma_start3A, %dma_start3A_42] : memref<32x40x128xi32, #tpu.memory_space<hbm>> -> memref<1x40x128xi32, #tpu.memory_space<hbm>>
      %dma_start3A_44 = tpu.memref_squeeze %dma_start3A_43 : memref<1x40x128xi32, #tpu.memory_space<hbm>> -> memref<40x128xi32, #tpu.memory_space<hbm>>
      %dma_start3A_45 = arith.constant 0 : i32
      %dma_start3A_46 = arith.constant 0 : i32
      %dma_start3A_47 = tpu.memref_slice %arg3[%add3A, %dma_start3A_45, %dma_start3A_46] : memref<32x40x128xi32, #tpu.memory_space<hbm>> -> memref<1x40x128xi32, #tpu.memory_space<hbm>>
      %dma_start3A_48 = tpu.memref_squeeze %dma_start3A_47 : memref<1x40x128xi32, #tpu.memory_space<hbm>> -> memref<40x128xi32, #tpu.memory_space<hbm>>
      tpu.enqueue_dma source(%dma_start3A_48 : memref<40x128xi32, #tpu.memory_space<hbm>>) target(%arg8 : memref<40x128xi32, #tpu.memory_space<vmem>>) target_semaphore(%run_scoped3A : memref<!tpu.dma_semaphore, #tpu.memory_space<semaphore_mem>>)
      %dma_wait3A = arith.constant 0 : i32
      %dma_wait3A_49 = arith.constant 0 : i32
      %dma_wait3A_50 = tpu.memref_slice %arg3[%add3A, %dma_wait3A, %dma_wait3A_49] : memref<32x40x128xi32, #tpu.memory_space<hbm>> -> memref<1x40x128xi32, #tpu.memory_space<hbm>>
      %dma_wait3A_51 = tpu.memref_squeeze %dma_wait3A_50 : memref<1x40x128xi32, #tpu.memory_space<hbm>> -> memref<40x128xi32, #tpu.memory_space<hbm>>
      %dma_wait3A_52 = arith.constant 0 : i32
      %dma_wait3A_53 = arith.constant 0 : i32
      %dma_wait3A_54 = tpu.memref_slice %arg3[%add3A, %dma_wait3A_52, %dma_wait3A_53] : memref<32x40x128xi32, #tpu.memory_space<hbm>> -> memref<1x40x128xi32, #tpu.memory_space<hbm>>
      %dma_wait3A_55 = tpu.memref_squeeze %dma_wait3A_54 : memref<1x40x128xi32, #tpu.memory_space<hbm>> -> memref<40x128xi32, #tpu.memory_space<hbm>>
      tpu.wait_dma2 semaphore(%run_scoped3A : memref<!tpu.dma_semaphore, #tpu.memory_space<semaphore_mem>>) src(%dma_wait3A_55 : memref<40x128xi32, #tpu.memory_space<hbm>>) dst(%arg8 : memref<40x128xi32, #tpu.memory_space<vmem>>)
      tpu.yield
    }) : () -> ()
    "tpu.region"() ({
      %run_scoped3A = tpu.sem_alloc : memref<!tpu.dma_semaphore, #tpu.memory_space<semaphore_mem>>
      %dma_start3A = arith.constant 0 : i32
      %dma_start3A_42 = arith.constant 0 : i32
      %dma_start3A_43 = tpu.memref_slice %arg4[%add3A, %dma_start3A, %dma_start3A_42] : memref<32x40x128xi32, #tpu.memory_space<hbm>> -> memref<1x40x128xi32, #tpu.memory_space<hbm>>
      %dma_start3A_44 = tpu.memref_squeeze %dma_start3A_43 : memref<1x40x128xi32, #tpu.memory_space<hbm>> -> memref<40x128xi32, #tpu.memory_space<hbm>>
      %dma_start3A_45 = arith.constant 0 : i32
      %dma_start3A_46 = arith.constant 0 : i32
      %dma_start3A_47 = tpu.memref_slice %arg4[%add3A, %dma_start3A_45, %dma_start3A_46] : memref<32x40x128xi32, #tpu.memory_space<hbm>> -> memref<1x40x128xi32, #tpu.memory_space<hbm>>
      %dma_start3A_48 = tpu.memref_squeeze %dma_start3A_47 : memref<1x40x128xi32, #tpu.memory_space<hbm>> -> memref<40x128xi32, #tpu.memory_space<hbm>>
      tpu.enqueue_dma source(%dma_start3A_48 : memref<40x128xi32, #tpu.memory_space<hbm>>) target(%arg9 : memref<40x128xi32, #tpu.memory_space<vmem>>) target_semaphore(%run_scoped3A : memref<!tpu.dma_semaphore, #tpu.memory_space<semaphore_mem>>)
      %dma_wait3A = arith.constant 0 : i32
      %dma_wait3A_49 = arith.constant 0 : i32
      %dma_wait3A_50 = tpu.memref_slice %arg4[%add3A, %dma_wait3A, %dma_wait3A_49] : memref<32x40x128xi32, #tpu.memory_space<hbm>> -> memref<1x40x128xi32, #tpu.memory_space<hbm>>
      %dma_wait3A_51 = tpu.memref_squeeze %dma_wait3A_50 : memref<1x40x128xi32, #tpu.memory_space<hbm>> -> memref<40x128xi32, #tpu.memory_space<hbm>>
      %dma_wait3A_52 = arith.constant 0 : i32
      %dma_wait3A_53 = arith.constant 0 : i32
      %dma_wait3A_54 = tpu.memref_slice %arg4[%add3A, %dma_wait3A_52, %dma_wait3A_53] : memref<32x40x128xi32, #tpu.memory_space<hbm>> -> memref<1x40x128xi32, #tpu.memory_space<hbm>>
      %dma_wait3A_55 = tpu.memref_squeeze %dma_wait3A_54 : memref<1x40x128xi32, #tpu.memory_space<hbm>> -> memref<40x128xi32, #tpu.memory_space<hbm>>
      tpu.wait_dma2 semaphore(%run_scoped3A : memref<!tpu.dma_semaphore, #tpu.memory_space<semaphore_mem>>) src(%dma_wait3A_55 : memref<40x128xi32, #tpu.memory_space<hbm>>) dst(%arg9 : memref<40x128xi32, #tpu.memory_space<vmem>>)
      tpu.yield
    }) : () -> ()
    %scan3A = arith.constant 0 : i32
    %scan3A_3 = arith.constant 0 : i32
    %scan3A_4 = arith.constant 128 : i32
    %scan3A_5 = arith.addi %scan3A_3, %scan3A_4 : i32
    %scan3A_6 = arith.constant 1 : i32
    %scan3A_7 = scf.for %scan3A_42 = %scan3A_3 to %scan3A_5 step %scan3A_6 iter_args(%scan3A_43 = %scan3A) -> (i32)  : i32 {
      %broadcast_in_dim3A = arith.constant 0.000000e+00 : f32
      %broadcast_in_dim3A_44 = vector.broadcast %broadcast_in_dim3A : f32 to vector<16xf32>
      %swap3A = arith.index_cast %scan3A_42 : i32 to index
      %swap3A_45 = arith.constant 0 : index
      %swap3A_46 = tpu.vector_load %arg12[%swap3A, %swap3A_45] {strides = array<i32>} : memref<128x32xf32, #tpu.memory_space<vmem>>, vector<1x16xf32>,
      %swap3A_47 = vector.shape_cast %swap3A_46 : vector<1x16xf32> to vector<16xf32>
      %swap3A_48 = vector.shape_cast %broadcast_in_dim3A_44 : vector<16xf32> to vector<1x16xf32>
      tpu.vector_store %arg12[%swap3A, %swap3A_45], %swap3A_48 {strides = array<i32>} : memref<128x32xf32, #tpu.memory_space<vmem>>, vector<1x16xf32>,
      %broadcast_in_dim3A_49 = arith.constant 0.000000e+00 : f32
      %broadcast_in_dim3A_50 = vector.broadcast %broadcast_in_dim3A_49 : f32 to vector<16xf32>
      %swap3A_51 = arith.index_cast %scan3A_42 : i32 to index
      %swap3A_52 = arith.constant 16 : index
      %swap3A_53 = tpu.vector_load %arg12[%swap3A_51, %swap3A_52] {strides = array<i32>} : memref<128x32xf32, #tpu.memory_space<vmem>>, vector<1x16xf32>,
      %swap3A_54 = vector.shape_cast %swap3A_53 : vector<1x16xf32> to vector<16xf32>
      %swap3A_55 = vector.shape_cast %broadcast_in_dim3A_50 : vector<16xf32> to vector<1x16xf32>
      tpu.vector_store %arg12[%swap3A_51, %swap3A_52], %swap3A_55 {strides = array<i32>} : memref<128x32xf32, #tpu.memory_space<vmem>>, vector<1x16xf32>,
      %scan3A_56 = arith.constant 0 : i32
      scf.yield %scan3A_56 : i32
    }
    %scan3A_8 = arith.constant 128 : i32
    %mul3A_9 = arith.constant 2560 : i32
    %mul3A_10 = arith.muli %arg1, %mul3A_9 : i32
    %scan3A_11 = arith.constant 0 : i32
    %scan3A_12 = arith.constant 0 : i32
    %scan3A_13 = arith.constant 0 : i32
    %scan3A_14 = arith.constant 128 : i32
    %scan3A_15 = arith.addi %scan3A_13, %scan3A_14 : i32
    %scan3A_16 = arith.constant 1 : i32
    %scan3A_17 = scf.for %scan3A_42 = %scan3A_13 to %scan3A_15 step %scan3A_16 iter_args(%scan3A_43 = %scan3A_12) -> (i32)  : i32 {
      %broadcast_in_dim3A = arith.constant 1.000000e+00 : f32
      %broadcast_in_dim3A_44 = vector.broadcast %broadcast_in_dim3A : f32 to vector<16xf32>
      %swap3A = arith.constant 0 : i32
      %swap3A_45 = arith.constant 0 : i32
      %swap3A_46 = tpu.memref_slice %arg11[%scan3A_11, %swap3A, %swap3A_45] : memref<4x128x32xf32, #tpu.memory_space<vmem>> -> memref<1x128x32xf32, #tpu.memory_space<vmem>>
      %swap3A_47 = tpu.memref_squeeze %swap3A_46 : memref<1x128x32xf32, #tpu.memory_space<vmem>> -> memref<128x32xf32, #tpu.memory_space<vmem>>
      %swap3A_48 = arith.index_cast %scan3A_42 : i32 to index
      %swap3A_49 = arith.constant 0 : index
      %swap3A_50 = tpu.vector_load %swap3A_47[%swap3A_48, %swap3A_49] {strides = array<i32>} : memref<128x32xf32, #tpu.memory_space<vmem>>, vector<1x16xf32>,
      %swap3A_51 = vector.shape_cast %swap3A_50 : vector<1x16xf32> to vector<16xf32>
      %swap3A_52 = vector.shape_cast %broadcast_in_dim3A_44 : vector<16xf32> to vector<1x16xf32>
      tpu.vector_store %swap3A_47[%swap3A_48, %swap3A_49], %swap3A_52 {strides = array<i32>} : memref<128x32xf32, #tpu.memory_space<vmem>>, vector<1x16xf32>,
      %broadcast_in_dim3A_53 = arith.constant 1.000000e+00 : f32
      %broadcast_in_dim3A_54 = vector.broadcast %broadcast_in_dim3A_53 : f32 to vector<16xf32>
      %swap3A_55 = arith.constant 0 : i32
      %swap3A_56 = arith.constant 0 : i32
      %swap3A_57 = tpu.memref_slice %arg11[%scan3A_11, %swap3A_55, %swap3A_56] : memref<4x128x32xf32, #tpu.memory_space<vmem>> -> memref<1x128x32xf32, #tpu.memory_space<vmem>>
      %swap3A_58 = tpu.memref_squeeze %swap3A_57 : memref<1x128x32xf32, #tpu.memory_space<vmem>> -> memref<128x32xf32, #tpu.memory_space<vmem>>
      %swap3A_59 = arith.index_cast %scan3A_42 : i32 to index
      %swap3A_60 = arith.constant 16 : index
      %swap3A_61 = tpu.vector_load %swap3A_58[%swap3A_59, %swap3A_60] {strides = array<i32>} : memref<128x32xf32, #tpu.memory_space<vmem>>, vector<1x16xf32>,
      %swap3A_62 = vector.shape_cast %swap3A_61 : vector<1x16xf32> to vector<16xf32>
      %swap3A_63 = vector.shape_cast %broadcast_in_dim3A_54 : vector<16xf32> to vector<1x16xf32>
      tpu.vector_store %swap3A_58[%swap3A_59, %swap3A_60], %swap3A_63 {strides = array<i32>} : memref<128x32xf32, #tpu.memory_space<vmem>>, vector<1x16xf32>,
      %scan3A_64 = arith.constant 0 : i32
      scf.yield %scan3A_64 : i32
    }
    %scan3A_18 = arith.constant 128 : i32
    %scan3A_19 = arith.constant 0 : i32
    %scan3A_20 = arith.constant 0 : i32
    %scan3A_21 = arith.constant 20 : i32
    %scan3A_22 = arith.addi %scan3A_20, %scan3A_21 : i32
    %scan3A_23 = arith.constant 1 : i32
    %scan3A_24 = scf.for %scan3A_42 = %scan3A_20 to %scan3A_22 step %scan3A_23 iter_args(%scan3A_43 = %scan3A_19) -> (i32)  : i32 {
      %mul3A_44 = arith.constant 2560 : i32
      %mul3A_45 = arith.muli %arg1, %mul3A_44 : i32
      %mul3A_46 = arith.constant 128 : i32
      %mul3A_47 = arith.muli %scan3A_42, %mul3A_46 : i32
      %add3A_48 = arith.addi %mul3A_45, %mul3A_47 : i32
      "tpu.region"() ({
        %run_scoped3A = tpu.sem_alloc : memref<!tpu.dma_semaphore, #tpu.memory_space<semaphore_mem>>
        %dma_start3A = arith.constant 0 : i32
        %dma_start3A_50 = tpu.memref_slice %arg7[%add3A_48, %dma_start3A] : memref<40960x32xf32, #tpu.memory_space<vmem_shared>> -> memref<128x32xf32, #tpu.memory_space<vmem_shared>>
        %dma_start3A_51 = arith.constant 0 : i32
        %dma_start3A_52 = tpu.memref_slice %arg7[%add3A_48, %dma_start3A_51] : memref<40960x32xf32, #tpu.memory_space<vmem_shared>> -> memref<128x32xf32, #tpu.memory_space<vmem_shared>>
        tpu.enqueue_dma source(%arg12 : memref<128x32xf32, #tpu.memory_space<vmem>>) target(%dma_start3A_52 : memref<128x32xf32, #tpu.memory_space<vmem_shared>>) target_semaphore(%run_scoped3A : memref<!tpu.dma_semaphore, #tpu.memory_space<semaphore_mem>>)
        %dma_wait3A = arith.constant 0 : i32
        %dma_wait3A_53 = tpu.memref_slice %arg7[%add3A_48, %dma_wait3A] : memref<40960x32xf32, #tpu.memory_space<vmem_shared>> -> memref<128x32xf32, #tpu.memory_space<vmem_shared>>
        %dma_wait3A_54 = arith.constant 0 : i32
        %dma_wait3A_55 = tpu.memref_slice %arg7[%add3A_48, %dma_wait3A_54] : memref<40960x32xf32, #tpu.memory_space<vmem_shared>> -> memref<128x32xf32, #tpu.memory_space<vmem_shared>>
        tpu.wait_dma2 semaphore(%run_scoped3A : memref<!tpu.dma_semaphore, #tpu.memory_space<semaphore_mem>>) src(%arg12 : memref<128x32xf32, #tpu.memory_space<vmem>>) dst(%dma_wait3A_55 : memref<128x32xf32, #tpu.memory_space<vmem_shared>>)
        tpu.yield
      }) : () -> ()
      %scan3A_49 = arith.constant 0 : i32
      scf.yield %scan3A_49 : i32
    }
    %scan3A_25 = arith.constant 20 : i32
    %barrier3A = arith.constant 0 : index
    tpu.barrier barrier_id(%barrier3A)
    %scan3A_26 = arith.constant 0 : i32
    %scan3A_27 = arith.constant 0 : i32
    %scan3A_28 = arith.constant 40 : i32
    %scan3A_29 = arith.addi %scan3A_27, %scan3A_28 : i32
    %scan3A_30 = arith.constant 1 : i32
    %scan3A_31 = scf.for %scan3A_42 = %scan3A_27 to %scan3A_29 step %scan3A_30 iter_args(%scan3A_43 = %scan3A_26) -> (i32)  : i32 {
      %lt3A = arith.cmpi slt, %scan3A_42, %select_n3A : i32
      %convert_element_type3A = arith.extui %lt3A : i1 to i32
      %cond3A = arith.constant 0 : i32
      %cond3A_44 = arith.cmpi ne, %convert_element_type3A, %cond3A : i32
      scf.if %cond3A_44 {
        %run_scoped3A = arith.constant 0 : i32
        "tpu.region"() ({
          %run_scoped3A_46 = tpu.sem_alloc : memref<!tpu.dma_semaphore, #tpu.memory_space<semaphore_mem>>
          %dma_start3A = arith.constant 0 : i32
          %dma_start3A_47 = arith.constant 0 : i32
          %dma_start3A_48 = tpu.memref_slice %arg11[%run_scoped3A, %dma_start3A, %dma_start3A_47] : memref<4x128x32xf32, #tpu.memory_space<vmem>> -> memref<1x128x32xf32, #tpu.memory_space<vmem>>
          %dma_start3A_49 = tpu.memref_squeeze %dma_start3A_48 : memref<1x128x32xf32, #tpu.memory_space<vmem>> -> memref<128x32xf32, #tpu.memory_space<vmem>>
          %dma_start3A_50 = arith.constant 0 : i32
          %dma_start3A_51 = tpu.memref_slice %arg9[%scan3A_42, %dma_start3A_50] : memref<40x128xi32, #tpu.memory_space<vmem>> -> memref<1x128xi32, #tpu.memory_space<vmem>>
          %dma_start3A_52 = tpu.memref_squeeze %dma_start3A_51 : memref<1x128xi32, #tpu.memory_space<vmem>> -> memref<128xi32, #tpu.memory_space<vmem>>
          %dma_start3A_53 = arith.constant 0 : i32
          %dma_start3A_54 = arith.constant 0 : i32
          %dma_start3A_55 = tpu.memref_slice %arg7[%dma_start3A_53, %dma_start3A_54] : memref<40960x32xf32, #tpu.memory_space<vmem_shared>> -> memref<40960x32xf32, #tpu.memory_space<vmem_shared>>
          tpu.enqueue_indirect_dma source(%dma_start3A_49 : memref<128x32xf32, #tpu.memory_space<vmem>>) target(%dma_start3A_55 : memref<40960x32xf32, #tpu.memory_space<vmem_shared>>) offsets(%dma_start3A_52 : memref<128xi32, #tpu.memory_space<vmem>>) semaphore(%run_scoped3A_46 : memref<!tpu.dma_semaphore, #tpu.memory_space<semaphore_mem>>) {add = true}
          %dma_wait3A = arith.constant 0 : i32
          %dma_wait3A_56 = arith.constant 0 : i32
          %dma_wait3A_57 = tpu.memref_slice %arg11[%run_scoped3A, %dma_wait3A, %dma_wait3A_56] : memref<4x128x32xf32, #tpu.memory_space<vmem>> -> memref<1x128x32xf32, #tpu.memory_space<vmem>>
          %dma_wait3A_58 = tpu.memref_squeeze %dma_wait3A_57 : memref<1x128x32xf32, #tpu.memory_space<vmem>> -> memref<128x32xf32, #tpu.memory_space<vmem>>
          %dma_wait3A_59 = arith.constant 0 : i32
          %dma_wait3A_60 = tpu.memref_slice %arg9[%scan3A_42, %dma_wait3A_59] : memref<40x128xi32, #tpu.memory_space<vmem>> -> memref<1x128xi32, #tpu.memory_space<vmem>>
          %dma_wait3A_61 = tpu.memref_squeeze %dma_wait3A_60 : memref<1x128xi32, #tpu.memory_space<vmem>> -> memref<128xi32, #tpu.memory_space<vmem>>
          %dma_wait3A_62 = arith.constant 0 : i32
          %dma_wait3A_63 = arith.constant 0 : i32
          %dma_wait3A_64 = tpu.memref_slice %arg7[%dma_wait3A_62, %dma_wait3A_63] : memref<40960x32xf32, #tpu.memory_space<vmem_shared>> -> memref<40960x32xf32, #tpu.memory_space<vmem_shared>>
          tpu.wait_indirect_dma semaphore(%run_scoped3A_46 : memref<!tpu.dma_semaphore, #tpu.memory_space<semaphore_mem>>) src(%dma_wait3A_58 : memref<128x32xf32, #tpu.memory_space<vmem>>) dst(%dma_wait3A_64 : memref<40960x32xf32, #tpu.memory_space<vmem_shared>>)
          tpu.yield
        }) : () -> ()
      } else {
      }
      %scan3A_45 = arith.constant 0 : i32
      scf.yield %scan3A_45 : i32
    }
    %scan3A_32 = arith.constant 40 : i32
    %barrier3A_33 = arith.constant 0 : index
    tpu.barrier barrier_id(%barrier3A_33)
    "tpu.region"() ({
      %run_scoped3A = tpu.sem_alloc : memref<!tpu.dma_semaphore, #tpu.memory_space<semaphore_mem>>
      %dma_start3A = arith.constant 0 : i32
      %dma_start3A_42 = tpu.memref_slice %arg6[%arg0, %mul3A_10, %dma_start3A] : memref<2x40960x128xf32, #tpu.memory_space<hbm>> -> memref<1x2560x32xf32, #tpu.memory_space<hbm>>
      %dma_start3A_43 = tpu.memref_squeeze %dma_start3A_42 : memref<1x2560x32xf32, #tpu.memory_space<hbm>> -> memref<2560x32xf32, #tpu.memory_space<hbm>>
      %dma_start3A_44 = arith.constant 0 : i32
      %dma_start3A_45 = tpu.memref_slice %arg7[%mul3A_10, %dma_start3A_44] : memref<40960x32xf32, #tpu.memory_space<vmem_shared>> -> memref<2560x32xf32, #tpu.memory_space<vmem_shared>>
      tpu.enqueue_dma source(%dma_start3A_45 : memref<2560x32xf32, #tpu.memory_space<vmem_shared>>) target(%dma_start3A_43 : memref<2560x32xf32, #tpu.memory_space<hbm>>) target_semaphore(%run_scoped3A : memref<!tpu.dma_semaphore, #tpu.memory_space<semaphore_mem>>)
      %dma_wait3A = arith.constant 0 : i32
      %dma_wait3A_46 = tpu.memref_slice %arg6[%arg0, %mul3A_10, %dma_wait3A] : memref<2x40960x128xf32, #tpu.memory_space<hbm>> -> memref<1x2560x32xf32, #tpu.memory_space<hbm>>
      %dma_wait3A_47 = tpu.memref_squeeze %dma_wait3A_46 : memref<1x2560x32xf32, #tpu.memory_space<hbm>> -> memref<2560x32xf32, #tpu.memory_space<hbm>>
      %dma_wait3A_48 = arith.constant 0 : i32
      %dma_wait3A_49 = tpu.memref_slice %arg7[%mul3A_10, %dma_wait3A_48] : memref<40960x32xf32, #tpu.memory_space<vmem_shared>> -> memref<2560x32xf32, #tpu.memory_space<vmem_shared>>
      tpu.wait_dma2 semaphore(%run_scoped3A : memref<!tpu.dma_semaphore, #tpu.memory_space<semaphore_mem>>) src(%dma_wait3A_49 : memref<2560x32xf32, #tpu.memory_space<vmem_shared>>) dst(%dma_wait3A_47 : memref<2560x32xf32, #tpu.memory_space<hbm>>)
      tpu.yield
    }) : () -> ()
    %barrier3A_34 = arith.constant 0 : index
    tpu.barrier barrier_id(%barrier3A_34)
    %scan3A_35 = arith.constant 0 : i32
    %scan3A_36 = arith.constant 0 : i32
    %scan3A_37 = arith.constant 20 : i32
    %scan3A_38 = arith.addi %scan3A_36, %scan3A_37 : i32
    %scan3A_39 = arith.constant 1 : i32
    %scan3A_40 = scf.for %scan3A_42 = %scan3A_36 to %scan3A_38 step %scan3A_39 iter_args(%scan3A_43 = %scan3A_35) -> (i32)  : i32 {
      %scan3A_44 = arith.constant 0 : i32
      %scan3A_45 = arith.constant 0 : i32
      %scan3A_46 = arith.constant 20 : i32
      %scan3A_47 = arith.addi %scan3A_45, %scan3A_46 : i32
      %scan3A_48 = arith.constant 1 : i32
      %scan3A_49 = scf.for %scan3A_97 = %scan3A_45 to %scan3A_47 step %scan3A_48 iter_args(%scan3A_98 = %scan3A_44) -> (i32)  : i32 {
        %mul3A_99 = arith.constant 2560 : i32
        %mul3A_100 = arith.muli %arg1, %mul3A_99 : i32
        %mul3A_101 = arith.constant 128 : i32
        %mul3A_102 = arith.muli %scan3A_97, %mul3A_101 : i32
        %add3A_103 = arith.addi %mul3A_100, %mul3A_102 : i32
        "tpu.region"() ({
          %run_scoped3A = tpu.sem_alloc : memref<!tpu.dma_semaphore, #tpu.memory_space<semaphore_mem>>
          %dma_start3A = arith.constant 0 : i32
          %dma_start3A_105 = tpu.memref_slice %arg7[%add3A_103, %dma_start3A] : memref<40960x32xf32, #tpu.memory_space<vmem_shared>> -> memref<128x32xf32, #tpu.memory_space<vmem_shared>>
          %dma_start3A_106 = arith.constant 0 : i32
          %dma_start3A_107 = tpu.memref_slice %arg7[%add3A_103, %dma_start3A_106] : memref<40960x32xf32, #tpu.memory_space<vmem_shared>> -> memref<128x32xf32, #tpu.memory_space<vmem_shared>>
          tpu.enqueue_dma source(%arg12 : memref<128x32xf32, #tpu.memory_space<vmem>>) target(%dma_start3A_107 : memref<128x32xf32, #tpu.memory_space<vmem_shared>>) target_semaphore(%run_scoped3A : memref<!tpu.dma_semaphore, #tpu.memory_space<semaphore_mem>>)
          %dma_wait3A = arith.constant 0 : i32
          %dma_wait3A_108 = tpu.memref_slice %arg7[%add3A_103, %dma_wait3A] : memref<40960x32xf32, #tpu.memory_space<vmem_shared>> -> memref<128x32xf32, #tpu.memory_space<vmem_shared>>
          %dma_wait3A_109 = arith.constant 0 : i32
          %dma_wait3A_110 = tpu.memref_slice %arg7[%add3A_103, %dma_wait3A_109] : memref<40960x32xf32, #tpu.memory_space<vmem_shared>> -> memref<128x32xf32, #tpu.memory_space<vmem_shared>>
          tpu.wait_dma2 semaphore(%run_scoped3A : memref<!tpu.dma_semaphore, #tpu.memory_space<semaphore_mem>>) src(%arg12 : memref<128x32xf32, #tpu.memory_space<vmem>>) dst(%dma_wait3A_110 : memref<128x32xf32, #tpu.memory_space<vmem_shared>>)
          tpu.yield
        }) : () -> ()
        %scan3A_104 = arith.constant 0 : i32
        scf.yield %scan3A_104 : i32
      }
      %scan3A_50 = arith.constant 20 : i32
      %shift_right_arithmetic3A = arith.constant 2 : i32
      %shift_right_arithmetic3A_51 = arith.shrsi %scan3A_42, %shift_right_arithmetic3A : i32
      %mul3A_52 = arith.constant 40000 : i32
      %mul3A_53 = arith.muli %shift_right_arithmetic3A_51, %mul3A_52 : i32
      %and3A = arith.constant 3 : i32
      %and3A_54 = arith.andi %scan3A_42, %and3A : i32
      %add3A_55 = arith.addi %mul3A_53, %and3A_54 : i32
      %scan3A_56 = arith.constant 0 : i32
      %scan3A_57 = arith.constant 0 : i32
      %scan3A_58 = arith.constant 40 : i32
      %scan3A_59 = arith.addi %scan3A_57, %scan3A_58 : i32
      %scan3A_60 = arith.constant 1 : i32
      %scan3A_61 = scf.for %scan3A_97 = %scan3A_57 to %scan3A_59 step %scan3A_60 iter_args(%scan3A_98 = %scan3A_56) -> (i32)  : i32 {
        %get3A = arith.index_cast %scan3A_97 : i32 to index
        %get3A_99 = arith.constant 0 : index
        %get3A_100 = tpu.vector_load %arg8[%get3A, %get3A_99] {strides = array<i32>} : memref<40x128xi32, #tpu.memory_space<vmem>>, vector<1x16xi32>,
        %get3A_101 = vector.shape_cast %get3A_100 : vector<1x16xi32> to vector<16xi32>
        %mul3A_102 = arith.constant 4 : i32
        %mul3A_103 = vector.broadcast %mul3A_102 : i32 to vector<16xi32>
        %mul3A_104 = arith.muli %get3A_101, %mul3A_103 : vector<16xi32>
        %add3A_105 = vector.broadcast %add3A_55 : i32 to vector<16xi32>
        %add3A_106 = arith.addi %mul3A_104, %add3A_105 : vector<16xi32>
        %swap3A = arith.index_cast %scan3A_97 : i32 to index
        %swap3A_107 = arith.constant 0 : index
        %swap3A_108 = tpu.vector_load %arg10[%swap3A, %swap3A_107] {strides = array<i32>} : memref<40x128xi32, #tpu.memory_space<vmem>>, vector<1x16xi32>,
        %swap3A_109 = vector.shape_cast %swap3A_108 : vector<1x16xi32> to vector<16xi32>
        %swap3A_110 = vector.shape_cast %add3A_106 : vector<16xi32> to vector<1x16xi32>
        tpu.vector_store %arg10[%swap3A, %swap3A_107], %swap3A_110 {strides = array<i32>} : memref<40x128xi32, #tpu.memory_space<vmem>>, vector<1x16xi32>,
        %get3A_111 = arith.index_cast %scan3A_97 : i32 to index
        %get3A_112 = arith.constant 16 : index
        %get3A_113 = tpu.vector_load %arg8[%get3A_111, %get3A_112] {strides = array<i32>} : memref<40x128xi32, #tpu.memory_space<vmem>>, vector<1x16xi32>,
        %get3A_114 = vector.shape_cast %get3A_113 : vector<1x16xi32> to vector<16xi32>
        %mul3A_115 = arith.constant 4 : i32
        %mul3A_116 = vector.broadcast %mul3A_115 : i32 to vector<16xi32>
        %mul3A_117 = arith.muli %get3A_114, %mul3A_116 : vector<16xi32>
        %add3A_118 = vector.broadcast %add3A_55 : i32 to vector<16xi32>
        %add3A_119 = arith.addi %mul3A_117, %add3A_118 : vector<16xi32>
        %swap3A_120 = arith.index_cast %scan3A_97 : i32 to index
        %swap3A_121 = arith.constant 16 : index
        %swap3A_122 = tpu.vector_load %arg10[%swap3A_120, %swap3A_121] {strides = array<i32>} : memref<40x128xi32, #tpu.memory_space<vmem>>, vector<1x16xi32>,
        %swap3A_123 = vector.shape_cast %swap3A_122 : vector<1x16xi32> to vector<16xi32>
        %swap3A_124 = vector.shape_cast %add3A_119 : vector<16xi32> to vector<1x16xi32>
        tpu.vector_store %arg10[%swap3A_120, %swap3A_121], %swap3A_124 {strides = array<i32>} : memref<40x128xi32, #tpu.memory_space<vmem>>, vector<1x16xi32>,
        %get3A_125 = arith.index_cast %scan3A_97 : i32 to index
        %get3A_126 = arith.constant 32 : index
        %get3A_127 = tpu.vector_load %arg8[%get3A_125, %get3A_126] {strides = array<i32>} : memref<40x128xi32, #tpu.memory_space<vmem>>, vector<1x16xi32>,
        %get3A_128 = vector.shape_cast %get3A_127 : vector<1x16xi32> to vector<16xi32>
        %mul3A_129 = arith.constant 4 : i32
        %mul3A_130 = vector.broadcast %mul3A_129 : i32 to vector<16xi32>
        %mul3A_131 = arith.muli %get3A_128, %mul3A_130 : vector<16xi32>
        %add3A_132 = vector.broadcast %add3A_55 : i32 to vector<16xi32>
        %add3A_133 = arith.addi %mul3A_131, %add3A_132 : vector<16xi32>
        %swap3A_134 = arith.index_cast %scan3A_97 : i32 to index
        %swap3A_135 = arith.constant 32 : index
        %swap3A_136 = tpu.vector_load %arg10[%swap3A_134, %swap3A_135] {strides = array<i32>} : memref<40x128xi32, #tpu.memory_space<vmem>>, vector<1x16xi32>,
        %swap3A_137 = vector.shape_cast %swap3A_136 : vector<1x16xi32> to vector<16xi32>
        %swap3A_138 = vector.shape_cast %add3A_133 : vector<16xi32> to vector<1x16xi32>
        tpu.vector_store %arg10[%swap3A_134, %swap3A_135], %swap3A_138 {strides = array<i32>} : memref<40x128xi32, #tpu.memory_space<vmem>>, vector<1x16xi32>,
        %get3A_139 = arith.index_cast %scan3A_97 : i32 to index
        %get3A_140 = arith.constant 48 : index
        %get3A_141 = tpu.vector_load %arg8[%get3A_139, %get3A_140] {strides = array<i32>} : memref<40x128xi32, #tpu.memory_space<vmem>>, vector<1x16xi32>,
        %get3A_142 = vector.shape_cast %get3A_141 : vector<1x16xi32> to vector<16xi32>
        %mul3A_143 = arith.constant 4 : i32
        %mul3A_144 = vector.broadcast %mul3A_143 : i32 to vector<16xi32>
        %mul3A_145 = arith.muli %get3A_142, %mul3A_144 : vector<16xi32>
        %add3A_146 = vector.broadcast %add3A_55 : i32 to vector<16xi32>
        %add3A_147 = arith.addi %mul3A_145, %add3A_146 : vector<16xi32>
        %swap3A_148 = arith.index_cast %scan3A_97 : i32 to index
        %swap3A_149 = arith.constant 48 : index
        %swap3A_150 = tpu.vector_load %arg10[%swap3A_148, %swap3A_149] {strides = array<i32>} : memref<40x128xi32, #tpu.memory_space<vmem>>, vector<1x16xi32>,
        %swap3A_151 = vector.shape_cast %swap3A_150 : vector<1x16xi32> to vector<16xi32>
        %swap3A_152 = vector.shape_cast %add3A_147 : vector<16xi32> to vector<1x16xi32>
        tpu.vector_store %arg10[%swap3A_148, %swap3A_149], %swap3A_152 {strides = array<i32>} : memref<40x128xi32, #tpu.memory_space<vmem>>, vector<1x16xi32>,
        %get3A_153 = arith.index_cast %scan3A_97 : i32 to index
        %get3A_154 = arith.constant 64 : index
        %get3A_155 = tpu.vector_load %arg8[%get3A_153, %get3A_154] {strides = array<i32>} : memref<40x128xi32, #tpu.memory_space<vmem>>, vector<1x16xi32>,
        %get3A_156 = vector.shape_cast %get3A_155 : vector<1x16xi32> to vector<16xi32>
        %mul3A_157 = arith.constant 4 : i32
        %mul3A_158 = vector.broadcast %mul3A_157 : i32 to vector<16xi32>
        %mul3A_159 = arith.muli %get3A_156, %mul3A_158 : vector<16xi32>
        %add3A_160 = vector.broadcast %add3A_55 : i32 to vector<16xi32>
        %add3A_161 = arith.addi %mul3A_159, %add3A_160 : vector<16xi32>
        %swap3A_162 = arith.index_cast %scan3A_97 : i32 to index
        %swap3A_163 = arith.constant 64 : index
        %swap3A_164 = tpu.vector_load %arg10[%swap3A_162, %swap3A_163] {strides = array<i32>} : memref<40x128xi32, #tpu.memory_space<vmem>>, vector<1x16xi32>,
        %swap3A_165 = vector.shape_cast %swap3A_164 : vector<1x16xi32> to vector<16xi32>
        %swap3A_166 = vector.shape_cast %add3A_161 : vector<16xi32> to vector<1x16xi32>
        tpu.vector_store %arg10[%swap3A_162, %swap3A_163], %swap3A_166 {strides = array<i32>} : memref<40x128xi32, #tpu.memory_space<vmem>>, vector<1x16xi32>,
        %get3A_167 = arith.index_cast %scan3A_97 : i32 to index
        %get3A_168 = arith.constant 80 : index
        %get3A_169 = tpu.vector_load %arg8[%get3A_167, %get3A_168] {strides = array<i32>} : memref<40x128xi32, #tpu.memory_space<vmem>>, vector<1x16xi32>,
        %get3A_170 = vector.shape_cast %get3A_169 : vector<1x16xi32> to vector<16xi32>
        %mul3A_171 = arith.constant 4 : i32
        %mul3A_172 = vector.broadcast %mul3A_171 : i32 to vector<16xi32>
        %mul3A_173 = arith.muli %get3A_170, %mul3A_172 : vector<16xi32>
        %add3A_174 = vector.broadcast %add3A_55 : i32 to vector<16xi32>
        %add3A_175 = arith.addi %mul3A_173, %add3A_174 : vector<16xi32>
        %swap3A_176 = arith.index_cast %scan3A_97 : i32 to index
        %swap3A_177 = arith.constant 80 : index
        %swap3A_178 = tpu.vector_load %arg10[%swap3A_176, %swap3A_177] {strides = array<i32>} : memref<40x128xi32, #tpu.memory_space<vmem>>, vector<1x16xi32>,
        %swap3A_179 = vector.shape_cast %swap3A_178 : vector<1x16xi32> to vector<16xi32>
        %swap3A_180 = vector.shape_cast %add3A_175 : vector<16xi32> to vector<1x16xi32>
        tpu.vector_store %arg10[%swap3A_176, %swap3A_177], %swap3A_180 {strides = array<i32>} : memref<40x128xi32, #tpu.memory_space<vmem>>, vector<1x16xi32>,
        %get3A_181 = arith.index_cast %scan3A_97 : i32 to index
        %get3A_182 = arith.constant 96 : index
        %get3A_183 = tpu.vector_load %arg8[%get3A_181, %get3A_182] {strides = array<i32>} : memref<40x128xi32, #tpu.memory_space<vmem>>, vector<1x16xi32>,
        %get3A_184 = vector.shape_cast %get3A_183 : vector<1x16xi32> to vector<16xi32>
        %mul3A_185 = arith.constant 4 : i32
        %mul3A_186 = vector.broadcast %mul3A_185 : i32 to vector<16xi32>
        %mul3A_187 = arith.muli %get3A_184, %mul3A_186 : vector<16xi32>
        %add3A_188 = vector.broadcast %add3A_55 : i32 to vector<16xi32>
        %add3A_189 = arith.addi %mul3A_187, %add3A_188 : vector<16xi32>
        %swap3A_190 = arith.index_cast %scan3A_97 : i32 to index
        %swap3A_191 = arith.constant 96 : index
        %swap3A_192 = tpu.vector_load %arg10[%swap3A_190, %swap3A_191] {strides = array<i32>} : memref<40x128xi32, #tpu.memory_space<vmem>>, vector<1x16xi32>,
        %swap3A_193 = vector.shape_cast %swap3A_192 : vector<1x16xi32> to vector<16xi32>
        %swap3A_194 = vector.shape_cast %add3A_189 : vector<16xi32> to vector<1x16xi32>
        tpu.vector_store %arg10[%swap3A_190, %swap3A_191], %swap3A_194 {strides = array<i32>} : memref<40x128xi32, #tpu.memory_space<vmem>>, vector<1x16xi32>,
        %get3A_195 = arith.index_cast %scan3A_97 : i32 to index
        %get3A_196 = arith.constant 112 : index
        %get3A_197 = tpu.vector_load %arg8[%get3A_195, %get3A_196] {strides = array<i32>} : memref<40x128xi32, #tpu.memory_space<vmem>>, vector<1x16xi32>,
        %get3A_198 = vector.shape_cast %get3A_197 : vector<1x16xi32> to vector<16xi32>
        %mul3A_199 = arith.constant 4 : i32
        %mul3A_200 = vector.broadcast %mul3A_199 : i32 to vector<16xi32>
        %mul3A_201 = arith.muli %get3A_198, %mul3A_200 : vector<16xi32>
        %add3A_202 = vector.broadcast %add3A_55 : i32 to vector<16xi32>
        %add3A_203 = arith.addi %mul3A_201, %add3A_202 : vector<16xi32>
        %swap3A_204 = arith.index_cast %scan3A_97 : i32 to index
        %swap3A_205 = arith.constant 112 : index
        %swap3A_206 = tpu.vector_load %arg10[%swap3A_204, %swap3A_205] {strides = array<i32>} : memref<40x128xi32, #tpu.memory_space<vmem>>, vector<1x16xi32>,
        %swap3A_207 = vector.shape_cast %swap3A_206 : vector<1x16xi32> to vector<16xi32>
        %swap3A_208 = vector.shape_cast %add3A_203 : vector<16xi32> to vector<1x16xi32>
        tpu.vector_store %arg10[%swap3A_204, %swap3A_205], %swap3A_208 {strides = array<i32>} : memref<40x128xi32, #tpu.memory_space<vmem>>, vector<1x16xi32>,
        %scan3A_209 = arith.constant 0 : i32
        scf.yield %scan3A_209 : i32
      }
      %scan3A_62 = arith.constant 40 : i32
      %barrier3A_63 = arith.constant 0 : index
      tpu.barrier barrier_id(%barrier3A_63)
      %gt3A = arith.constant 0 : i32
      %gt3A_64 = arith.cmpi sgt, %select_n3A, %gt3A : i32
      %convert_element_type3A = arith.extui %gt3A_64 : i1 to i32
      %cond3A = arith.constant 0 : i32
      %cond3A_65 = arith.cmpi ne, %convert_element_type3A, %cond3A : i32
      scf.if %cond3A_65 {
        %dma_start3A = arith.constant 0 : i32
        %dma_start3A_97 = arith.constant 0 : i32
        %dma_start3A_98 = arith.constant 0 : i32
        %dma_start3A_99 = arith.constant 0 : i32
        %dma_start3A_100 = tpu.memref_slice %arg11[%dma_start3A_97, %dma_start3A_98, %dma_start3A_99] : memref<4x128x32xf32, #tpu.memory_space<vmem>> -> memref<1x128x32xf32, #tpu.memory_space<vmem>>
        %dma_start3A_101 = tpu.memref_squeeze %dma_start3A_100 : memref<1x128x32xf32, #tpu.memory_space<vmem>> -> memref<128x32xf32, #tpu.memory_space<vmem>>
        %dma_start3A_102 = arith.constant 0 : i32
        %dma_start3A_103 = tpu.memref_slice %arg10[%dma_start3A, %dma_start3A_102] : memref<40x128xi32, #tpu.memory_space<vmem>> -> memref<1x128xi32, #tpu.memory_space<vmem>>
        %dma_start3A_104 = tpu.memref_squeeze %dma_start3A_103 : memref<1x128xi32, #tpu.memory_space<vmem>> -> memref<128xi32, #tpu.memory_space<vmem>>
        %dma_start3A_105 = arith.constant 0 : i32
        %dma_start3A_106 = arith.constant 0 : i32
        %dma_start3A_107 = tpu.memref_slice %arg2[%dma_start3A_105, %dma_start3A_106] : memref<200000x32xf32, #tpu.memory_space<hbm>> -> memref<200000x32xf32, #tpu.memory_space<hbm>>
        tpu.enqueue_indirect_dma source(%dma_start3A_107 : memref<200000x32xf32, #tpu.memory_space<hbm>>) target(%dma_start3A_101 : memref<128x32xf32, #tpu.memory_space<vmem>>) offsets(%dma_start3A_104 : memref<128xi32, #tpu.memory_space<vmem>>) semaphore(%arg13 : memref<!tpu.dma_semaphore, #tpu.memory_space<semaphore_mem>>)
      } else {
      }
      %gt3A_66 = arith.constant 1 : i32
      %gt3A_67 = arith.cmpi sgt, %select_n3A, %gt3A_66 : i32
      %convert_element_type3A_68 = arith.extui %gt3A_67 : i1 to i32
      %cond3A_69 = arith.constant 0 : i32
      %cond3A_70 = arith.cmpi ne, %convert_element_type3A_68, %cond3A_69 : i32
      scf.if %cond3A_70 {
        %dma_start3A = arith.constant 1 : i32
        %dma_start3A_97 = arith.constant 1 : i32
        %dma_start3A_98 = arith.constant 0 : i32
        %dma_start3A_99 = arith.constant 0 : i32
        %dma_start3A_100 = tpu.memref_slice %arg11[%dma_start3A_97, %dma_start3A_98, %dma_start3A_99] : memref<4x128x32xf32, #tpu.memory_space<vmem>> -> memref<1x128x32xf32, #tpu.memory_space<vmem>>
        %dma_start3A_101 = tpu.memref_squeeze %dma_start3A_100 : memref<1x128x32xf32, #tpu.memory_space<vmem>> -> memref<128x32xf32, #tpu.memory_space<vmem>>
        %dma_start3A_102 = arith.constant 0 : i32
        %dma_start3A_103 = tpu.memref_slice %arg10[%dma_start3A, %dma_start3A_102] : memref<40x128xi32, #tpu.memory_space<vmem>> -> memref<1x128xi32, #tpu.memory_space<vmem>>
        %dma_start3A_104 = tpu.memref_squeeze %dma_start3A_103 : memref<1x128xi32, #tpu.memory_space<vmem>> -> memref<128xi32, #tpu.memory_space<vmem>>
        %dma_start3A_105 = arith.constant 0 : i32
        %dma_start3A_106 = arith.constant 0 : i32
        %dma_start3A_107 = tpu.memref_slice %arg2[%dma_start3A_105, %dma_start3A_106] : memref<200000x32xf32, #tpu.memory_space<hbm>> -> memref<200000x32xf32, #tpu.memory_space<hbm>>
        tpu.enqueue_indirect_dma source(%dma_start3A_107 : memref<200000x32xf32, #tpu.memory_space<hbm>>) target(%dma_start3A_101 : memref<128x32xf32, #tpu.memory_space<vmem>>) offsets(%dma_start3A_104 : memref<128xi32, #tpu.memory_space<vmem>>) semaphore(%arg14 : memref<!tpu.dma_semaphore, #tpu.memory_space<semaphore_mem>>)
      } else {
      }
      %gt3A_71 = arith.constant 2 : i32
      %gt3A_72 = arith.cmpi sgt, %select_n3A, %gt3A_71 : i32
      %convert_element_type3A_73 = arith.extui %gt3A_72 : i1 to i32
      %cond3A_74 = arith.constant 0 : i32
      %cond3A_75 = arith.cmpi ne, %convert_element_type3A_73, %cond3A_74 : i32
      scf.if %cond3A_75 {
        %dma_start3A = arith.constant 2 : i32
        %dma_start3A_97 = arith.constant 2 : i32
        %dma_start3A_98 = arith.constant 0 : i32
        %dma_start3A_99 = arith.constant 0 : i32
        %dma_start3A_100 = tpu.memref_slice %arg11[%dma_start3A_97, %dma_start3A_98, %dma_start3A_99] : memref<4x128x32xf32, #tpu.memory_space<vmem>> -> memref<1x128x32xf32, #tpu.memory_space<vmem>>
        %dma_start3A_101 = tpu.memref_squeeze %dma_start3A_100 : memref<1x128x32xf32, #tpu.memory_space<vmem>> -> memref<128x32xf32, #tpu.memory_space<vmem>>
        %dma_start3A_102 = arith.constant 0 : i32
        %dma_start3A_103 = tpu.memref_slice %arg10[%dma_start3A, %dma_start3A_102] : memref<40x128xi32, #tpu.memory_space<vmem>> -> memref<1x128xi32, #tpu.memory_space<vmem>>
        %dma_start3A_104 = tpu.memref_squeeze %dma_start3A_103 : memref<1x128xi32, #tpu.memory_space<vmem>> -> memref<128xi32, #tpu.memory_space<vmem>>
        %dma_start3A_105 = arith.constant 0 : i32
        %dma_start3A_106 = arith.constant 0 : i32
        %dma_start3A_107 = tpu.memref_slice %arg2[%dma_start3A_105, %dma_start3A_106] : memref<200000x32xf32, #tpu.memory_space<hbm>> -> memref<200000x32xf32, #tpu.memory_space<hbm>>
        tpu.enqueue_indirect_dma source(%dma_start3A_107 : memref<200000x32xf32, #tpu.memory_space<hbm>>) target(%dma_start3A_101 : memref<128x32xf32, #tpu.memory_space<vmem>>) offsets(%dma_start3A_104 : memref<128xi32, #tpu.memory_space<vmem>>) semaphore(%arg15 : memref<!tpu.dma_semaphore, #tpu.memory_space<semaphore_mem>>)
      } else {
      }
      %gt3A_76 = arith.constant 3 : i32
      %gt3A_77 = arith.cmpi sgt, %select_n3A, %gt3A_76 : i32
      %convert_element_type3A_78 = arith.extui %gt3A_77 : i1 to i32
      %cond3A_79 = arith.constant 0 : i32
      %cond3A_80 = arith.cmpi ne, %convert_element_type3A_78, %cond3A_79 : i32
      scf.if %cond3A_80 {
        %dma_start3A = arith.constant 3 : i32
        %dma_start3A_97 = arith.constant 3 : i32
        %dma_start3A_98 = arith.constant 0 : i32
        %dma_start3A_99 = arith.constant 0 : i32
        %dma_start3A_100 = tpu.memref_slice %arg11[%dma_start3A_97, %dma_start3A_98, %dma_start3A_99] : memref<4x128x32xf32, #tpu.memory_space<vmem>> -> memref<1x128x32xf32, #tpu.memory_space<vmem>>
        %dma_start3A_101 = tpu.memref_squeeze %dma_start3A_100 : memref<1x128x32xf32, #tpu.memory_space<vmem>> -> memref<128x32xf32, #tpu.memory_space<vmem>>
        %dma_start3A_102 = arith.constant 0 : i32
        %dma_start3A_103 = tpu.memref_slice %arg10[%dma_start3A, %dma_start3A_102] : memref<40x128xi32, #tpu.memory_space<vmem>> -> memref<1x128xi32, #tpu.memory_space<vmem>>
        %dma_start3A_104 = tpu.memref_squeeze %dma_start3A_103 : memref<1x128xi32, #tpu.memory_space<vmem>> -> memref<128xi32, #tpu.memory_space<vmem>>
        %dma_start3A_105 = arith.constant 0 : i32
        %dma_start3A_106 = arith.constant 0 : i32
        %dma_start3A_107 = tpu.memref_slice %arg2[%dma_start3A_105, %dma_start3A_106] : memref<200000x32xf32, #tpu.memory_space<hbm>> -> memref<200000x32xf32, #tpu.memory_space<hbm>>
        tpu.enqueue_indirect_dma source(%dma_start3A_107 : memref<200000x32xf32, #tpu.memory_space<hbm>>) target(%dma_start3A_101 : memref<128x32xf32, #tpu.memory_space<vmem>>) offsets(%dma_start3A_104 : memref<128xi32, #tpu.memory_space<vmem>>) semaphore(%arg16 : memref<!tpu.dma_semaphore, #tpu.memory_space<semaphore_mem>>)
      } else {
      }
      %scan3A_81 = arith.constant 0 : i32
      %scan3A_82 = arith.constant 0 : i32
      %scan3A_83 = arith.constant 10 : i32
      %scan3A_84 = arith.addi %scan3A_82, %scan3A_83 : i32
      %scan3A_85 = arith.constant 1 : i32
      %scan3A_86 = scf.for %scan3A_97 = %scan3A_82 to %scan3A_84 step %scan3A_85 iter_args(%scan3A_98 = %scan3A_81) -> (i32)  : i32 {
        %mul3A_99 = arith.constant 4 : i32
        %mul3A_100 = arith.muli %scan3A_97, %mul3A_99 : i32
        %add3A_101 = arith.constant 0 : i32
        %add3A_102 = arith.addi %mul3A_100, %add3A_101 : i32
        %lt3A = arith.cmpi slt, %add3A_102, %select_n3A : i32
        %convert_element_type3A_103 = arith.extui %lt3A : i1 to i32
        %cond3A_104 = arith.constant 0 : i32
        %cond3A_105 = arith.cmpi ne, %convert_element_type3A_103, %cond3A_104 : i32
        scf.if %cond3A_105 {
          %dma_wait3A = arith.constant 0 : i32
          %dma_wait3A_155 = arith.constant 0 : i32
          %dma_wait3A_156 = arith.constant 0 : i32
          %dma_wait3A_157 = arith.constant 0 : i32
          %dma_wait3A_158 = tpu.memref_slice %arg11[%dma_wait3A_155, %dma_wait3A_156, %dma_wait3A_157] : memref<4x128x32xf32, #tpu.memory_space<vmem>> -> memref<1x128x32xf32, #tpu.memory_space<vmem>>
          %dma_wait3A_159 = tpu.memref_squeeze %dma_wait3A_158 : memref<1x128x32xf32, #tpu.memory_space<vmem>> -> memref<128x32xf32, #tpu.memory_space<vmem>>
          %dma_wait3A_160 = arith.constant 0 : i32
          %dma_wait3A_161 = tpu.memref_slice %arg10[%dma_wait3A, %dma_wait3A_160] : memref<40x128xi32, #tpu.memory_space<vmem>> -> memref<1x128xi32, #tpu.memory_space<vmem>>
          %dma_wait3A_162 = tpu.memref_squeeze %dma_wait3A_161 : memref<1x128xi32, #tpu.memory_space<vmem>> -> memref<128xi32, #tpu.memory_space<vmem>>
          %dma_wait3A_163 = arith.constant 0 : i32
          %dma_wait3A_164 = arith.constant 0 : i32
          %dma_wait3A_165 = tpu.memref_slice %arg2[%dma_wait3A_163, %dma_wait3A_164] : memref<200000x32xf32, #tpu.memory_space<hbm>> -> memref<200000x32xf32, #tpu.memory_space<hbm>>
          tpu.wait_indirect_dma semaphore(%arg13 : memref<!tpu.dma_semaphore, #tpu.memory_space<semaphore_mem>>) src(%dma_wait3A_165 : memref<200000x32xf32, #tpu.memory_space<hbm>>) dst(%dma_wait3A_159 : memref<128x32xf32, #tpu.memory_space<vmem>>)
          %dma_start3A = arith.constant 0 : i32
          %dma_start3A_166 = arith.constant 0 : i32
          %dma_start3A_167 = arith.constant 0 : i32
          %dma_start3A_168 = tpu.memref_slice %arg11[%dma_start3A, %dma_start3A_166, %dma_start3A_167] : memref<4x128x32xf32, #tpu.memory_space<vmem>> -> memref<1x128x32xf32, #tpu.memory_space<vmem>>
          %dma_start3A_169 = tpu.memref_squeeze %dma_start3A_168 : memref<1x128x32xf32, #tpu.memory_space<vmem>> -> memref<128x32xf32, #tpu.memory_space<vmem>>
          %dma_start3A_170 = arith.constant 0 : i32
          %dma_start3A_171 = tpu.memref_slice %arg9[%add3A_102, %dma_start3A_170] : memref<40x128xi32, #tpu.memory_space<vmem>> -> memref<1x128xi32, #tpu.memory_space<vmem>>
          %dma_start3A_172 = tpu.memref_squeeze %dma_start3A_171 : memref<1x128xi32, #tpu.memory_space<vmem>> -> memref<128xi32, #tpu.memory_space<vmem>>
          %dma_start3A_173 = arith.constant 0 : i32
          %dma_start3A_174 = arith.constant 0 : i32
          %dma_start3A_175 = tpu.memref_slice %arg7[%dma_start3A_173, %dma_start3A_174] : memref<40960x32xf32, #tpu.memory_space<vmem_shared>> -> memref<40960x32xf32, #tpu.memory_space<vmem_shared>>
          tpu.enqueue_indirect_dma source(%dma_start3A_169 : memref<128x32xf32, #tpu.memory_space<vmem>>) target(%dma_start3A_175 : memref<40960x32xf32, #tpu.memory_space<vmem_shared>>) offsets(%dma_start3A_172 : memref<128xi32, #tpu.memory_space<vmem>>) semaphore(%arg17 : memref<!tpu.dma_semaphore, #tpu.memory_space<semaphore_mem>>) {add = true}
          %dma_wait3A_176 = arith.constant 0 : i32
          %dma_wait3A_177 = arith.constant 0 : i32
          %dma_wait3A_178 = arith.constant 0 : i32
          %dma_wait3A_179 = tpu.memref_slice %arg11[%dma_wait3A_176, %dma_wait3A_177, %dma_wait3A_178] : memref<4x128x32xf32, #tpu.memory_space<vmem>> -> memref<1x128x32xf32, #tpu.memory_space<vmem>>
          %dma_wait3A_180 = tpu.memref_squeeze %dma_wait3A_179 : memref<1x128x32xf32, #tpu.memory_space<vmem>> -> memref<128x32xf32, #tpu.memory_space<vmem>>
          %dma_wait3A_181 = arith.constant 0 : i32
          %dma_wait3A_182 = tpu.memref_slice %arg9[%add3A_102, %dma_wait3A_181] : memref<40x128xi32, #tpu.memory_space<vmem>> -> memref<1x128xi32, #tpu.memory_space<vmem>>
          %dma_wait3A_183 = tpu.memref_squeeze %dma_wait3A_182 : memref<1x128xi32, #tpu.memory_space<vmem>> -> memref<128xi32, #tpu.memory_space<vmem>>
          %dma_wait3A_184 = arith.constant 0 : i32
          %dma_wait3A_185 = arith.constant 0 : i32
          %dma_wait3A_186 = tpu.memref_slice %arg7[%dma_wait3A_184, %dma_wait3A_185] : memref<40960x32xf32, #tpu.memory_space<vmem_shared>> -> memref<40960x32xf32, #tpu.memory_space<vmem_shared>>
          tpu.wait_indirect_dma semaphore(%arg17 : memref<!tpu.dma_semaphore, #tpu.memory_space<semaphore_mem>>) src(%dma_wait3A_180 : memref<128x32xf32, #tpu.memory_space<vmem>>) dst(%dma_wait3A_186 : memref<40960x32xf32, #tpu.memory_space<vmem_shared>>)
        } else {
        }
        %add3A_106 = arith.constant 4 : i32
        %add3A_107 = arith.addi %add3A_102, %add3A_106 : i32
        %lt3A_108 = arith.cmpi slt, %add3A_107, %select_n3A : i32
        %convert_element_type3A_109 = arith.extui %lt3A_108 : i1 to i32
        %cond3A_110 = arith.constant 0 : i32
        %cond3A_111 = arith.cmpi ne, %convert_element_type3A_109, %cond3A_110 : i32
        scf.if %cond3A_111 {
          %add3A_155 = arith.constant 4 : i32
          %add3A_156 = arith.addi %add3A_102, %add3A_155 : i32
          %dma_start3A = arith.constant 0 : i32
          %dma_start3A_157 = arith.constant 0 : i32
          %dma_start3A_158 = arith.constant 0 : i32
          %dma_start3A_159 = tpu.memref_slice %arg11[%dma_start3A, %dma_start3A_157, %dma_start3A_158] : memref<4x128x32xf32, #tpu.memory_space<vmem>> -> memref<1x128x32xf32, #tpu.memory_space<vmem>>
          %dma_start3A_160 = tpu.memref_squeeze %dma_start3A_159 : memref<1x128x32xf32, #tpu.memory_space<vmem>> -> memref<128x32xf32, #tpu.memory_space<vmem>>
          %dma_start3A_161 = arith.constant 0 : i32
          %dma_start3A_162 = tpu.memref_slice %arg10[%add3A_156, %dma_start3A_161] : memref<40x128xi32, #tpu.memory_space<vmem>> -> memref<1x128xi32, #tpu.memory_space<vmem>>
          %dma_start3A_163 = tpu.memref_squeeze %dma_start3A_162 : memref<1x128xi32, #tpu.memory_space<vmem>> -> memref<128xi32, #tpu.memory_space<vmem>>
          %dma_start3A_164 = arith.constant 0 : i32
          %dma_start3A_165 = arith.constant 0 : i32
          %dma_start3A_166 = tpu.memref_slice %arg2[%dma_start3A_164, %dma_start3A_165] : memref<200000x32xf32, #tpu.memory_space<hbm>> -> memref<200000x32xf32, #tpu.memory_space<hbm>>
          tpu.enqueue_indirect_dma source(%dma_start3A_166 : memref<200000x32xf32, #tpu.memory_space<hbm>>) target(%dma_start3A_160 : memref<128x32xf32, #tpu.memory_space<vmem>>) offsets(%dma_start3A_163 : memref<128xi32, #tpu.memory_space<vmem>>) semaphore(%arg13 : memref<!tpu.dma_semaphore, #tpu.memory_space<semaphore_mem>>)
        } else {
        }
        %mul3A_112 = arith.constant 4 : i32
        %mul3A_113 = arith.muli %scan3A_97, %mul3A_112 : i32
        %add3A_114 = arith.constant 1 : i32
        %add3A_115 = arith.addi %mul3A_113, %add3A_114 : i32
        %lt3A_116 = arith.cmpi slt, %add3A_115, %select_n3A : i32
        %convert_element_type3A_117 = arith.extui %lt3A_116 : i1 to i32
        %cond3A_118 = arith.constant 0 : i32
        %cond3A_119 = arith.cmpi ne, %convert_element_type3A_117, %cond3A_118 : i32
        scf.if %cond3A_119 {
          %dma_wait3A = arith.constant 1 : i32
          %dma_wait3A_155 = arith.constant 1 : i32
          %dma_wait3A_156 = arith.constant 0 : i32
          %dma_wait3A_157 = arith.constant 0 : i32
          %dma_wait3A_158 = tpu.memref_slice %arg11[%dma_wait3A_155, %dma_wait3A_156, %dma_wait3A_157] : memref<4x128x32xf32, #tpu.memory_space<vmem>> -> memref<1x128x32xf32, #tpu.memory_space<vmem>>
          %dma_wait3A_159 = tpu.memref_squeeze %dma_wait3A_158 : memref<1x128x32xf32, #tpu.memory_space<vmem>> -> memref<128x32xf32, #tpu.memory_space<vmem>>
          %dma_wait3A_160 = arith.constant 0 : i32
          %dma_wait3A_161 = tpu.memref_slice %arg10[%dma_wait3A, %dma_wait3A_160] : memref<40x128xi32, #tpu.memory_space<vmem>> -> memref<1x128xi32, #tpu.memory_space<vmem>>
          %dma_wait3A_162 = tpu.memref_squeeze %dma_wait3A_161 : memref<1x128xi32, #tpu.memory_space<vmem>> -> memref<128xi32, #tpu.memory_space<vmem>>
          %dma_wait3A_163 = arith.constant 0 : i32
          %dma_wait3A_164 = arith.constant 0 : i32
          %dma_wait3A_165 = tpu.memref_slice %arg2[%dma_wait3A_163, %dma_wait3A_164] : memref<200000x32xf32, #tpu.memory_space<hbm>> -> memref<200000x32xf32, #tpu.memory_space<hbm>>
          tpu.wait_indirect_dma semaphore(%arg14 : memref<!tpu.dma_semaphore, #tpu.memory_space<semaphore_mem>>) src(%dma_wait3A_165 : memref<200000x32xf32, #tpu.memory_space<hbm>>) dst(%dma_wait3A_159 : memref<128x32xf32, #tpu.memory_space<vmem>>)
          %dma_start3A = arith.constant 1 : i32
          %dma_start3A_166 = arith.constant 0 : i32
          %dma_start3A_167 = arith.constant 0 : i32
          %dma_start3A_168 = tpu.memref_slice %arg11[%dma_start3A, %dma_start3A_166, %dma_start3A_167] : memref<4x128x32xf32, #tpu.memory_space<vmem>> -> memref<1x128x32xf32, #tpu.memory_space<vmem>>
          %dma_start3A_169 = tpu.memref_squeeze %dma_start3A_168 : memref<1x128x32xf32, #tpu.memory_space<vmem>> -> memref<128x32xf32, #tpu.memory_space<vmem>>
          %dma_start3A_170 = arith.constant 0 : i32
          %dma_start3A_171 = tpu.memref_slice %arg9[%add3A_115, %dma_start3A_170] : memref<40x128xi32, #tpu.memory_space<vmem>> -> memref<1x128xi32, #tpu.memory_space<vmem>>
          %dma_start3A_172 = tpu.memref_squeeze %dma_start3A_171 : memref<1x128xi32, #tpu.memory_space<vmem>> -> memref<128xi32, #tpu.memory_space<vmem>>
          %dma_start3A_173 = arith.constant 0 : i32
          %dma_start3A_174 = arith.constant 0 : i32
          %dma_start3A_175 = tpu.memref_slice %arg7[%dma_start3A_173, %dma_start3A_174] : memref<40960x32xf32, #tpu.memory_space<vmem_shared>> -> memref<40960x32xf32, #tpu.memory_space<vmem_shared>>
          tpu.enqueue_indirect_dma source(%dma_start3A_169 : memref<128x32xf32, #tpu.memory_space<vmem>>) target(%dma_start3A_175 : memref<40960x32xf32, #tpu.memory_space<vmem_shared>>) offsets(%dma_start3A_172 : memref<128xi32, #tpu.memory_space<vmem>>) semaphore(%arg18 : memref<!tpu.dma_semaphore, #tpu.memory_space<semaphore_mem>>) {add = true}
          %dma_wait3A_176 = arith.constant 1 : i32
          %dma_wait3A_177 = arith.constant 0 : i32
          %dma_wait3A_178 = arith.constant 0 : i32
          %dma_wait3A_179 = tpu.memref_slice %arg11[%dma_wait3A_176, %dma_wait3A_177, %dma_wait3A_178] : memref<4x128x32xf32, #tpu.memory_space<vmem>> -> memref<1x128x32xf32, #tpu.memory_space<vmem>>
          %dma_wait3A_180 = tpu.memref_squeeze %dma_wait3A_179 : memref<1x128x32xf32, #tpu.memory_space<vmem>> -> memref<128x32xf32, #tpu.memory_space<vmem>>
          %dma_wait3A_181 = arith.constant 0 : i32
          %dma_wait3A_182 = tpu.memref_slice %arg9[%add3A_115, %dma_wait3A_181] : memref<40x128xi32, #tpu.memory_space<vmem>> -> memref<1x128xi32, #tpu.memory_space<vmem>>
          %dma_wait3A_183 = tpu.memref_squeeze %dma_wait3A_182 : memref<1x128xi32, #tpu.memory_space<vmem>> -> memref<128xi32, #tpu.memory_space<vmem>>
          %dma_wait3A_184 = arith.constant 0 : i32
          %dma_wait3A_185 = arith.constant 0 : i32
          %dma_wait3A_186 = tpu.memref_slice %arg7[%dma_wait3A_184, %dma_wait3A_185] : memref<40960x32xf32, #tpu.memory_space<vmem_shared>> -> memref<40960x32xf32, #tpu.memory_space<vmem_shared>>
          tpu.wait_indirect_dma semaphore(%arg18 : memref<!tpu.dma_semaphore, #tpu.memory_space<semaphore_mem>>) src(%dma_wait3A_180 : memref<128x32xf32, #tpu.memory_space<vmem>>) dst(%dma_wait3A_186 : memref<40960x32xf32, #tpu.memory_space<vmem_shared>>)
        } else {
        }
        %add3A_120 = arith.constant 4 : i32
        %add3A_121 = arith.addi %add3A_115, %add3A_120 : i32
        %lt3A_122 = arith.cmpi slt, %add3A_121, %select_n3A : i32
        %convert_element_type3A_123 = arith.extui %lt3A_122 : i1 to i32
        %cond3A_124 = arith.constant 0 : i32
        %cond3A_125 = arith.cmpi ne, %convert_element_type3A_123, %cond3A_124 : i32
        scf.if %cond3A_125 {
          %add3A_155 = arith.constant 4 : i32
          %add3A_156 = arith.addi %add3A_115, %add3A_155 : i32
          %dma_start3A = arith.constant 1 : i32
          %dma_start3A_157 = arith.constant 0 : i32
          %dma_start3A_158 = arith.constant 0 : i32
          %dma_start3A_159 = tpu.memref_slice %arg11[%dma_start3A, %dma_start3A_157, %dma_start3A_158] : memref<4x128x32xf32, #tpu.memory_space<vmem>> -> memref<1x128x32xf32, #tpu.memory_space<vmem>>
          %dma_start3A_160 = tpu.memref_squeeze %dma_start3A_159 : memref<1x128x32xf32, #tpu.memory_space<vmem>> -> memref<128x32xf32, #tpu.memory_space<vmem>>
          %dma_start3A_161 = arith.constant 0 : i32
          %dma_start3A_162 = tpu.memref_slice %arg10[%add3A_156, %dma_start3A_161] : memref<40x128xi32, #tpu.memory_space<vmem>> -> memref<1x128xi32, #tpu.memory_space<vmem>>
          %dma_start3A_163 = tpu.memref_squeeze %dma_start3A_162 : memref<1x128xi32, #tpu.memory_space<vmem>> -> memref<128xi32, #tpu.memory_space<vmem>>
          %dma_start3A_164 = arith.constant 0 : i32
          %dma_start3A_165 = arith.constant 0 : i32
          %dma_start3A_166 = tpu.memref_slice %arg2[%dma_start3A_164, %dma_start3A_165] : memref<200000x32xf32, #tpu.memory_space<hbm>> -> memref<200000x32xf32, #tpu.memory_space<hbm>>
          tpu.enqueue_indirect_dma source(%dma_start3A_166 : memref<200000x32xf32, #tpu.memory_space<hbm>>) target(%dma_start3A_160 : memref<128x32xf32, #tpu.memory_space<vmem>>) offsets(%dma_start3A_163 : memref<128xi32, #tpu.memory_space<vmem>>) semaphore(%arg14 : memref<!tpu.dma_semaphore, #tpu.memory_space<semaphore_mem>>)
        } else {
        }
        %mul3A_126 = arith.constant 4 : i32
        %mul3A_127 = arith.muli %scan3A_97, %mul3A_126 : i32
        %add3A_128 = arith.constant 2 : i32
        %add3A_129 = arith.addi %mul3A_127, %add3A_128 : i32
        %lt3A_130 = arith.cmpi slt, %add3A_129, %select_n3A : i32
        %convert_element_type3A_131 = arith.extui %lt3A_130 : i1 to i32
        %cond3A_132 = arith.constant 0 : i32
        %cond3A_133 = arith.cmpi ne, %convert_element_type3A_131, %cond3A_132 : i32
        scf.if %cond3A_133 {
          %dma_wait3A = arith.constant 2 : i32
          %dma_wait3A_155 = arith.constant 2 : i32
          %dma_wait3A_156 = arith.constant 0 : i32
          %dma_wait3A_157 = arith.constant 0 : i32
          %dma_wait3A_158 = tpu.memref_slice %arg11[%dma_wait3A_155, %dma_wait3A_156, %dma_wait3A_157] : memref<4x128x32xf32, #tpu.memory_space<vmem>> -> memref<1x128x32xf32, #tpu.memory_space<vmem>>
          %dma_wait3A_159 = tpu.memref_squeeze %dma_wait3A_158 : memref<1x128x32xf32, #tpu.memory_space<vmem>> -> memref<128x32xf32, #tpu.memory_space<vmem>>
          %dma_wait3A_160 = arith.constant 0 : i32
          %dma_wait3A_161 = tpu.memref_slice %arg10[%dma_wait3A, %dma_wait3A_160] : memref<40x128xi32, #tpu.memory_space<vmem>> -> memref<1x128xi32, #tpu.memory_space<vmem>>
          %dma_wait3A_162 = tpu.memref_squeeze %dma_wait3A_161 : memref<1x128xi32, #tpu.memory_space<vmem>> -> memref<128xi32, #tpu.memory_space<vmem>>
          %dma_wait3A_163 = arith.constant 0 : i32
          %dma_wait3A_164 = arith.constant 0 : i32
          %dma_wait3A_165 = tpu.memref_slice %arg2[%dma_wait3A_163, %dma_wait3A_164] : memref<200000x32xf32, #tpu.memory_space<hbm>> -> memref<200000x32xf32, #tpu.memory_space<hbm>>
          tpu.wait_indirect_dma semaphore(%arg15 : memref<!tpu.dma_semaphore, #tpu.memory_space<semaphore_mem>>) src(%dma_wait3A_165 : memref<200000x32xf32, #tpu.memory_space<hbm>>) dst(%dma_wait3A_159 : memref<128x32xf32, #tpu.memory_space<vmem>>)
          %dma_start3A = arith.constant 2 : i32
          %dma_start3A_166 = arith.constant 0 : i32
          %dma_start3A_167 = arith.constant 0 : i32
          %dma_start3A_168 = tpu.memref_slice %arg11[%dma_start3A, %dma_start3A_166, %dma_start3A_167] : memref<4x128x32xf32, #tpu.memory_space<vmem>> -> memref<1x128x32xf32, #tpu.memory_space<vmem>>
          %dma_start3A_169 = tpu.memref_squeeze %dma_start3A_168 : memref<1x128x32xf32, #tpu.memory_space<vmem>> -> memref<128x32xf32, #tpu.memory_space<vmem>>
          %dma_start3A_170 = arith.constant 0 : i32
          %dma_start3A_171 = tpu.memref_slice %arg9[%add3A_129, %dma_start3A_170] : memref<40x128xi32, #tpu.memory_space<vmem>> -> memref<1x128xi32, #tpu.memory_space<vmem>>
          %dma_start3A_172 = tpu.memref_squeeze %dma_start3A_171 : memref<1x128xi32, #tpu.memory_space<vmem>> -> memref<128xi32, #tpu.memory_space<vmem>>
          %dma_start3A_173 = arith.constant 0 : i32
          %dma_start3A_174 = arith.constant 0 : i32
          %dma_start3A_175 = tpu.memref_slice %arg7[%dma_start3A_173, %dma_start3A_174] : memref<40960x32xf32, #tpu.memory_space<vmem_shared>> -> memref<40960x32xf32, #tpu.memory_space<vmem_shared>>
          tpu.enqueue_indirect_dma source(%dma_start3A_169 : memref<128x32xf32, #tpu.memory_space<vmem>>) target(%dma_start3A_175 : memref<40960x32xf32, #tpu.memory_space<vmem_shared>>) offsets(%dma_start3A_172 : memref<128xi32, #tpu.memory_space<vmem>>) semaphore(%arg19 : memref<!tpu.dma_semaphore, #tpu.memory_space<semaphore_mem>>) {add = true}
          %dma_wait3A_176 = arith.constant 2 : i32
          %dma_wait3A_177 = arith.constant 0 : i32
          %dma_wait3A_178 = arith.constant 0 : i32
          %dma_wait3A_179 = tpu.memref_slice %arg11[%dma_wait3A_176, %dma_wait3A_177, %dma_wait3A_178] : memref<4x128x32xf32, #tpu.memory_space<vmem>> -> memref<1x128x32xf32, #tpu.memory_space<vmem>>
          %dma_wait3A_180 = tpu.memref_squeeze %dma_wait3A_179 : memref<1x128x32xf32, #tpu.memory_space<vmem>> -> memref<128x32xf32, #tpu.memory_space<vmem>>
          %dma_wait3A_181 = arith.constant 0 : i32
          %dma_wait3A_182 = tpu.memref_slice %arg9[%add3A_129, %dma_wait3A_181] : memref<40x128xi32, #tpu.memory_space<vmem>> -> memref<1x128xi32, #tpu.memory_space<vmem>>
          %dma_wait3A_183 = tpu.memref_squeeze %dma_wait3A_182 : memref<1x128xi32, #tpu.memory_space<vmem>> -> memref<128xi32, #tpu.memory_space<vmem>>
          %dma_wait3A_184 = arith.constant 0 : i32
          %dma_wait3A_185 = arith.constant 0 : i32
          %dma_wait3A_186 = tpu.memref_slice %arg7[%dma_wait3A_184, %dma_wait3A_185] : memref<40960x32xf32, #tpu.memory_space<vmem_shared>> -> memref<40960x32xf32, #tpu.memory_space<vmem_shared>>
          tpu.wait_indirect_dma semaphore(%arg19 : memref<!tpu.dma_semaphore, #tpu.memory_space<semaphore_mem>>) src(%dma_wait3A_180 : memref<128x32xf32, #tpu.memory_space<vmem>>) dst(%dma_wait3A_186 : memref<40960x32xf32, #tpu.memory_space<vmem_shared>>)
        } else {
        }
        %add3A_134 = arith.constant 4 : i32
        %add3A_135 = arith.addi %add3A_129, %add3A_134 : i32
        %lt3A_136 = arith.cmpi slt, %add3A_135, %select_n3A : i32
        %convert_element_type3A_137 = arith.extui %lt3A_136 : i1 to i32
        %cond3A_138 = arith.constant 0 : i32
        %cond3A_139 = arith.cmpi ne, %convert_element_type3A_137, %cond3A_138 : i32
        scf.if %cond3A_139 {
          %add3A_155 = arith.constant 4 : i32
          %add3A_156 = arith.addi %add3A_129, %add3A_155 : i32
          %dma_start3A = arith.constant 2 : i32
          %dma_start3A_157 = arith.constant 0 : i32
          %dma_start3A_158 = arith.constant 0 : i32
          %dma_start3A_159 = tpu.memref_slice %arg11[%dma_start3A, %dma_start3A_157, %dma_start3A_158] : memref<4x128x32xf32, #tpu.memory_space<vmem>> -> memref<1x128x32xf32, #tpu.memory_space<vmem>>
          %dma_start3A_160 = tpu.memref_squeeze %dma_start3A_159 : memref<1x128x32xf32, #tpu.memory_space<vmem>> -> memref<128x32xf32, #tpu.memory_space<vmem>>
          %dma_start3A_161 = arith.constant 0 : i32
          %dma_start3A_162 = tpu.memref_slice %arg10[%add3A_156, %dma_start3A_161] : memref<40x128xi32, #tpu.memory_space<vmem>> -> memref<1x128xi32, #tpu.memory_space<vmem>>
          %dma_start3A_163 = tpu.memref_squeeze %dma_start3A_162 : memref<1x128xi32, #tpu.memory_space<vmem>> -> memref<128xi32, #tpu.memory_space<vmem>>
          %dma_start3A_164 = arith.constant 0 : i32
          %dma_start3A_165 = arith.constant 0 : i32
          %dma_start3A_166 = tpu.memref_slice %arg2[%dma_start3A_164, %dma_start3A_165] : memref<200000x32xf32, #tpu.memory_space<hbm>> -> memref<200000x32xf32, #tpu.memory_space<hbm>>
          tpu.enqueue_indirect_dma source(%dma_start3A_166 : memref<200000x32xf32, #tpu.memory_space<hbm>>) target(%dma_start3A_160 : memref<128x32xf32, #tpu.memory_space<vmem>>) offsets(%dma_start3A_163 : memref<128xi32, #tpu.memory_space<vmem>>) semaphore(%arg15 : memref<!tpu.dma_semaphore, #tpu.memory_space<semaphore_mem>>)
        } else {
        }
        %mul3A_140 = arith.constant 4 : i32
        %mul3A_141 = arith.muli %scan3A_97, %mul3A_140 : i32
        %add3A_142 = arith.constant 3 : i32
        %add3A_143 = arith.addi %mul3A_141, %add3A_142 : i32
        %lt3A_144 = arith.cmpi slt, %add3A_143, %select_n3A : i32
        %convert_element_type3A_145 = arith.extui %lt3A_144 : i1 to i32
        %cond3A_146 = arith.constant 0 : i32
        %cond3A_147 = arith.cmpi ne, %convert_element_type3A_145, %cond3A_146 : i32
        scf.if %cond3A_147 {
          %dma_wait3A = arith.constant 3 : i32
          %dma_wait3A_155 = arith.constant 3 : i32
          %dma_wait3A_156 = arith.constant 0 : i32
          %dma_wait3A_157 = arith.constant 0 : i32
          %dma_wait3A_158 = tpu.memref_slice %arg11[%dma_wait3A_155, %dma_wait3A_156, %dma_wait3A_157] : memref<4x128x32xf32, #tpu.memory_space<vmem>> -> memref<1x128x32xf32, #tpu.memory_space<vmem>>
          %dma_wait3A_159 = tpu.memref_squeeze %dma_wait3A_158 : memref<1x128x32xf32, #tpu.memory_space<vmem>> -> memref<128x32xf32, #tpu.memory_space<vmem>>
          %dma_wait3A_160 = arith.constant 0 : i32
          %dma_wait3A_161 = tpu.memref_slice %arg10[%dma_wait3A, %dma_wait3A_160] : memref<40x128xi32, #tpu.memory_space<vmem>> -> memref<1x128xi32, #tpu.memory_space<vmem>>
          %dma_wait3A_162 = tpu.memref_squeeze %dma_wait3A_161 : memref<1x128xi32, #tpu.memory_space<vmem>> -> memref<128xi32, #tpu.memory_space<vmem>>
          %dma_wait3A_163 = arith.constant 0 : i32
          %dma_wait3A_164 = arith.constant 0 : i32
          %dma_wait3A_165 = tpu.memref_slice %arg2[%dma_wait3A_163, %dma_wait3A_164] : memref<200000x32xf32, #tpu.memory_space<hbm>> -> memref<200000x32xf32, #tpu.memory_space<hbm>>
          tpu.wait_indirect_dma semaphore(%arg16 : memref<!tpu.dma_semaphore, #tpu.memory_space<semaphore_mem>>) src(%dma_wait3A_165 : memref<200000x32xf32, #tpu.memory_space<hbm>>) dst(%dma_wait3A_159 : memref<128x32xf32, #tpu.memory_space<vmem>>)
          %dma_start3A = arith.constant 3 : i32
          %dma_start3A_166 = arith.constant 0 : i32
          %dma_start3A_167 = arith.constant 0 : i32
          %dma_start3A_168 = tpu.memref_slice %arg11[%dma_start3A, %dma_start3A_166, %dma_start3A_167] : memref<4x128x32xf32, #tpu.memory_space<vmem>> -> memref<1x128x32xf32, #tpu.memory_space<vmem>>
          %dma_start3A_169 = tpu.memref_squeeze %dma_start3A_168 : memref<1x128x32xf32, #tpu.memory_space<vmem>> -> memref<128x32xf32, #tpu.memory_space<vmem>>
          %dma_start3A_170 = arith.constant 0 : i32
          %dma_start3A_171 = tpu.memref_slice %arg9[%add3A_143, %dma_start3A_170] : memref<40x128xi32, #tpu.memory_space<vmem>> -> memref<1x128xi32, #tpu.memory_space<vmem>>
          %dma_start3A_172 = tpu.memref_squeeze %dma_start3A_171 : memref<1x128xi32, #tpu.memory_space<vmem>> -> memref<128xi32, #tpu.memory_space<vmem>>
          %dma_start3A_173 = arith.constant 0 : i32
          %dma_start3A_174 = arith.constant 0 : i32
          %dma_start3A_175 = tpu.memref_slice %arg7[%dma_start3A_173, %dma_start3A_174] : memref<40960x32xf32, #tpu.memory_space<vmem_shared>> -> memref<40960x32xf32, #tpu.memory_space<vmem_shared>>
          tpu.enqueue_indirect_dma source(%dma_start3A_169 : memref<128x32xf32, #tpu.memory_space<vmem>>) target(%dma_start3A_175 : memref<40960x32xf32, #tpu.memory_space<vmem_shared>>) offsets(%dma_start3A_172 : memref<128xi32, #tpu.memory_space<vmem>>) semaphore(%arg20 : memref<!tpu.dma_semaphore, #tpu.memory_space<semaphore_mem>>) {add = true}
          %dma_wait3A_176 = arith.constant 3 : i32
          %dma_wait3A_177 = arith.constant 0 : i32
          %dma_wait3A_178 = arith.constant 0 : i32
          %dma_wait3A_179 = tpu.memref_slice %arg11[%dma_wait3A_176, %dma_wait3A_177, %dma_wait3A_178] : memref<4x128x32xf32, #tpu.memory_space<vmem>> -> memref<1x128x32xf32, #tpu.memory_space<vmem>>
          %dma_wait3A_180 = tpu.memref_squeeze %dma_wait3A_179 : memref<1x128x32xf32, #tpu.memory_space<vmem>> -> memref<128x32xf32, #tpu.memory_space<vmem>>
          %dma_wait3A_181 = arith.constant 0 : i32
          %dma_wait3A_182 = tpu.memref_slice %arg9[%add3A_143, %dma_wait3A_181] : memref<40x128xi32, #tpu.memory_space<vmem>> -> memref<1x128xi32, #tpu.memory_space<vmem>>
          %dma_wait3A_183 = tpu.memref_squeeze %dma_wait3A_182 : memref<1x128xi32, #tpu.memory_space<vmem>> -> memref<128xi32, #tpu.memory_space<vmem>>
          %dma_wait3A_184 = arith.constant 0 : i32
          %dma_wait3A_185 = arith.constant 0 : i32
          %dma_wait3A_186 = tpu.memref_slice %arg7[%dma_wait3A_184, %dma_wait3A_185] : memref<40960x32xf32, #tpu.memory_space<vmem_shared>> -> memref<40960x32xf32, #tpu.memory_space<vmem_shared>>
          tpu.wait_indirect_dma semaphore(%arg20 : memref<!tpu.dma_semaphore, #tpu.memory_space<semaphore_mem>>) src(%dma_wait3A_180 : memref<128x32xf32, #tpu.memory_space<vmem>>) dst(%dma_wait3A_186 : memref<40960x32xf32, #tpu.memory_space<vmem_shared>>)
        } else {
        }
        %add3A_148 = arith.constant 4 : i32
        %add3A_149 = arith.addi %add3A_143, %add3A_148 : i32
        %lt3A_150 = arith.cmpi slt, %add3A_149, %select_n3A : i32
        %convert_element_type3A_151 = arith.extui %lt3A_150 : i1 to i32
        %cond3A_152 = arith.constant 0 : i32
        %cond3A_153 = arith.cmpi ne, %convert_element_type3A_151, %cond3A_152 : i32
        scf.if %cond3A_153 {
          %add3A_155 = arith.constant 4 : i32
          %add3A_156 = arith.addi %add3A_143, %add3A_155 : i32
          %dma_start3A = arith.constant 3 : i32
          %dma_start3A_157 = arith.constant 0 : i32
          %dma_start3A_158 = arith.constant 0 : i32
          %dma_start3A_159 = tpu.memref_slice %arg11[%dma_start3A, %dma_start3A_157, %dma_start3A_158] : memref<4x128x32xf32, #tpu.memory_space<vmem>> -> memref<1x128x32xf32, #tpu.memory_space<vmem>>
          %dma_start3A_160 = tpu.memref_squeeze %dma_start3A_159 : memref<1x128x32xf32, #tpu.memory_space<vmem>> -> memref<128x32xf32, #tpu.memory_space<vmem>>
          %dma_start3A_161 = arith.constant 0 : i32
          %dma_start3A_162 = tpu.memref_slice %arg10[%add3A_156, %dma_start3A_161] : memref<40x128xi32, #tpu.memory_space<vmem>> -> memref<1x128xi32, #tpu.memory_space<vmem>>
          %dma_start3A_163 = tpu.memref_squeeze %dma_start3A_162 : memref<1x128xi32, #tpu.memory_space<vmem>> -> memref<128xi32, #tpu.memory_space<vmem>>
          %dma_start3A_164 = arith.constant 0 : i32
          %dma_start3A_165 = arith.constant 0 : i32
          %dma_start3A_166 = tpu.memref_slice %arg2[%dma_start3A_164, %dma_start3A_165] : memref<200000x32xf32, #tpu.memory_space<hbm>> -> memref<200000x32xf32, #tpu.memory_space<hbm>>
          tpu.enqueue_indirect_dma source(%dma_start3A_166 : memref<200000x32xf32, #tpu.memory_space<hbm>>) target(%dma_start3A_160 : memref<128x32xf32, #tpu.memory_space<vmem>>) offsets(%dma_start3A_163 : memref<128xi32, #tpu.memory_space<vmem>>) semaphore(%arg16 : memref<!tpu.dma_semaphore, #tpu.memory_space<semaphore_mem>>)
        } else {
        }
        %scan3A_154 = arith.constant 0 : i32
        scf.yield %scan3A_154 : i32
      }
      %scan3A_87 = arith.constant 10 : i32
      %barrier3A_88 = arith.constant 0 : index
      tpu.barrier barrier_id(%barrier3A_88)
      %shift_right_arithmetic3A_89 = arith.constant 2 : i32
      %shift_right_arithmetic3A_90 = arith.shrsi %scan3A_42, %shift_right_arithmetic3A_89 : i32
      %and3A_91 = arith.constant 3 : i32
      %and3A_92 = arith.andi %scan3A_42, %and3A_91 : i32
      %mul3A_93 = arith.constant 32 : i32
      %mul3A_94 = arith.muli %and3A_92, %mul3A_93 : i32
      "tpu.region"() ({
        %run_scoped3A = tpu.sem_alloc : memref<!tpu.dma_semaphore, #tpu.memory_space<semaphore_mem>>
        %dma_start3A = tpu.memref_slice %arg5[%arg0, %shift_right_arithmetic3A_90, %mul3A_10, %mul3A_94] : memref<2x5x40960x128xf32, #tpu.memory_space<hbm>> -> memref<1x1x2560x32xf32, #tpu.memory_space<hbm>>
        %dma_start3A_97 = tpu.memref_squeeze %dma_start3A : memref<1x1x2560x32xf32, #tpu.memory_space<hbm>> -> memref<2560x32xf32, #tpu.memory_space<hbm>>
        %dma_start3A_98 = arith.constant 0 : i32
        %dma_start3A_99 = tpu.memref_slice %arg7[%mul3A_10, %dma_start3A_98] : memref<40960x32xf32, #tpu.memory_space<vmem_shared>> -> memref<2560x32xf32, #tpu.memory_space<vmem_shared>>
        tpu.enqueue_dma source(%dma_start3A_99 : memref<2560x32xf32, #tpu.memory_space<vmem_shared>>) target(%dma_start3A_97 : memref<2560x32xf32, #tpu.memory_space<hbm>>) target_semaphore(%run_scoped3A : memref<!tpu.dma_semaphore, #tpu.memory_space<semaphore_mem>>)
        %dma_wait3A = tpu.memref_slice %arg5[%arg0, %shift_right_arithmetic3A_90, %mul3A_10, %mul3A_94] : memref<2x5x40960x128xf32, #tpu.memory_space<hbm>> -> memref<1x1x2560x32xf32, #tpu.memory_space<hbm>>
        %dma_wait3A_100 = tpu.memref_squeeze %dma_wait3A : memref<1x1x2560x32xf32, #tpu.memory_space<hbm>> -> memref<2560x32xf32, #tpu.memory_space<hbm>>
        %dma_wait3A_101 = arith.constant 0 : i32
        %dma_wait3A_102 = tpu.memref_slice %arg7[%mul3A_10, %dma_wait3A_101] : memref<40960x32xf32, #tpu.memory_space<vmem_shared>> -> memref<2560x32xf32, #tpu.memory_space<vmem_shared>>
        tpu.wait_dma2 semaphore(%run_scoped3A : memref<!tpu.dma_semaphore, #tpu.memory_space<semaphore_mem>>) src(%dma_wait3A_102 : memref<2560x32xf32, #tpu.memory_space<vmem_shared>>) dst(%dma_wait3A_100 : memref<2560x32xf32, #tpu.memory_space<hbm>>)
        tpu.yield
      }) : () -> ()
      %barrier3A_95 = arith.constant 0 : index
      tpu.barrier barrier_id(%barrier3A_95)
      %scan3A_96 = arith.constant 0 : i32
      scf.yield %scan3A_96 : i32
    }
    %scan3A_41 = arith.constant 20 : i32
    return
  }
}

#map = affine_map<(d0, d1) -> (0, 0)>
#map1 = affine_map<(d0, d1) -> (0, 0, 0)>
#map2 = affine_map<(d0, d1) -> (0, 0, 0, 0)>
module attributes {stable_mosaic.version = 14 : i64} {
  func.func @body(%arg0: i32, %arg1: i32, %arg2: memref<160000x32xf32, #tpu.memory_space<hbm>>, %arg3: memref<32x40x128xi32, #tpu.memory_space<hbm>>, %arg4: memref<32x40x128xi32, #tpu.memory_space<hbm>>, %arg5: memref<2x4x40960x128xf32, #tpu.memory_space<hbm>>, %arg6: memref<40960x32xf32, #tpu.memory_space<vmem_shared>>, %arg7: memref<40x128xi32, #tpu.memory_space<vmem>>, %arg8: memref<40x128xi32, #tpu.memory_space<vmem>>, %arg9: memref<40x128xi32, #tpu.memory_space<vmem>>, %arg10: memref<4x128x32xf32, #tpu.memory_space<vmem>>, %arg11: memref<128x32xf32, #tpu.memory_space<vmem>>, %arg12: memref<!tpu.dma_semaphore, #tpu.memory_space<semaphore_mem>>, %arg13: memref<!tpu.dma_semaphore, #tpu.memory_space<semaphore_mem>>, %arg14: memref<!tpu.dma_semaphore, #tpu.memory_space<semaphore_mem>>, %arg15: memref<!tpu.dma_semaphore, #tpu.memory_space<semaphore_mem>>, %arg16: memref<!tpu.dma_semaphore, #tpu.memory_space<semaphore_mem>>, %arg17: memref<!tpu.dma_semaphore, #tpu.memory_space<semaphore_mem>>, %arg18: memref<!tpu.dma_semaphore, #tpu.memory_space<semaphore_mem>>, %arg19: memref<!tpu.dma_semaphore, #tpu.memory_space<semaphore_mem>>) attributes {dimension_semantics = [#tpu.dimension_semantics<core_parallel>, #tpu.dimension_semantics<subcore_parallel>], iteration_bounds = array<i64: 2, 16>, scalar_prefetch = 0 : i64, scratch_operands = 14 : i64, tpu.core_type = #tpu.core_type<sc_vector_subcore>, window_params = [{transform_indices = #map}, {transform_indices = #map1}, {transform_indices = #map1}, {transform_indices = #map2}]} {
    %mul3A = arith.constant 2 : i32
    %mul3A_0 = arith.muli %arg1, %mul3A : i32
    %add3A = arith.addi %mul3A_0, %arg0 : i32
    %eq3A = arith.constant 0 : i32
    %eq3A_1 = arith.cmpi eq, %arg0, %eq3A : i32
    %jit3A = arith.constant 40 : i32
    %jit3A_2 = arith.constant 40 : i32
    %select_n3A = arith.select %eq3A_1, %jit3A, %jit3A_2 : i32
    "tpu.region"() ({
      %run_scoped3A = tpu.sem_alloc : memref<!tpu.dma_semaphore, #tpu.memory_space<semaphore_mem>>
      %dma_start3A = arith.constant 0 : i32
      %dma_start3A_18 = arith.constant 0 : i32
      %dma_start3A_19 = tpu.memref_slice %arg3[%add3A, %dma_start3A, %dma_start3A_18] : memref<32x40x128xi32, #tpu.memory_space<hbm>> -> memref<1x40x128xi32, #tpu.memory_space<hbm>>
      %dma_start3A_20 = tpu.memref_squeeze %dma_start3A_19 : memref<1x40x128xi32, #tpu.memory_space<hbm>> -> memref<40x128xi32, #tpu.memory_space<hbm>>
      %dma_start3A_21 = arith.constant 0 : i32
      %dma_start3A_22 = arith.constant 0 : i32
      %dma_start3A_23 = tpu.memref_slice %arg3[%add3A, %dma_start3A_21, %dma_start3A_22] : memref<32x40x128xi32, #tpu.memory_space<hbm>> -> memref<1x40x128xi32, #tpu.memory_space<hbm>>
      %dma_start3A_24 = tpu.memref_squeeze %dma_start3A_23 : memref<1x40x128xi32, #tpu.memory_space<hbm>> -> memref<40x128xi32, #tpu.memory_space<hbm>>
      tpu.enqueue_dma source(%dma_start3A_24 : memref<40x128xi32, #tpu.memory_space<hbm>>) target(%arg7 : memref<40x128xi32, #tpu.memory_space<vmem>>) target_semaphore(%run_scoped3A : memref<!tpu.dma_semaphore, #tpu.memory_space<semaphore_mem>>)
      %dma_wait3A = arith.constant 0 : i32
      %dma_wait3A_25 = arith.constant 0 : i32
      %dma_wait3A_26 = tpu.memref_slice %arg3[%add3A, %dma_wait3A, %dma_wait3A_25] : memref<32x40x128xi32, #tpu.memory_space<hbm>> -> memref<1x40x128xi32, #tpu.memory_space<hbm>>
      %dma_wait3A_27 = tpu.memref_squeeze %dma_wait3A_26 : memref<1x40x128xi32, #tpu.memory_space<hbm>> -> memref<40x128xi32, #tpu.memory_space<hbm>>
      %dma_wait3A_28 = arith.constant 0 : i32
      %dma_wait3A_29 = arith.constant 0 : i32
      %dma_wait3A_30 = tpu.memref_slice %arg3[%add3A, %dma_wait3A_28, %dma_wait3A_29] : memref<32x40x128xi32, #tpu.memory_space<hbm>> -> memref<1x40x128xi32, #tpu.memory_space<hbm>>
      %dma_wait3A_31 = tpu.memref_squeeze %dma_wait3A_30 : memref<1x40x128xi32, #tpu.memory_space<hbm>> -> memref<40x128xi32, #tpu.memory_space<hbm>>
      tpu.wait_dma2 semaphore(%run_scoped3A : memref<!tpu.dma_semaphore, #tpu.memory_space<semaphore_mem>>) src(%dma_wait3A_31 : memref<40x128xi32, #tpu.memory_space<hbm>>) dst(%arg7 : memref<40x128xi32, #tpu.memory_space<vmem>>)
      tpu.yield
    }) : () -> ()
    "tpu.region"() ({
      %run_scoped3A = tpu.sem_alloc : memref<!tpu.dma_semaphore, #tpu.memory_space<semaphore_mem>>
      %dma_start3A = arith.constant 0 : i32
      %dma_start3A_18 = arith.constant 0 : i32
      %dma_start3A_19 = tpu.memref_slice %arg4[%add3A, %dma_start3A, %dma_start3A_18] : memref<32x40x128xi32, #tpu.memory_space<hbm>> -> memref<1x40x128xi32, #tpu.memory_space<hbm>>
      %dma_start3A_20 = tpu.memref_squeeze %dma_start3A_19 : memref<1x40x128xi32, #tpu.memory_space<hbm>> -> memref<40x128xi32, #tpu.memory_space<hbm>>
      %dma_start3A_21 = arith.constant 0 : i32
      %dma_start3A_22 = arith.constant 0 : i32
      %dma_start3A_23 = tpu.memref_slice %arg4[%add3A, %dma_start3A_21, %dma_start3A_22] : memref<32x40x128xi32, #tpu.memory_space<hbm>> -> memref<1x40x128xi32, #tpu.memory_space<hbm>>
      %dma_start3A_24 = tpu.memref_squeeze %dma_start3A_23 : memref<1x40x128xi32, #tpu.memory_space<hbm>> -> memref<40x128xi32, #tpu.memory_space<hbm>>
      tpu.enqueue_dma source(%dma_start3A_24 : memref<40x128xi32, #tpu.memory_space<hbm>>) target(%arg8 : memref<40x128xi32, #tpu.memory_space<vmem>>) target_semaphore(%run_scoped3A : memref<!tpu.dma_semaphore, #tpu.memory_space<semaphore_mem>>)
      %dma_wait3A = arith.constant 0 : i32
      %dma_wait3A_25 = arith.constant 0 : i32
      %dma_wait3A_26 = tpu.memref_slice %arg4[%add3A, %dma_wait3A, %dma_wait3A_25] : memref<32x40x128xi32, #tpu.memory_space<hbm>> -> memref<1x40x128xi32, #tpu.memory_space<hbm>>
      %dma_wait3A_27 = tpu.memref_squeeze %dma_wait3A_26 : memref<1x40x128xi32, #tpu.memory_space<hbm>> -> memref<40x128xi32, #tpu.memory_space<hbm>>
      %dma_wait3A_28 = arith.constant 0 : i32
      %dma_wait3A_29 = arith.constant 0 : i32
      %dma_wait3A_30 = tpu.memref_slice %arg4[%add3A, %dma_wait3A_28, %dma_wait3A_29] : memref<32x40x128xi32, #tpu.memory_space<hbm>> -> memref<1x40x128xi32, #tpu.memory_space<hbm>>
      %dma_wait3A_31 = tpu.memref_squeeze %dma_wait3A_30 : memref<1x40x128xi32, #tpu.memory_space<hbm>> -> memref<40x128xi32, #tpu.memory_space<hbm>>
      tpu.wait_dma2 semaphore(%run_scoped3A : memref<!tpu.dma_semaphore, #tpu.memory_space<semaphore_mem>>) src(%dma_wait3A_31 : memref<40x128xi32, #tpu.memory_space<hbm>>) dst(%arg8 : memref<40x128xi32, #tpu.memory_space<vmem>>)
      tpu.yield
    }) : () -> ()
    %scan3A = arith.constant 0 : i32
    %scan3A_3 = arith.constant 0 : i32
    %scan3A_4 = arith.constant 128 : i32
    %scan3A_5 = arith.addi %scan3A_3, %scan3A_4 : i32
    %scan3A_6 = arith.constant 1 : i32
    %scan3A_7 = scf.for %scan3A_18 = %scan3A_3 to %scan3A_5 step %scan3A_6 iter_args(%scan3A_19 = %scan3A) -> (i32)  : i32 {
      %broadcast_in_dim3A = arith.constant 0.000000e+00 : f32
      %broadcast_in_dim3A_20 = vector.broadcast %broadcast_in_dim3A : f32 to vector<16xf32>
      %swap3A = arith.index_cast %scan3A_18 : i32 to index
      %swap3A_21 = arith.constant 0 : index
      %swap3A_22 = tpu.vector_load %arg11[%swap3A, %swap3A_21] {strides = array<i32>} : memref<128x32xf32, #tpu.memory_space<vmem>>, vector<1x16xf32>,
      %swap3A_23 = vector.shape_cast %swap3A_22 : vector<1x16xf32> to vector<16xf32>
      %swap3A_24 = vector.shape_cast %broadcast_in_dim3A_20 : vector<16xf32> to vector<1x16xf32>
      tpu.vector_store %arg11[%swap3A, %swap3A_21], %swap3A_24 {strides = array<i32>} : memref<128x32xf32, #tpu.memory_space<vmem>>, vector<1x16xf32>,
      %broadcast_in_dim3A_25 = arith.constant 0.000000e+00 : f32
      %broadcast_in_dim3A_26 = vector.broadcast %broadcast_in_dim3A_25 : f32 to vector<16xf32>
      %swap3A_27 = arith.index_cast %scan3A_18 : i32 to index
      %swap3A_28 = arith.constant 16 : index
      %swap3A_29 = tpu.vector_load %arg11[%swap3A_27, %swap3A_28] {strides = array<i32>} : memref<128x32xf32, #tpu.memory_space<vmem>>, vector<1x16xf32>,
      %swap3A_30 = vector.shape_cast %swap3A_29 : vector<1x16xf32> to vector<16xf32>
      %swap3A_31 = vector.shape_cast %broadcast_in_dim3A_26 : vector<16xf32> to vector<1x16xf32>
      tpu.vector_store %arg11[%swap3A_27, %swap3A_28], %swap3A_31 {strides = array<i32>} : memref<128x32xf32, #tpu.memory_space<vmem>>, vector<1x16xf32>,
      %scan3A_32 = arith.constant 0 : i32
      scf.yield %scan3A_32 : i32
    }
    %scan3A_8 = arith.constant 128 : i32
    %mul3A_9 = arith.constant 2560 : i32
    %mul3A_10 = arith.muli %arg1, %mul3A_9 : i32
    %scan3A_11 = arith.constant 0 : i32
    %scan3A_12 = arith.constant 0 : i32
    %scan3A_13 = arith.constant 16 : i32
    %scan3A_14 = arith.addi %scan3A_12, %scan3A_13 : i32
    %scan3A_15 = arith.constant 1 : i32
    %scan3A_16 = scf.for %scan3A_18 = %scan3A_12 to %scan3A_14 step %scan3A_15 iter_args(%scan3A_19 = %scan3A_11) -> (i32)  : i32 {
      %scan3A_20 = arith.constant 0 : i32
      %scan3A_21 = arith.constant 0 : i32
      %scan3A_22 = arith.constant 20 : i32
      %scan3A_23 = arith.addi %scan3A_21, %scan3A_22 : i32
      %scan3A_24 = arith.constant 1 : i32
      %scan3A_25 = scf.for %scan3A_72 = %scan3A_21 to %scan3A_23 step %scan3A_24 iter_args(%scan3A_73 = %scan3A_20) -> (i32)  : i32 {
        %mul3A_74 = arith.constant 2560 : i32
        %mul3A_75 = arith.muli %arg1, %mul3A_74 : i32
        %mul3A_76 = arith.constant 128 : i32
        %mul3A_77 = arith.muli %scan3A_72, %mul3A_76 : i32
        %add3A_78 = arith.addi %mul3A_75, %mul3A_77 : i32
        "tpu.region"() ({
          %run_scoped3A = tpu.sem_alloc : memref<!tpu.dma_semaphore, #tpu.memory_space<semaphore_mem>>
          %dma_start3A = arith.constant 0 : i32
          %dma_start3A_80 = tpu.memref_slice %arg6[%add3A_78, %dma_start3A] : memref<40960x32xf32, #tpu.memory_space<vmem_shared>> -> memref<128x32xf32, #tpu.memory_space<vmem_shared>>
          %dma_start3A_81 = arith.constant 0 : i32
          %dma_start3A_82 = tpu.memref_slice %arg6[%add3A_78, %dma_start3A_81] : memref<40960x32xf32, #tpu.memory_space<vmem_shared>> -> memref<128x32xf32, #tpu.memory_space<vmem_shared>>
          tpu.enqueue_dma source(%arg11 : memref<128x32xf32, #tpu.memory_space<vmem>>) target(%dma_start3A_82 : memref<128x32xf32, #tpu.memory_space<vmem_shared>>) target_semaphore(%run_scoped3A : memref<!tpu.dma_semaphore, #tpu.memory_space<semaphore_mem>>)
          %dma_wait3A = arith.constant 0 : i32
          %dma_wait3A_83 = tpu.memref_slice %arg6[%add3A_78, %dma_wait3A] : memref<40960x32xf32, #tpu.memory_space<vmem_shared>> -> memref<128x32xf32, #tpu.memory_space<vmem_shared>>
          %dma_wait3A_84 = arith.constant 0 : i32
          %dma_wait3A_85 = tpu.memref_slice %arg6[%add3A_78, %dma_wait3A_84] : memref<40960x32xf32, #tpu.memory_space<vmem_shared>> -> memref<128x32xf32, #tpu.memory_space<vmem_shared>>
          tpu.wait_dma2 semaphore(%run_scoped3A : memref<!tpu.dma_semaphore, #tpu.memory_space<semaphore_mem>>) src(%arg11 : memref<128x32xf32, #tpu.memory_space<vmem>>) dst(%dma_wait3A_85 : memref<128x32xf32, #tpu.memory_space<vmem_shared>>)
          tpu.yield
        }) : () -> ()
        %scan3A_79 = arith.constant 0 : i32
        scf.yield %scan3A_79 : i32
      }
      %scan3A_26 = arith.constant 20 : i32
      %shift_right_arithmetic3A = arith.constant 2 : i32
      %shift_right_arithmetic3A_27 = arith.shrsi %scan3A_18, %shift_right_arithmetic3A : i32
      %mul3A_28 = arith.constant 40000 : i32
      %mul3A_29 = arith.muli %shift_right_arithmetic3A_27, %mul3A_28 : i32
      %and3A = arith.constant 3 : i32
      %and3A_30 = arith.andi %scan3A_18, %and3A : i32
      %add3A_31 = arith.addi %mul3A_29, %and3A_30 : i32
      %scan3A_32 = arith.constant 0 : i32
      %scan3A_33 = arith.constant 0 : i32
      %scan3A_34 = arith.constant 40 : i32
      %scan3A_35 = arith.addi %scan3A_33, %scan3A_34 : i32
      %scan3A_36 = arith.constant 1 : i32
      %scan3A_37 = scf.for %scan3A_72 = %scan3A_33 to %scan3A_35 step %scan3A_36 iter_args(%scan3A_73 = %scan3A_32) -> (i32)  : i32 {
        %get3A = arith.index_cast %scan3A_72 : i32 to index
        %get3A_74 = arith.constant 0 : index
        %get3A_75 = tpu.vector_load %arg7[%get3A, %get3A_74] {strides = array<i32>} : memref<40x128xi32, #tpu.memory_space<vmem>>, vector<1x16xi32>,
        %get3A_76 = vector.shape_cast %get3A_75 : vector<1x16xi32> to vector<16xi32>
        %mul3A_77 = arith.constant 4 : i32
        %mul3A_78 = vector.broadcast %mul3A_77 : i32 to vector<16xi32>
        %mul3A_79 = arith.muli %get3A_76, %mul3A_78 : vector<16xi32>
        %add3A_80 = vector.broadcast %add3A_31 : i32 to vector<16xi32>
        %add3A_81 = arith.addi %mul3A_79, %add3A_80 : vector<16xi32>
        %swap3A = arith.index_cast %scan3A_72 : i32 to index
        %swap3A_82 = arith.constant 0 : index
        %swap3A_83 = tpu.vector_load %arg9[%swap3A, %swap3A_82] {strides = array<i32>} : memref<40x128xi32, #tpu.memory_space<vmem>>, vector<1x16xi32>,
        %swap3A_84 = vector.shape_cast %swap3A_83 : vector<1x16xi32> to vector<16xi32>
        %swap3A_85 = vector.shape_cast %add3A_81 : vector<16xi32> to vector<1x16xi32>
        tpu.vector_store %arg9[%swap3A, %swap3A_82], %swap3A_85 {strides = array<i32>} : memref<40x128xi32, #tpu.memory_space<vmem>>, vector<1x16xi32>,
        %get3A_86 = arith.index_cast %scan3A_72 : i32 to index
        %get3A_87 = arith.constant 16 : index
        %get3A_88 = tpu.vector_load %arg7[%get3A_86, %get3A_87] {strides = array<i32>} : memref<40x128xi32, #tpu.memory_space<vmem>>, vector<1x16xi32>,
        %get3A_89 = vector.shape_cast %get3A_88 : vector<1x16xi32> to vector<16xi32>
        %mul3A_90 = arith.constant 4 : i32
        %mul3A_91 = vector.broadcast %mul3A_90 : i32 to vector<16xi32>
        %mul3A_92 = arith.muli %get3A_89, %mul3A_91 : vector<16xi32>
        %add3A_93 = vector.broadcast %add3A_31 : i32 to vector<16xi32>
        %add3A_94 = arith.addi %mul3A_92, %add3A_93 : vector<16xi32>
        %swap3A_95 = arith.index_cast %scan3A_72 : i32 to index
        %swap3A_96 = arith.constant 16 : index
        %swap3A_97 = tpu.vector_load %arg9[%swap3A_95, %swap3A_96] {strides = array<i32>} : memref<40x128xi32, #tpu.memory_space<vmem>>, vector<1x16xi32>,
        %swap3A_98 = vector.shape_cast %swap3A_97 : vector<1x16xi32> to vector<16xi32>
        %swap3A_99 = vector.shape_cast %add3A_94 : vector<16xi32> to vector<1x16xi32>
        tpu.vector_store %arg9[%swap3A_95, %swap3A_96], %swap3A_99 {strides = array<i32>} : memref<40x128xi32, #tpu.memory_space<vmem>>, vector<1x16xi32>,
        %get3A_100 = arith.index_cast %scan3A_72 : i32 to index
        %get3A_101 = arith.constant 32 : index
        %get3A_102 = tpu.vector_load %arg7[%get3A_100, %get3A_101] {strides = array<i32>} : memref<40x128xi32, #tpu.memory_space<vmem>>, vector<1x16xi32>,
        %get3A_103 = vector.shape_cast %get3A_102 : vector<1x16xi32> to vector<16xi32>
        %mul3A_104 = arith.constant 4 : i32
        %mul3A_105 = vector.broadcast %mul3A_104 : i32 to vector<16xi32>
        %mul3A_106 = arith.muli %get3A_103, %mul3A_105 : vector<16xi32>
        %add3A_107 = vector.broadcast %add3A_31 : i32 to vector<16xi32>
        %add3A_108 = arith.addi %mul3A_106, %add3A_107 : vector<16xi32>
        %swap3A_109 = arith.index_cast %scan3A_72 : i32 to index
        %swap3A_110 = arith.constant 32 : index
        %swap3A_111 = tpu.vector_load %arg9[%swap3A_109, %swap3A_110] {strides = array<i32>} : memref<40x128xi32, #tpu.memory_space<vmem>>, vector<1x16xi32>,
        %swap3A_112 = vector.shape_cast %swap3A_111 : vector<1x16xi32> to vector<16xi32>
        %swap3A_113 = vector.shape_cast %add3A_108 : vector<16xi32> to vector<1x16xi32>
        tpu.vector_store %arg9[%swap3A_109, %swap3A_110], %swap3A_113 {strides = array<i32>} : memref<40x128xi32, #tpu.memory_space<vmem>>, vector<1x16xi32>,
        %get3A_114 = arith.index_cast %scan3A_72 : i32 to index
        %get3A_115 = arith.constant 48 : index
        %get3A_116 = tpu.vector_load %arg7[%get3A_114, %get3A_115] {strides = array<i32>} : memref<40x128xi32, #tpu.memory_space<vmem>>, vector<1x16xi32>,
        %get3A_117 = vector.shape_cast %get3A_116 : vector<1x16xi32> to vector<16xi32>
        %mul3A_118 = arith.constant 4 : i32
        %mul3A_119 = vector.broadcast %mul3A_118 : i32 to vector<16xi32>
        %mul3A_120 = arith.muli %get3A_117, %mul3A_119 : vector<16xi32>
        %add3A_121 = vector.broadcast %add3A_31 : i32 to vector<16xi32>
        %add3A_122 = arith.addi %mul3A_120, %add3A_121 : vector<16xi32>
        %swap3A_123 = arith.index_cast %scan3A_72 : i32 to index
        %swap3A_124 = arith.constant 48 : index
        %swap3A_125 = tpu.vector_load %arg9[%swap3A_123, %swap3A_124] {strides = array<i32>} : memref<40x128xi32, #tpu.memory_space<vmem>>, vector<1x16xi32>,
        %swap3A_126 = vector.shape_cast %swap3A_125 : vector<1x16xi32> to vector<16xi32>
        %swap3A_127 = vector.shape_cast %add3A_122 : vector<16xi32> to vector<1x16xi32>
        tpu.vector_store %arg9[%swap3A_123, %swap3A_124], %swap3A_127 {strides = array<i32>} : memref<40x128xi32, #tpu.memory_space<vmem>>, vector<1x16xi32>,
        %get3A_128 = arith.index_cast %scan3A_72 : i32 to index
        %get3A_129 = arith.constant 64 : index
        %get3A_130 = tpu.vector_load %arg7[%get3A_128, %get3A_129] {strides = array<i32>} : memref<40x128xi32, #tpu.memory_space<vmem>>, vector<1x16xi32>,
        %get3A_131 = vector.shape_cast %get3A_130 : vector<1x16xi32> to vector<16xi32>
        %mul3A_132 = arith.constant 4 : i32
        %mul3A_133 = vector.broadcast %mul3A_132 : i32 to vector<16xi32>
        %mul3A_134 = arith.muli %get3A_131, %mul3A_133 : vector<16xi32>
        %add3A_135 = vector.broadcast %add3A_31 : i32 to vector<16xi32>
        %add3A_136 = arith.addi %mul3A_134, %add3A_135 : vector<16xi32>
        %swap3A_137 = arith.index_cast %scan3A_72 : i32 to index
        %swap3A_138 = arith.constant 64 : index
        %swap3A_139 = tpu.vector_load %arg9[%swap3A_137, %swap3A_138] {strides = array<i32>} : memref<40x128xi32, #tpu.memory_space<vmem>>, vector<1x16xi32>,
        %swap3A_140 = vector.shape_cast %swap3A_139 : vector<1x16xi32> to vector<16xi32>
        %swap3A_141 = vector.shape_cast %add3A_136 : vector<16xi32> to vector<1x16xi32>
        tpu.vector_store %arg9[%swap3A_137, %swap3A_138], %swap3A_141 {strides = array<i32>} : memref<40x128xi32, #tpu.memory_space<vmem>>, vector<1x16xi32>,
        %get3A_142 = arith.index_cast %scan3A_72 : i32 to index
        %get3A_143 = arith.constant 80 : index
        %get3A_144 = tpu.vector_load %arg7[%get3A_142, %get3A_143] {strides = array<i32>} : memref<40x128xi32, #tpu.memory_space<vmem>>, vector<1x16xi32>,
        %get3A_145 = vector.shape_cast %get3A_144 : vector<1x16xi32> to vector<16xi32>
        %mul3A_146 = arith.constant 4 : i32
        %mul3A_147 = vector.broadcast %mul3A_146 : i32 to vector<16xi32>
        %mul3A_148 = arith.muli %get3A_145, %mul3A_147 : vector<16xi32>
        %add3A_149 = vector.broadcast %add3A_31 : i32 to vector<16xi32>
        %add3A_150 = arith.addi %mul3A_148, %add3A_149 : vector<16xi32>
        %swap3A_151 = arith.index_cast %scan3A_72 : i32 to index
        %swap3A_152 = arith.constant 80 : index
        %swap3A_153 = tpu.vector_load %arg9[%swap3A_151, %swap3A_152] {strides = array<i32>} : memref<40x128xi32, #tpu.memory_space<vmem>>, vector<1x16xi32>,
        %swap3A_154 = vector.shape_cast %swap3A_153 : vector<1x16xi32> to vector<16xi32>
        %swap3A_155 = vector.shape_cast %add3A_150 : vector<16xi32> to vector<1x16xi32>
        tpu.vector_store %arg9[%swap3A_151, %swap3A_152], %swap3A_155 {strides = array<i32>} : memref<40x128xi32, #tpu.memory_space<vmem>>, vector<1x16xi32>,
        %get3A_156 = arith.index_cast %scan3A_72 : i32 to index
        %get3A_157 = arith.constant 96 : index
        %get3A_158 = tpu.vector_load %arg7[%get3A_156, %get3A_157] {strides = array<i32>} : memref<40x128xi32, #tpu.memory_space<vmem>>, vector<1x16xi32>,
        %get3A_159 = vector.shape_cast %get3A_158 : vector<1x16xi32> to vector<16xi32>
        %mul3A_160 = arith.constant 4 : i32
        %mul3A_161 = vector.broadcast %mul3A_160 : i32 to vector<16xi32>
        %mul3A_162 = arith.muli %get3A_159, %mul3A_161 : vector<16xi32>
        %add3A_163 = vector.broadcast %add3A_31 : i32 to vector<16xi32>
        %add3A_164 = arith.addi %mul3A_162, %add3A_163 : vector<16xi32>
        %swap3A_165 = arith.index_cast %scan3A_72 : i32 to index
        %swap3A_166 = arith.constant 96 : index
        %swap3A_167 = tpu.vector_load %arg9[%swap3A_165, %swap3A_166] {strides = array<i32>} : memref<40x128xi32, #tpu.memory_space<vmem>>, vector<1x16xi32>,
        %swap3A_168 = vector.shape_cast %swap3A_167 : vector<1x16xi32> to vector<16xi32>
        %swap3A_169 = vector.shape_cast %add3A_164 : vector<16xi32> to vector<1x16xi32>
        tpu.vector_store %arg9[%swap3A_165, %swap3A_166], %swap3A_169 {strides = array<i32>} : memref<40x128xi32, #tpu.memory_space<vmem>>, vector<1x16xi32>,
        %get3A_170 = arith.index_cast %scan3A_72 : i32 to index
        %get3A_171 = arith.constant 112 : index
        %get3A_172 = tpu.vector_load %arg7[%get3A_170, %get3A_171] {strides = array<i32>} : memref<40x128xi32, #tpu.memory_space<vmem>>, vector<1x16xi32>,
        %get3A_173 = vector.shape_cast %get3A_172 : vector<1x16xi32> to vector<16xi32>
        %mul3A_174 = arith.constant 4 : i32
        %mul3A_175 = vector.broadcast %mul3A_174 : i32 to vector<16xi32>
        %mul3A_176 = arith.muli %get3A_173, %mul3A_175 : vector<16xi32>
        %add3A_177 = vector.broadcast %add3A_31 : i32 to vector<16xi32>
        %add3A_178 = arith.addi %mul3A_176, %add3A_177 : vector<16xi32>
        %swap3A_179 = arith.index_cast %scan3A_72 : i32 to index
        %swap3A_180 = arith.constant 112 : index
        %swap3A_181 = tpu.vector_load %arg9[%swap3A_179, %swap3A_180] {strides = array<i32>} : memref<40x128xi32, #tpu.memory_space<vmem>>, vector<1x16xi32>,
        %swap3A_182 = vector.shape_cast %swap3A_181 : vector<1x16xi32> to vector<16xi32>
        %swap3A_183 = vector.shape_cast %add3A_178 : vector<16xi32> to vector<1x16xi32>
        tpu.vector_store %arg9[%swap3A_179, %swap3A_180], %swap3A_183 {strides = array<i32>} : memref<40x128xi32, #tpu.memory_space<vmem>>, vector<1x16xi32>,
        %scan3A_184 = arith.constant 0 : i32
        scf.yield %scan3A_184 : i32
      }
      %scan3A_38 = arith.constant 40 : i32
      %barrier3A = arith.constant 0 : index
      tpu.barrier barrier_id(%barrier3A)
      %gt3A = arith.constant 0 : i32
      %gt3A_39 = arith.cmpi sgt, %select_n3A, %gt3A : i32
      %convert_element_type3A = arith.extui %gt3A_39 : i1 to i32
      %cond3A = arith.constant 0 : i32
      %cond3A_40 = arith.cmpi ne, %convert_element_type3A, %cond3A : i32
      scf.if %cond3A_40 {
        %dma_start3A = arith.constant 0 : i32
        %dma_start3A_72 = arith.constant 0 : i32
        %dma_start3A_73 = arith.constant 0 : i32
        %dma_start3A_74 = arith.constant 0 : i32
        %dma_start3A_75 = tpu.memref_slice %arg10[%dma_start3A_72, %dma_start3A_73, %dma_start3A_74] : memref<4x128x32xf32, #tpu.memory_space<vmem>> -> memref<1x128x32xf32, #tpu.memory_space<vmem>>
        %dma_start3A_76 = tpu.memref_squeeze %dma_start3A_75 : memref<1x128x32xf32, #tpu.memory_space<vmem>> -> memref<128x32xf32, #tpu.memory_space<vmem>>
        %dma_start3A_77 = arith.constant 0 : i32
        %dma_start3A_78 = tpu.memref_slice %arg9[%dma_start3A, %dma_start3A_77] : memref<40x128xi32, #tpu.memory_space<vmem>> -> memref<1x128xi32, #tpu.memory_space<vmem>>
        %dma_start3A_79 = tpu.memref_squeeze %dma_start3A_78 : memref<1x128xi32, #tpu.memory_space<vmem>> -> memref<128xi32, #tpu.memory_space<vmem>>
        %dma_start3A_80 = arith.constant 0 : i32
        %dma_start3A_81 = arith.constant 0 : i32
        %dma_start3A_82 = tpu.memref_slice %arg2[%dma_start3A_80, %dma_start3A_81] : memref<160000x32xf32, #tpu.memory_space<hbm>> -> memref<160000x32xf32, #tpu.memory_space<hbm>>
        tpu.enqueue_indirect_dma source(%dma_start3A_82 : memref<160000x32xf32, #tpu.memory_space<hbm>>) target(%dma_start3A_76 : memref<128x32xf32, #tpu.memory_space<vmem>>) offsets(%dma_start3A_79 : memref<128xi32, #tpu.memory_space<vmem>>) semaphore(%arg12 : memref<!tpu.dma_semaphore, #tpu.memory_space<semaphore_mem>>)
      } else {
      }
      %gt3A_41 = arith.constant 1 : i32
      %gt3A_42 = arith.cmpi sgt, %select_n3A, %gt3A_41 : i32
      %convert_element_type3A_43 = arith.extui %gt3A_42 : i1 to i32
      %cond3A_44 = arith.constant 0 : i32
      %cond3A_45 = arith.cmpi ne, %convert_element_type3A_43, %cond3A_44 : i32
      scf.if %cond3A_45 {
        %dma_start3A = arith.constant 1 : i32
        %dma_start3A_72 = arith.constant 1 : i32
        %dma_start3A_73 = arith.constant 0 : i32
        %dma_start3A_74 = arith.constant 0 : i32
        %dma_start3A_75 = tpu.memref_slice %arg10[%dma_start3A_72, %dma_start3A_73, %dma_start3A_74] : memref<4x128x32xf32, #tpu.memory_space<vmem>> -> memref<1x128x32xf32, #tpu.memory_space<vmem>>
        %dma_start3A_76 = tpu.memref_squeeze %dma_start3A_75 : memref<1x128x32xf32, #tpu.memory_space<vmem>> -> memref<128x32xf32, #tpu.memory_space<vmem>>
        %dma_start3A_77 = arith.constant 0 : i32
        %dma_start3A_78 = tpu.memref_slice %arg9[%dma_start3A, %dma_start3A_77] : memref<40x128xi32, #tpu.memory_space<vmem>> -> memref<1x128xi32, #tpu.memory_space<vmem>>
        %dma_start3A_79 = tpu.memref_squeeze %dma_start3A_78 : memref<1x128xi32, #tpu.memory_space<vmem>> -> memref<128xi32, #tpu.memory_space<vmem>>
        %dma_start3A_80 = arith.constant 0 : i32
        %dma_start3A_81 = arith.constant 0 : i32
        %dma_start3A_82 = tpu.memref_slice %arg2[%dma_start3A_80, %dma_start3A_81] : memref<160000x32xf32, #tpu.memory_space<hbm>> -> memref<160000x32xf32, #tpu.memory_space<hbm>>
        tpu.enqueue_indirect_dma source(%dma_start3A_82 : memref<160000x32xf32, #tpu.memory_space<hbm>>) target(%dma_start3A_76 : memref<128x32xf32, #tpu.memory_space<vmem>>) offsets(%dma_start3A_79 : memref<128xi32, #tpu.memory_space<vmem>>) semaphore(%arg13 : memref<!tpu.dma_semaphore, #tpu.memory_space<semaphore_mem>>)
      } else {
      }
      %gt3A_46 = arith.constant 2 : i32
      %gt3A_47 = arith.cmpi sgt, %select_n3A, %gt3A_46 : i32
      %convert_element_type3A_48 = arith.extui %gt3A_47 : i1 to i32
      %cond3A_49 = arith.constant 0 : i32
      %cond3A_50 = arith.cmpi ne, %convert_element_type3A_48, %cond3A_49 : i32
      scf.if %cond3A_50 {
        %dma_start3A = arith.constant 2 : i32
        %dma_start3A_72 = arith.constant 2 : i32
        %dma_start3A_73 = arith.constant 0 : i32
        %dma_start3A_74 = arith.constant 0 : i32
        %dma_start3A_75 = tpu.memref_slice %arg10[%dma_start3A_72, %dma_start3A_73, %dma_start3A_74] : memref<4x128x32xf32, #tpu.memory_space<vmem>> -> memref<1x128x32xf32, #tpu.memory_space<vmem>>
        %dma_start3A_76 = tpu.memref_squeeze %dma_start3A_75 : memref<1x128x32xf32, #tpu.memory_space<vmem>> -> memref<128x32xf32, #tpu.memory_space<vmem>>
        %dma_start3A_77 = arith.constant 0 : i32
        %dma_start3A_78 = tpu.memref_slice %arg9[%dma_start3A, %dma_start3A_77] : memref<40x128xi32, #tpu.memory_space<vmem>> -> memref<1x128xi32, #tpu.memory_space<vmem>>
        %dma_start3A_79 = tpu.memref_squeeze %dma_start3A_78 : memref<1x128xi32, #tpu.memory_space<vmem>> -> memref<128xi32, #tpu.memory_space<vmem>>
        %dma_start3A_80 = arith.constant 0 : i32
        %dma_start3A_81 = arith.constant 0 : i32
        %dma_start3A_82 = tpu.memref_slice %arg2[%dma_start3A_80, %dma_start3A_81] : memref<160000x32xf32, #tpu.memory_space<hbm>> -> memref<160000x32xf32, #tpu.memory_space<hbm>>
        tpu.enqueue_indirect_dma source(%dma_start3A_82 : memref<160000x32xf32, #tpu.memory_space<hbm>>) target(%dma_start3A_76 : memref<128x32xf32, #tpu.memory_space<vmem>>) offsets(%dma_start3A_79 : memref<128xi32, #tpu.memory_space<vmem>>) semaphore(%arg14 : memref<!tpu.dma_semaphore, #tpu.memory_space<semaphore_mem>>)
      } else {
      }
      %gt3A_51 = arith.constant 3 : i32
      %gt3A_52 = arith.cmpi sgt, %select_n3A, %gt3A_51 : i32
      %convert_element_type3A_53 = arith.extui %gt3A_52 : i1 to i32
      %cond3A_54 = arith.constant 0 : i32
      %cond3A_55 = arith.cmpi ne, %convert_element_type3A_53, %cond3A_54 : i32
      scf.if %cond3A_55 {
        %dma_start3A = arith.constant 3 : i32
        %dma_start3A_72 = arith.constant 3 : i32
        %dma_start3A_73 = arith.constant 0 : i32
        %dma_start3A_74 = arith.constant 0 : i32
        %dma_start3A_75 = tpu.memref_slice %arg10[%dma_start3A_72, %dma_start3A_73, %dma_start3A_74] : memref<4x128x32xf32, #tpu.memory_space<vmem>> -> memref<1x128x32xf32, #tpu.memory_space<vmem>>
        %dma_start3A_76 = tpu.memref_squeeze %dma_start3A_75 : memref<1x128x32xf32, #tpu.memory_space<vmem>> -> memref<128x32xf32, #tpu.memory_space<vmem>>
        %dma_start3A_77 = arith.constant 0 : i32
        %dma_start3A_78 = tpu.memref_slice %arg9[%dma_start3A, %dma_start3A_77] : memref<40x128xi32, #tpu.memory_space<vmem>> -> memref<1x128xi32, #tpu.memory_space<vmem>>
        %dma_start3A_79 = tpu.memref_squeeze %dma_start3A_78 : memref<1x128xi32, #tpu.memory_space<vmem>> -> memref<128xi32, #tpu.memory_space<vmem>>
        %dma_start3A_80 = arith.constant 0 : i32
        %dma_start3A_81 = arith.constant 0 : i32
        %dma_start3A_82 = tpu.memref_slice %arg2[%dma_start3A_80, %dma_start3A_81] : memref<160000x32xf32, #tpu.memory_space<hbm>> -> memref<160000x32xf32, #tpu.memory_space<hbm>>
        tpu.enqueue_indirect_dma source(%dma_start3A_82 : memref<160000x32xf32, #tpu.memory_space<hbm>>) target(%dma_start3A_76 : memref<128x32xf32, #tpu.memory_space<vmem>>) offsets(%dma_start3A_79 : memref<128xi32, #tpu.memory_space<vmem>>) semaphore(%arg15 : memref<!tpu.dma_semaphore, #tpu.memory_space<semaphore_mem>>)
      } else {
      }
      %scan3A_56 = arith.constant 0 : i32
      %scan3A_57 = arith.constant 0 : i32
      %scan3A_58 = arith.constant 10 : i32
      %scan3A_59 = arith.addi %scan3A_57, %scan3A_58 : i32
      %scan3A_60 = arith.constant 1 : i32
      %scan3A_61 = scf.for %scan3A_72 = %scan3A_57 to %scan3A_59 step %scan3A_60 iter_args(%scan3A_73 = %scan3A_56) -> (i32)  : i32 {
        %mul3A_74 = arith.constant 4 : i32
        %mul3A_75 = arith.muli %scan3A_72, %mul3A_74 : i32
        %add3A_76 = arith.constant 0 : i32
        %add3A_77 = arith.addi %mul3A_75, %add3A_76 : i32
        %lt3A = arith.cmpi slt, %add3A_77, %select_n3A : i32
        %convert_element_type3A_78 = arith.extui %lt3A : i1 to i32
        %cond3A_79 = arith.constant 0 : i32
        %cond3A_80 = arith.cmpi ne, %convert_element_type3A_78, %cond3A_79 : i32
        scf.if %cond3A_80 {
          %dma_wait3A = arith.constant 0 : i32
          %dma_wait3A_130 = arith.constant 0 : i32
          %dma_wait3A_131 = arith.constant 0 : i32
          %dma_wait3A_132 = arith.constant 0 : i32
          %dma_wait3A_133 = tpu.memref_slice %arg10[%dma_wait3A_130, %dma_wait3A_131, %dma_wait3A_132] : memref<4x128x32xf32, #tpu.memory_space<vmem>> -> memref<1x128x32xf32, #tpu.memory_space<vmem>>
          %dma_wait3A_134 = tpu.memref_squeeze %dma_wait3A_133 : memref<1x128x32xf32, #tpu.memory_space<vmem>> -> memref<128x32xf32, #tpu.memory_space<vmem>>
          %dma_wait3A_135 = arith.constant 0 : i32
          %dma_wait3A_136 = tpu.memref_slice %arg9[%dma_wait3A, %dma_wait3A_135] : memref<40x128xi32, #tpu.memory_space<vmem>> -> memref<1x128xi32, #tpu.memory_space<vmem>>
          %dma_wait3A_137 = tpu.memref_squeeze %dma_wait3A_136 : memref<1x128xi32, #tpu.memory_space<vmem>> -> memref<128xi32, #tpu.memory_space<vmem>>
          %dma_wait3A_138 = arith.constant 0 : i32
          %dma_wait3A_139 = arith.constant 0 : i32
          %dma_wait3A_140 = tpu.memref_slice %arg2[%dma_wait3A_138, %dma_wait3A_139] : memref<160000x32xf32, #tpu.memory_space<hbm>> -> memref<160000x32xf32, #tpu.memory_space<hbm>>
          tpu.wait_indirect_dma semaphore(%arg12 : memref<!tpu.dma_semaphore, #tpu.memory_space<semaphore_mem>>) src(%dma_wait3A_140 : memref<160000x32xf32, #tpu.memory_space<hbm>>) dst(%dma_wait3A_134 : memref<128x32xf32, #tpu.memory_space<vmem>>)
          %dma_start3A = arith.constant 0 : i32
          %dma_start3A_141 = arith.constant 0 : i32
          %dma_start3A_142 = arith.constant 0 : i32
          %dma_start3A_143 = tpu.memref_slice %arg10[%dma_start3A, %dma_start3A_141, %dma_start3A_142] : memref<4x128x32xf32, #tpu.memory_space<vmem>> -> memref<1x128x32xf32, #tpu.memory_space<vmem>>
          %dma_start3A_144 = tpu.memref_squeeze %dma_start3A_143 : memref<1x128x32xf32, #tpu.memory_space<vmem>> -> memref<128x32xf32, #tpu.memory_space<vmem>>
          %dma_start3A_145 = arith.constant 0 : i32
          %dma_start3A_146 = tpu.memref_slice %arg8[%add3A_77, %dma_start3A_145] : memref<40x128xi32, #tpu.memory_space<vmem>> -> memref<1x128xi32, #tpu.memory_space<vmem>>
          %dma_start3A_147 = tpu.memref_squeeze %dma_start3A_146 : memref<1x128xi32, #tpu.memory_space<vmem>> -> memref<128xi32, #tpu.memory_space<vmem>>
          %dma_start3A_148 = arith.constant 0 : i32
          %dma_start3A_149 = arith.constant 0 : i32
          %dma_start3A_150 = tpu.memref_slice %arg6[%dma_start3A_148, %dma_start3A_149] : memref<40960x32xf32, #tpu.memory_space<vmem_shared>> -> memref<40960x32xf32, #tpu.memory_space<vmem_shared>>
          tpu.enqueue_indirect_dma source(%dma_start3A_144 : memref<128x32xf32, #tpu.memory_space<vmem>>) target(%dma_start3A_150 : memref<40960x32xf32, #tpu.memory_space<vmem_shared>>) offsets(%dma_start3A_147 : memref<128xi32, #tpu.memory_space<vmem>>) semaphore(%arg16 : memref<!tpu.dma_semaphore, #tpu.memory_space<semaphore_mem>>) {add = true}
          %dma_wait3A_151 = arith.constant 0 : i32
          %dma_wait3A_152 = arith.constant 0 : i32
          %dma_wait3A_153 = arith.constant 0 : i32
          %dma_wait3A_154 = tpu.memref_slice %arg10[%dma_wait3A_151, %dma_wait3A_152, %dma_wait3A_153] : memref<4x128x32xf32, #tpu.memory_space<vmem>> -> memref<1x128x32xf32, #tpu.memory_space<vmem>>
          %dma_wait3A_155 = tpu.memref_squeeze %dma_wait3A_154 : memref<1x128x32xf32, #tpu.memory_space<vmem>> -> memref<128x32xf32, #tpu.memory_space<vmem>>
          %dma_wait3A_156 = arith.constant 0 : i32
          %dma_wait3A_157 = tpu.memref_slice %arg8[%add3A_77, %dma_wait3A_156] : memref<40x128xi32, #tpu.memory_space<vmem>> -> memref<1x128xi32, #tpu.memory_space<vmem>>
          %dma_wait3A_158 = tpu.memref_squeeze %dma_wait3A_157 : memref<1x128xi32, #tpu.memory_space<vmem>> -> memref<128xi32, #tpu.memory_space<vmem>>
          %dma_wait3A_159 = arith.constant 0 : i32
          %dma_wait3A_160 = arith.constant 0 : i32
          %dma_wait3A_161 = tpu.memref_slice %arg6[%dma_wait3A_159, %dma_wait3A_160] : memref<40960x32xf32, #tpu.memory_space<vmem_shared>> -> memref<40960x32xf32, #tpu.memory_space<vmem_shared>>
          tpu.wait_indirect_dma semaphore(%arg16 : memref<!tpu.dma_semaphore, #tpu.memory_space<semaphore_mem>>) src(%dma_wait3A_155 : memref<128x32xf32, #tpu.memory_space<vmem>>) dst(%dma_wait3A_161 : memref<40960x32xf32, #tpu.memory_space<vmem_shared>>)
        } else {
        }
        %add3A_81 = arith.constant 4 : i32
        %add3A_82 = arith.addi %add3A_77, %add3A_81 : i32
        %lt3A_83 = arith.cmpi slt, %add3A_82, %select_n3A : i32
        %convert_element_type3A_84 = arith.extui %lt3A_83 : i1 to i32
        %cond3A_85 = arith.constant 0 : i32
        %cond3A_86 = arith.cmpi ne, %convert_element_type3A_84, %cond3A_85 : i32
        scf.if %cond3A_86 {
          %add3A_130 = arith.constant 4 : i32
          %add3A_131 = arith.addi %add3A_77, %add3A_130 : i32
          %dma_start3A = arith.constant 0 : i32
          %dma_start3A_132 = arith.constant 0 : i32
          %dma_start3A_133 = arith.constant 0 : i32
          %dma_start3A_134 = tpu.memref_slice %arg10[%dma_start3A, %dma_start3A_132, %dma_start3A_133] : memref<4x128x32xf32, #tpu.memory_space<vmem>> -> memref<1x128x32xf32, #tpu.memory_space<vmem>>
          %dma_start3A_135 = tpu.memref_squeeze %dma_start3A_134 : memref<1x128x32xf32, #tpu.memory_space<vmem>> -> memref<128x32xf32, #tpu.memory_space<vmem>>
          %dma_start3A_136 = arith.constant 0 : i32
          %dma_start3A_137 = tpu.memref_slice %arg9[%add3A_131, %dma_start3A_136] : memref<40x128xi32, #tpu.memory_space<vmem>> -> memref<1x128xi32, #tpu.memory_space<vmem>>
          %dma_start3A_138 = tpu.memref_squeeze %dma_start3A_137 : memref<1x128xi32, #tpu.memory_space<vmem>> -> memref<128xi32, #tpu.memory_space<vmem>>
          %dma_start3A_139 = arith.constant 0 : i32
          %dma_start3A_140 = arith.constant 0 : i32
          %dma_start3A_141 = tpu.memref_slice %arg2[%dma_start3A_139, %dma_start3A_140] : memref<160000x32xf32, #tpu.memory_space<hbm>> -> memref<160000x32xf32, #tpu.memory_space<hbm>>
          tpu.enqueue_indirect_dma source(%dma_start3A_141 : memref<160000x32xf32, #tpu.memory_space<hbm>>) target(%dma_start3A_135 : memref<128x32xf32, #tpu.memory_space<vmem>>) offsets(%dma_start3A_138 : memref<128xi32, #tpu.memory_space<vmem>>) semaphore(%arg12 : memref<!tpu.dma_semaphore, #tpu.memory_space<semaphore_mem>>)
        } else {
        }
        %mul3A_87 = arith.constant 4 : i32
        %mul3A_88 = arith.muli %scan3A_72, %mul3A_87 : i32
        %add3A_89 = arith.constant 1 : i32
        %add3A_90 = arith.addi %mul3A_88, %add3A_89 : i32
        %lt3A_91 = arith.cmpi slt, %add3A_90, %select_n3A : i32
        %convert_element_type3A_92 = arith.extui %lt3A_91 : i1 to i32
        %cond3A_93 = arith.constant 0 : i32
        %cond3A_94 = arith.cmpi ne, %convert_element_type3A_92, %cond3A_93 : i32
        scf.if %cond3A_94 {
          %dma_wait3A = arith.constant 1 : i32
          %dma_wait3A_130 = arith.constant 1 : i32
          %dma_wait3A_131 = arith.constant 0 : i32
          %dma_wait3A_132 = arith.constant 0 : i32
          %dma_wait3A_133 = tpu.memref_slice %arg10[%dma_wait3A_130, %dma_wait3A_131, %dma_wait3A_132] : memref<4x128x32xf32, #tpu.memory_space<vmem>> -> memref<1x128x32xf32, #tpu.memory_space<vmem>>
          %dma_wait3A_134 = tpu.memref_squeeze %dma_wait3A_133 : memref<1x128x32xf32, #tpu.memory_space<vmem>> -> memref<128x32xf32, #tpu.memory_space<vmem>>
          %dma_wait3A_135 = arith.constant 0 : i32
          %dma_wait3A_136 = tpu.memref_slice %arg9[%dma_wait3A, %dma_wait3A_135] : memref<40x128xi32, #tpu.memory_space<vmem>> -> memref<1x128xi32, #tpu.memory_space<vmem>>
          %dma_wait3A_137 = tpu.memref_squeeze %dma_wait3A_136 : memref<1x128xi32, #tpu.memory_space<vmem>> -> memref<128xi32, #tpu.memory_space<vmem>>
          %dma_wait3A_138 = arith.constant 0 : i32
          %dma_wait3A_139 = arith.constant 0 : i32
          %dma_wait3A_140 = tpu.memref_slice %arg2[%dma_wait3A_138, %dma_wait3A_139] : memref<160000x32xf32, #tpu.memory_space<hbm>> -> memref<160000x32xf32, #tpu.memory_space<hbm>>
          tpu.wait_indirect_dma semaphore(%arg13 : memref<!tpu.dma_semaphore, #tpu.memory_space<semaphore_mem>>) src(%dma_wait3A_140 : memref<160000x32xf32, #tpu.memory_space<hbm>>) dst(%dma_wait3A_134 : memref<128x32xf32, #tpu.memory_space<vmem>>)
          %dma_start3A = arith.constant 1 : i32
          %dma_start3A_141 = arith.constant 0 : i32
          %dma_start3A_142 = arith.constant 0 : i32
          %dma_start3A_143 = tpu.memref_slice %arg10[%dma_start3A, %dma_start3A_141, %dma_start3A_142] : memref<4x128x32xf32, #tpu.memory_space<vmem>> -> memref<1x128x32xf32, #tpu.memory_space<vmem>>
          %dma_start3A_144 = tpu.memref_squeeze %dma_start3A_143 : memref<1x128x32xf32, #tpu.memory_space<vmem>> -> memref<128x32xf32, #tpu.memory_space<vmem>>
          %dma_start3A_145 = arith.constant 0 : i32
          %dma_start3A_146 = tpu.memref_slice %arg8[%add3A_90, %dma_start3A_145] : memref<40x128xi32, #tpu.memory_space<vmem>> -> memref<1x128xi32, #tpu.memory_space<vmem>>
          %dma_start3A_147 = tpu.memref_squeeze %dma_start3A_146 : memref<1x128xi32, #tpu.memory_space<vmem>> -> memref<128xi32, #tpu.memory_space<vmem>>
          %dma_start3A_148 = arith.constant 0 : i32
          %dma_start3A_149 = arith.constant 0 : i32
          %dma_start3A_150 = tpu.memref_slice %arg6[%dma_start3A_148, %dma_start3A_149] : memref<40960x32xf32, #tpu.memory_space<vmem_shared>> -> memref<40960x32xf32, #tpu.memory_space<vmem_shared>>
          tpu.enqueue_indirect_dma source(%dma_start3A_144 : memref<128x32xf32, #tpu.memory_space<vmem>>) target(%dma_start3A_150 : memref<40960x32xf32, #tpu.memory_space<vmem_shared>>) offsets(%dma_start3A_147 : memref<128xi32, #tpu.memory_space<vmem>>) semaphore(%arg17 : memref<!tpu.dma_semaphore, #tpu.memory_space<semaphore_mem>>) {add = true}
          %dma_wait3A_151 = arith.constant 1 : i32
          %dma_wait3A_152 = arith.constant 0 : i32
          %dma_wait3A_153 = arith.constant 0 : i32
          %dma_wait3A_154 = tpu.memref_slice %arg10[%dma_wait3A_151, %dma_wait3A_152, %dma_wait3A_153] : memref<4x128x32xf32, #tpu.memory_space<vmem>> -> memref<1x128x32xf32, #tpu.memory_space<vmem>>
          %dma_wait3A_155 = tpu.memref_squeeze %dma_wait3A_154 : memref<1x128x32xf32, #tpu.memory_space<vmem>> -> memref<128x32xf32, #tpu.memory_space<vmem>>
          %dma_wait3A_156 = arith.constant 0 : i32
          %dma_wait3A_157 = tpu.memref_slice %arg8[%add3A_90, %dma_wait3A_156] : memref<40x128xi32, #tpu.memory_space<vmem>> -> memref<1x128xi32, #tpu.memory_space<vmem>>
          %dma_wait3A_158 = tpu.memref_squeeze %dma_wait3A_157 : memref<1x128xi32, #tpu.memory_space<vmem>> -> memref<128xi32, #tpu.memory_space<vmem>>
          %dma_wait3A_159 = arith.constant 0 : i32
          %dma_wait3A_160 = arith.constant 0 : i32
          %dma_wait3A_161 = tpu.memref_slice %arg6[%dma_wait3A_159, %dma_wait3A_160] : memref<40960x32xf32, #tpu.memory_space<vmem_shared>> -> memref<40960x32xf32, #tpu.memory_space<vmem_shared>>
          tpu.wait_indirect_dma semaphore(%arg17 : memref<!tpu.dma_semaphore, #tpu.memory_space<semaphore_mem>>) src(%dma_wait3A_155 : memref<128x32xf32, #tpu.memory_space<vmem>>) dst(%dma_wait3A_161 : memref<40960x32xf32, #tpu.memory_space<vmem_shared>>)
        } else {
        }
        %add3A_95 = arith.constant 4 : i32
        %add3A_96 = arith.addi %add3A_90, %add3A_95 : i32
        %lt3A_97 = arith.cmpi slt, %add3A_96, %select_n3A : i32
        %convert_element_type3A_98 = arith.extui %lt3A_97 : i1 to i32
        %cond3A_99 = arith.constant 0 : i32
        %cond3A_100 = arith.cmpi ne, %convert_element_type3A_98, %cond3A_99 : i32
        scf.if %cond3A_100 {
          %add3A_130 = arith.constant 4 : i32
          %add3A_131 = arith.addi %add3A_90, %add3A_130 : i32
          %dma_start3A = arith.constant 1 : i32
          %dma_start3A_132 = arith.constant 0 : i32
          %dma_start3A_133 = arith.constant 0 : i32
          %dma_start3A_134 = tpu.memref_slice %arg10[%dma_start3A, %dma_start3A_132, %dma_start3A_133] : memref<4x128x32xf32, #tpu.memory_space<vmem>> -> memref<1x128x32xf32, #tpu.memory_space<vmem>>
          %dma_start3A_135 = tpu.memref_squeeze %dma_start3A_134 : memref<1x128x32xf32, #tpu.memory_space<vmem>> -> memref<128x32xf32, #tpu.memory_space<vmem>>
          %dma_start3A_136 = arith.constant 0 : i32
          %dma_start3A_137 = tpu.memref_slice %arg9[%add3A_131, %dma_start3A_136] : memref<40x128xi32, #tpu.memory_space<vmem>> -> memref<1x128xi32, #tpu.memory_space<vmem>>
          %dma_start3A_138 = tpu.memref_squeeze %dma_start3A_137 : memref<1x128xi32, #tpu.memory_space<vmem>> -> memref<128xi32, #tpu.memory_space<vmem>>
          %dma_start3A_139 = arith.constant 0 : i32
          %dma_start3A_140 = arith.constant 0 : i32
          %dma_start3A_141 = tpu.memref_slice %arg2[%dma_start3A_139, %dma_start3A_140] : memref<160000x32xf32, #tpu.memory_space<hbm>> -> memref<160000x32xf32, #tpu.memory_space<hbm>>
          tpu.enqueue_indirect_dma source(%dma_start3A_141 : memref<160000x32xf32, #tpu.memory_space<hbm>>) target(%dma_start3A_135 : memref<128x32xf32, #tpu.memory_space<vmem>>) offsets(%dma_start3A_138 : memref<128xi32, #tpu.memory_space<vmem>>) semaphore(%arg13 : memref<!tpu.dma_semaphore, #tpu.memory_space<semaphore_mem>>)
        } else {
        }
        %mul3A_101 = arith.constant 4 : i32
        %mul3A_102 = arith.muli %scan3A_72, %mul3A_101 : i32
        %add3A_103 = arith.constant 2 : i32
        %add3A_104 = arith.addi %mul3A_102, %add3A_103 : i32
        %lt3A_105 = arith.cmpi slt, %add3A_104, %select_n3A : i32
        %convert_element_type3A_106 = arith.extui %lt3A_105 : i1 to i32
        %cond3A_107 = arith.constant 0 : i32
        %cond3A_108 = arith.cmpi ne, %convert_element_type3A_106, %cond3A_107 : i32
        scf.if %cond3A_108 {
          %dma_wait3A = arith.constant 2 : i32
          %dma_wait3A_130 = arith.constant 2 : i32
          %dma_wait3A_131 = arith.constant 0 : i32
          %dma_wait3A_132 = arith.constant 0 : i32
          %dma_wait3A_133 = tpu.memref_slice %arg10[%dma_wait3A_130, %dma_wait3A_131, %dma_wait3A_132] : memref<4x128x32xf32, #tpu.memory_space<vmem>> -> memref<1x128x32xf32, #tpu.memory_space<vmem>>
          %dma_wait3A_134 = tpu.memref_squeeze %dma_wait3A_133 : memref<1x128x32xf32, #tpu.memory_space<vmem>> -> memref<128x32xf32, #tpu.memory_space<vmem>>
          %dma_wait3A_135 = arith.constant 0 : i32
          %dma_wait3A_136 = tpu.memref_slice %arg9[%dma_wait3A, %dma_wait3A_135] : memref<40x128xi32, #tpu.memory_space<vmem>> -> memref<1x128xi32, #tpu.memory_space<vmem>>
          %dma_wait3A_137 = tpu.memref_squeeze %dma_wait3A_136 : memref<1x128xi32, #tpu.memory_space<vmem>> -> memref<128xi32, #tpu.memory_space<vmem>>
          %dma_wait3A_138 = arith.constant 0 : i32
          %dma_wait3A_139 = arith.constant 0 : i32
          %dma_wait3A_140 = tpu.memref_slice %arg2[%dma_wait3A_138, %dma_wait3A_139] : memref<160000x32xf32, #tpu.memory_space<hbm>> -> memref<160000x32xf32, #tpu.memory_space<hbm>>
          tpu.wait_indirect_dma semaphore(%arg14 : memref<!tpu.dma_semaphore, #tpu.memory_space<semaphore_mem>>) src(%dma_wait3A_140 : memref<160000x32xf32, #tpu.memory_space<hbm>>) dst(%dma_wait3A_134 : memref<128x32xf32, #tpu.memory_space<vmem>>)
          %dma_start3A = arith.constant 2 : i32
          %dma_start3A_141 = arith.constant 0 : i32
          %dma_start3A_142 = arith.constant 0 : i32
          %dma_start3A_143 = tpu.memref_slice %arg10[%dma_start3A, %dma_start3A_141, %dma_start3A_142] : memref<4x128x32xf32, #tpu.memory_space<vmem>> -> memref<1x128x32xf32, #tpu.memory_space<vmem>>
          %dma_start3A_144 = tpu.memref_squeeze %dma_start3A_143 : memref<1x128x32xf32, #tpu.memory_space<vmem>> -> memref<128x32xf32, #tpu.memory_space<vmem>>
          %dma_start3A_145 = arith.constant 0 : i32
          %dma_start3A_146 = tpu.memref_slice %arg8[%add3A_104, %dma_start3A_145] : memref<40x128xi32, #tpu.memory_space<vmem>> -> memref<1x128xi32, #tpu.memory_space<vmem>>
          %dma_start3A_147 = tpu.memref_squeeze %dma_start3A_146 : memref<1x128xi32, #tpu.memory_space<vmem>> -> memref<128xi32, #tpu.memory_space<vmem>>
          %dma_start3A_148 = arith.constant 0 : i32
          %dma_start3A_149 = arith.constant 0 : i32
          %dma_start3A_150 = tpu.memref_slice %arg6[%dma_start3A_148, %dma_start3A_149] : memref<40960x32xf32, #tpu.memory_space<vmem_shared>> -> memref<40960x32xf32, #tpu.memory_space<vmem_shared>>
          tpu.enqueue_indirect_dma source(%dma_start3A_144 : memref<128x32xf32, #tpu.memory_space<vmem>>) target(%dma_start3A_150 : memref<40960x32xf32, #tpu.memory_space<vmem_shared>>) offsets(%dma_start3A_147 : memref<128xi32, #tpu.memory_space<vmem>>) semaphore(%arg18 : memref<!tpu.dma_semaphore, #tpu.memory_space<semaphore_mem>>) {add = true}
          %dma_wait3A_151 = arith.constant 2 : i32
          %dma_wait3A_152 = arith.constant 0 : i32
          %dma_wait3A_153 = arith.constant 0 : i32
          %dma_wait3A_154 = tpu.memref_slice %arg10[%dma_wait3A_151, %dma_wait3A_152, %dma_wait3A_153] : memref<4x128x32xf32, #tpu.memory_space<vmem>> -> memref<1x128x32xf32, #tpu.memory_space<vmem>>
          %dma_wait3A_155 = tpu.memref_squeeze %dma_wait3A_154 : memref<1x128x32xf32, #tpu.memory_space<vmem>> -> memref<128x32xf32, #tpu.memory_space<vmem>>
          %dma_wait3A_156 = arith.constant 0 : i32
          %dma_wait3A_157 = tpu.memref_slice %arg8[%add3A_104, %dma_wait3A_156] : memref<40x128xi32, #tpu.memory_space<vmem>> -> memref<1x128xi32, #tpu.memory_space<vmem>>
          %dma_wait3A_158 = tpu.memref_squeeze %dma_wait3A_157 : memref<1x128xi32, #tpu.memory_space<vmem>> -> memref<128xi32, #tpu.memory_space<vmem>>
          %dma_wait3A_159 = arith.constant 0 : i32
          %dma_wait3A_160 = arith.constant 0 : i32
          %dma_wait3A_161 = tpu.memref_slice %arg6[%dma_wait3A_159, %dma_wait3A_160] : memref<40960x32xf32, #tpu.memory_space<vmem_shared>> -> memref<40960x32xf32, #tpu.memory_space<vmem_shared>>
          tpu.wait_indirect_dma semaphore(%arg18 : memref<!tpu.dma_semaphore, #tpu.memory_space<semaphore_mem>>) src(%dma_wait3A_155 : memref<128x32xf32, #tpu.memory_space<vmem>>) dst(%dma_wait3A_161 : memref<40960x32xf32, #tpu.memory_space<vmem_shared>>)
        } else {
        }
        %add3A_109 = arith.constant 4 : i32
        %add3A_110 = arith.addi %add3A_104, %add3A_109 : i32
        %lt3A_111 = arith.cmpi slt, %add3A_110, %select_n3A : i32
        %convert_element_type3A_112 = arith.extui %lt3A_111 : i1 to i32
        %cond3A_113 = arith.constant 0 : i32
        %cond3A_114 = arith.cmpi ne, %convert_element_type3A_112, %cond3A_113 : i32
        scf.if %cond3A_114 {
          %add3A_130 = arith.constant 4 : i32
          %add3A_131 = arith.addi %add3A_104, %add3A_130 : i32
          %dma_start3A = arith.constant 2 : i32
          %dma_start3A_132 = arith.constant 0 : i32
          %dma_start3A_133 = arith.constant 0 : i32
          %dma_start3A_134 = tpu.memref_slice %arg10[%dma_start3A, %dma_start3A_132, %dma_start3A_133] : memref<4x128x32xf32, #tpu.memory_space<vmem>> -> memref<1x128x32xf32, #tpu.memory_space<vmem>>
          %dma_start3A_135 = tpu.memref_squeeze %dma_start3A_134 : memref<1x128x32xf32, #tpu.memory_space<vmem>> -> memref<128x32xf32, #tpu.memory_space<vmem>>
          %dma_start3A_136 = arith.constant 0 : i32
          %dma_start3A_137 = tpu.memref_slice %arg9[%add3A_131, %dma_start3A_136] : memref<40x128xi32, #tpu.memory_space<vmem>> -> memref<1x128xi32, #tpu.memory_space<vmem>>
          %dma_start3A_138 = tpu.memref_squeeze %dma_start3A_137 : memref<1x128xi32, #tpu.memory_space<vmem>> -> memref<128xi32, #tpu.memory_space<vmem>>
          %dma_start3A_139 = arith.constant 0 : i32
          %dma_start3A_140 = arith.constant 0 : i32
          %dma_start3A_141 = tpu.memref_slice %arg2[%dma_start3A_139, %dma_start3A_140] : memref<160000x32xf32, #tpu.memory_space<hbm>> -> memref<160000x32xf32, #tpu.memory_space<hbm>>
          tpu.enqueue_indirect_dma source(%dma_start3A_141 : memref<160000x32xf32, #tpu.memory_space<hbm>>) target(%dma_start3A_135 : memref<128x32xf32, #tpu.memory_space<vmem>>) offsets(%dma_start3A_138 : memref<128xi32, #tpu.memory_space<vmem>>) semaphore(%arg14 : memref<!tpu.dma_semaphore, #tpu.memory_space<semaphore_mem>>)
        } else {
        }
        %mul3A_115 = arith.constant 4 : i32
        %mul3A_116 = arith.muli %scan3A_72, %mul3A_115 : i32
        %add3A_117 = arith.constant 3 : i32
        %add3A_118 = arith.addi %mul3A_116, %add3A_117 : i32
        %lt3A_119 = arith.cmpi slt, %add3A_118, %select_n3A : i32
        %convert_element_type3A_120 = arith.extui %lt3A_119 : i1 to i32
        %cond3A_121 = arith.constant 0 : i32
        %cond3A_122 = arith.cmpi ne, %convert_element_type3A_120, %cond3A_121 : i32
        scf.if %cond3A_122 {
          %dma_wait3A = arith.constant 3 : i32
          %dma_wait3A_130 = arith.constant 3 : i32
          %dma_wait3A_131 = arith.constant 0 : i32
          %dma_wait3A_132 = arith.constant 0 : i32
          %dma_wait3A_133 = tpu.memref_slice %arg10[%dma_wait3A_130, %dma_wait3A_131, %dma_wait3A_132] : memref<4x128x32xf32, #tpu.memory_space<vmem>> -> memref<1x128x32xf32, #tpu.memory_space<vmem>>
          %dma_wait3A_134 = tpu.memref_squeeze %dma_wait3A_133 : memref<1x128x32xf32, #tpu.memory_space<vmem>> -> memref<128x32xf32, #tpu.memory_space<vmem>>
          %dma_wait3A_135 = arith.constant 0 : i32
          %dma_wait3A_136 = tpu.memref_slice %arg9[%dma_wait3A, %dma_wait3A_135] : memref<40x128xi32, #tpu.memory_space<vmem>> -> memref<1x128xi32, #tpu.memory_space<vmem>>
          %dma_wait3A_137 = tpu.memref_squeeze %dma_wait3A_136 : memref<1x128xi32, #tpu.memory_space<vmem>> -> memref<128xi32, #tpu.memory_space<vmem>>
          %dma_wait3A_138 = arith.constant 0 : i32
          %dma_wait3A_139 = arith.constant 0 : i32
          %dma_wait3A_140 = tpu.memref_slice %arg2[%dma_wait3A_138, %dma_wait3A_139] : memref<160000x32xf32, #tpu.memory_space<hbm>> -> memref<160000x32xf32, #tpu.memory_space<hbm>>
          tpu.wait_indirect_dma semaphore(%arg15 : memref<!tpu.dma_semaphore, #tpu.memory_space<semaphore_mem>>) src(%dma_wait3A_140 : memref<160000x32xf32, #tpu.memory_space<hbm>>) dst(%dma_wait3A_134 : memref<128x32xf32, #tpu.memory_space<vmem>>)
          %dma_start3A = arith.constant 3 : i32
          %dma_start3A_141 = arith.constant 0 : i32
          %dma_start3A_142 = arith.constant 0 : i32
          %dma_start3A_143 = tpu.memref_slice %arg10[%dma_start3A, %dma_start3A_141, %dma_start3A_142] : memref<4x128x32xf32, #tpu.memory_space<vmem>> -> memref<1x128x32xf32, #tpu.memory_space<vmem>>
          %dma_start3A_144 = tpu.memref_squeeze %dma_start3A_143 : memref<1x128x32xf32, #tpu.memory_space<vmem>> -> memref<128x32xf32, #tpu.memory_space<vmem>>
          %dma_start3A_145 = arith.constant 0 : i32
          %dma_start3A_146 = tpu.memref_slice %arg8[%add3A_118, %dma_start3A_145] : memref<40x128xi32, #tpu.memory_space<vmem>> -> memref<1x128xi32, #tpu.memory_space<vmem>>
          %dma_start3A_147 = tpu.memref_squeeze %dma_start3A_146 : memref<1x128xi32, #tpu.memory_space<vmem>> -> memref<128xi32, #tpu.memory_space<vmem>>
          %dma_start3A_148 = arith.constant 0 : i32
          %dma_start3A_149 = arith.constant 0 : i32
          %dma_start3A_150 = tpu.memref_slice %arg6[%dma_start3A_148, %dma_start3A_149] : memref<40960x32xf32, #tpu.memory_space<vmem_shared>> -> memref<40960x32xf32, #tpu.memory_space<vmem_shared>>
          tpu.enqueue_indirect_dma source(%dma_start3A_144 : memref<128x32xf32, #tpu.memory_space<vmem>>) target(%dma_start3A_150 : memref<40960x32xf32, #tpu.memory_space<vmem_shared>>) offsets(%dma_start3A_147 : memref<128xi32, #tpu.memory_space<vmem>>) semaphore(%arg19 : memref<!tpu.dma_semaphore, #tpu.memory_space<semaphore_mem>>) {add = true}
          %dma_wait3A_151 = arith.constant 3 : i32
          %dma_wait3A_152 = arith.constant 0 : i32
          %dma_wait3A_153 = arith.constant 0 : i32
          %dma_wait3A_154 = tpu.memref_slice %arg10[%dma_wait3A_151, %dma_wait3A_152, %dma_wait3A_153] : memref<4x128x32xf32, #tpu.memory_space<vmem>> -> memref<1x128x32xf32, #tpu.memory_space<vmem>>
          %dma_wait3A_155 = tpu.memref_squeeze %dma_wait3A_154 : memref<1x128x32xf32, #tpu.memory_space<vmem>> -> memref<128x32xf32, #tpu.memory_space<vmem>>
          %dma_wait3A_156 = arith.constant 0 : i32
          %dma_wait3A_157 = tpu.memref_slice %arg8[%add3A_118, %dma_wait3A_156] : memref<40x128xi32, #tpu.memory_space<vmem>> -> memref<1x128xi32, #tpu.memory_space<vmem>>
          %dma_wait3A_158 = tpu.memref_squeeze %dma_wait3A_157 : memref<1x128xi32, #tpu.memory_space<vmem>> -> memref<128xi32, #tpu.memory_space<vmem>>
          %dma_wait3A_159 = arith.constant 0 : i32
          %dma_wait3A_160 = arith.constant 0 : i32
          %dma_wait3A_161 = tpu.memref_slice %arg6[%dma_wait3A_159, %dma_wait3A_160] : memref<40960x32xf32, #tpu.memory_space<vmem_shared>> -> memref<40960x32xf32, #tpu.memory_space<vmem_shared>>
          tpu.wait_indirect_dma semaphore(%arg19 : memref<!tpu.dma_semaphore, #tpu.memory_space<semaphore_mem>>) src(%dma_wait3A_155 : memref<128x32xf32, #tpu.memory_space<vmem>>) dst(%dma_wait3A_161 : memref<40960x32xf32, #tpu.memory_space<vmem_shared>>)
        } else {
        }
        %add3A_123 = arith.constant 4 : i32
        %add3A_124 = arith.addi %add3A_118, %add3A_123 : i32
        %lt3A_125 = arith.cmpi slt, %add3A_124, %select_n3A : i32
        %convert_element_type3A_126 = arith.extui %lt3A_125 : i1 to i32
        %cond3A_127 = arith.constant 0 : i32
        %cond3A_128 = arith.cmpi ne, %convert_element_type3A_126, %cond3A_127 : i32
        scf.if %cond3A_128 {
          %add3A_130 = arith.constant 4 : i32
          %add3A_131 = arith.addi %add3A_118, %add3A_130 : i32
          %dma_start3A = arith.constant 3 : i32
          %dma_start3A_132 = arith.constant 0 : i32
          %dma_start3A_133 = arith.constant 0 : i32
          %dma_start3A_134 = tpu.memref_slice %arg10[%dma_start3A, %dma_start3A_132, %dma_start3A_133] : memref<4x128x32xf32, #tpu.memory_space<vmem>> -> memref<1x128x32xf32, #tpu.memory_space<vmem>>
          %dma_start3A_135 = tpu.memref_squeeze %dma_start3A_134 : memref<1x128x32xf32, #tpu.memory_space<vmem>> -> memref<128x32xf32, #tpu.memory_space<vmem>>
          %dma_start3A_136 = arith.constant 0 : i32
          %dma_start3A_137 = tpu.memref_slice %arg9[%add3A_131, %dma_start3A_136] : memref<40x128xi32, #tpu.memory_space<vmem>> -> memref<1x128xi32, #tpu.memory_space<vmem>>
          %dma_start3A_138 = tpu.memref_squeeze %dma_start3A_137 : memref<1x128xi32, #tpu.memory_space<vmem>> -> memref<128xi32, #tpu.memory_space<vmem>>
          %dma_start3A_139 = arith.constant 0 : i32
          %dma_start3A_140 = arith.constant 0 : i32
          %dma_start3A_141 = tpu.memref_slice %arg2[%dma_start3A_139, %dma_start3A_140] : memref<160000x32xf32, #tpu.memory_space<hbm>> -> memref<160000x32xf32, #tpu.memory_space<hbm>>
          tpu.enqueue_indirect_dma source(%dma_start3A_141 : memref<160000x32xf32, #tpu.memory_space<hbm>>) target(%dma_start3A_135 : memref<128x32xf32, #tpu.memory_space<vmem>>) offsets(%dma_start3A_138 : memref<128xi32, #tpu.memory_space<vmem>>) semaphore(%arg15 : memref<!tpu.dma_semaphore, #tpu.memory_space<semaphore_mem>>)
        } else {
        }
        %scan3A_129 = arith.constant 0 : i32
        scf.yield %scan3A_129 : i32
      }
      %scan3A_62 = arith.constant 10 : i32
      %barrier3A_63 = arith.constant 0 : index
      tpu.barrier barrier_id(%barrier3A_63)
      %shift_right_arithmetic3A_64 = arith.constant 2 : i32
      %shift_right_arithmetic3A_65 = arith.shrsi %scan3A_18, %shift_right_arithmetic3A_64 : i32
      %and3A_66 = arith.constant 3 : i32
      %and3A_67 = arith.andi %scan3A_18, %and3A_66 : i32
      %mul3A_68 = arith.constant 32 : i32
      %mul3A_69 = arith.muli %and3A_67, %mul3A_68 : i32
      "tpu.region"() ({
        %run_scoped3A = tpu.sem_alloc : memref<!tpu.dma_semaphore, #tpu.memory_space<semaphore_mem>>
        %dma_start3A = tpu.memref_slice %arg5[%arg0, %shift_right_arithmetic3A_65, %mul3A_10, %mul3A_69] : memref<2x4x40960x128xf32, #tpu.memory_space<hbm>> -> memref<1x1x2560x32xf32, #tpu.memory_space<hbm>>
        %dma_start3A_72 = tpu.memref_squeeze %dma_start3A : memref<1x1x2560x32xf32, #tpu.memory_space<hbm>> -> memref<2560x32xf32, #tpu.memory_space<hbm>>
        %dma_start3A_73 = arith.constant 0 : i32
        %dma_start3A_74 = tpu.memref_slice %arg6[%mul3A_10, %dma_start3A_73] : memref<40960x32xf32, #tpu.memory_space<vmem_shared>> -> memref<2560x32xf32, #tpu.memory_space<vmem_shared>>
        tpu.enqueue_dma source(%dma_start3A_74 : memref<2560x32xf32, #tpu.memory_space<vmem_shared>>) target(%dma_start3A_72 : memref<2560x32xf32, #tpu.memory_space<hbm>>) target_semaphore(%run_scoped3A : memref<!tpu.dma_semaphore, #tpu.memory_space<semaphore_mem>>)
        %dma_wait3A = tpu.memref_slice %arg5[%arg0, %shift_right_arithmetic3A_65, %mul3A_10, %mul3A_69] : memref<2x4x40960x128xf32, #tpu.memory_space<hbm>> -> memref<1x1x2560x32xf32, #tpu.memory_space<hbm>>
        %dma_wait3A_75 = tpu.memref_squeeze %dma_wait3A : memref<1x1x2560x32xf32, #tpu.memory_space<hbm>> -> memref<2560x32xf32, #tpu.memory_space<hbm>>
        %dma_wait3A_76 = arith.constant 0 : i32
        %dma_wait3A_77 = tpu.memref_slice %arg6[%mul3A_10, %dma_wait3A_76] : memref<40960x32xf32, #tpu.memory_space<vmem_shared>> -> memref<2560x32xf32, #tpu.memory_space<vmem_shared>>
        tpu.wait_dma2 semaphore(%run_scoped3A : memref<!tpu.dma_semaphore, #tpu.memory_space<semaphore_mem>>) src(%dma_wait3A_77 : memref<2560x32xf32, #tpu.memory_space<vmem_shared>>) dst(%dma_wait3A_75 : memref<2560x32xf32, #tpu.memory_space<hbm>>)
        tpu.yield
      }) : () -> ()
      %barrier3A_70 = arith.constant 0 : index
      tpu.barrier barrier_id(%barrier3A_70)
      %scan3A_71 = arith.constant 0 : i32
      scf.yield %scan3A_71 : i32
    }
    %scan3A_17 = arith.constant 16 : i32
    return
  }
}

module attributes {stable_mosaic.version = 14 : i64} {
  func.func @body(%arg0: i32, %arg1: i32, %arg2: memref<2x1x2000x128xf32, #tpu.memory_space<vmem>>, %arg3: memref<2x2000x128xf32, #tpu.memory_space<vmem>>, %arg4: memref<2000x128xf32, #tpu.memory_space<vmem>>) attributes {dimension_semantics = [#tpu.dimension_semantics<arbitrary>, #tpu.dimension_semantics<arbitrary>], iteration_bounds = array<i64: 5, 20>, scalar_prefetch = 0 : i64, scratch_operands = 0 : i64, tpu.core_type = #tpu.core_type<tc>, window_params = [{transform_indices = @transform_0, window_bounds = array<i64: 2, 1, 2000, 128>}, {transform_indices = @transform_1, window_bounds = array<i64: 2, 2000, 128>}, {transform_indices = @transform_2, window_bounds = array<i64: 2000, 128>}]} {
    %get3A = arith.constant 0 : index
    %get3A_0 = arith.constant 0 : index
    %get3A_1 = arith.constant 0 : index
    %get3A_2 = vector.load %arg3[%get3A, %get3A_0, %get3A_1] : memref<2x2000x128xf32, #tpu.memory_space<vmem>>, vector<1x2000x1xf32>
    %get3A_3 = vector.shape_cast %get3A_2 : vector<1x2000x1xf32> to vector<2000x1xf32>
    %get3A_4 = arith.constant 1 : index
    %get3A_5 = arith.constant 0 : index
    %get3A_6 = arith.constant 0 : index
    %get3A_7 = vector.load %arg3[%get3A_4, %get3A_5, %get3A_6] : memref<2x2000x128xf32, #tpu.memory_space<vmem>>, vector<1x2000x1xf32>
    %get3A_8 = vector.shape_cast %get3A_7 : vector<1x2000x1xf32> to vector<2000x1xf32>
    %add3A = arith.addf %get3A_3, %get3A_8 : vector<2000x1xf32>
    %max3A = arith.constant 1.000000e+00 : f32
    %max3A_9 = vector.broadcast %max3A : f32 to vector<2000x1xf32>
    %max3A_10 = arith.maximumf %add3A, %max3A_9 : vector<2000x1xf32>
    %div3A = arith.constant 1.000000e+00 : f32
    %div3A_11 = vector.broadcast %div3A : f32 to vector<2000x1xf32>
    %div3A_12 = arith.divf %div3A_11, %max3A_10 : vector<2000x1xf32>
    %get3A_13 = arith.constant 0 : index
    %get3A_14 = arith.constant 0 : index
    %get3A_15 = arith.constant 0 : index
    %get3A_16 = arith.constant 0 : index
    %get3A_17 = vector.load %arg2[%get3A_13, %get3A_14, %get3A_15, %get3A_16] : memref<2x1x2000x128xf32, #tpu.memory_space<vmem>>, vector<1x1x2000x128xf32>
    %get3A_18 = vector.shape_cast %get3A_17 : vector<1x1x2000x128xf32> to vector<2000x128xf32>
    %get3A_19 = arith.constant 1 : index
    %get3A_20 = arith.constant 0 : index
    %get3A_21 = arith.constant 0 : index
    %get3A_22 = arith.constant 0 : index
    %get3A_23 = vector.load %arg2[%get3A_19, %get3A_20, %get3A_21, %get3A_22] : memref<2x1x2000x128xf32, #tpu.memory_space<vmem>>, vector<1x1x2000x128xf32>
    %get3A_24 = vector.shape_cast %get3A_23 : vector<1x1x2000x128xf32> to vector<2000x128xf32>
    %add3A_25 = arith.addf %get3A_18, %get3A_24 : vector<2000x128xf32>
    %mul3A = vector.broadcast %div3A_12 : vector<2000x1xf32> to vector<2000x128xf32>
    %mul3A_26 = arith.mulf %add3A_25, %mul3A : vector<2000x128xf32>
    %swap3A = arith.constant 0 : index
    %swap3A_27 = arith.constant 0 : index
    %swap3A_28 = vector.load %arg4[%swap3A, %swap3A_27] : memref<2000x128xf32, #tpu.memory_space<vmem>>, vector<2000x128xf32>
    tpu.vector_store %arg4[%swap3A, %swap3A_27], %mul3A_26 {strides = array<i32>} : memref<2000x128xf32, #tpu.memory_space<vmem>>, vector<2000x128xf32>,
    return
  }
  func.func @transform_0(%arg0: i32, %arg1: i32) -> (i32, i32, i32, i32) {
    %c0_i32 = arith.constant 0 : i32
    %c0_i32_0 = arith.constant 0 : i32
    %c0_i32_1 = arith.constant 0 : i32
    return %c0_i32, %arg0, %arg1, %c0_i32_0 : i32, i32, i32, i32
  }
  func.func @transform_1(%arg0: i32, %arg1: i32) -> (i32, i32, i32) {
    %c0_i32 = arith.constant 0 : i32
    %c0_i32_0 = arith.constant 0 : i32
    %c0_i32_1 = arith.constant 0 : i32
    return %c0_i32, %arg1, %c0_i32_0 : i32, i32, i32
  }
  func.func @transform_2(%arg0: i32, %arg1: i32) -> (i32, i32) {
    %c0_i32 = arith.constant 0 : i32
    return %arg1, %arg0 : i32, i32
  }
}

module attributes {stable_mosaic.version = 14 : i64} {
  func.func @body(%arg0: i32, %arg1: memref<400x512xf32, #tpu.memory_space<vmem>>, %arg2: memref<1x400x1xi32, #tpu.memory_space<vmem>>, %arg3: memref<3x128xf32, #tpu.memory_space<vmem>>, %arg4: memref<5x400x128xf32, #tpu.memory_space<vmem>>) attributes {dimension_semantics = [#tpu.dimension_semantics<arbitrary>], iteration_bounds = array<i64: 25>, scalar_prefetch = 0 : i64, scratch_operands = 0 : i64, tpu.core_type = #tpu.core_type<tc>, window_params = [{transform_indices = @transform_0, window_bounds = array<i64: 400, 512>}, {transform_indices = @transform_1, window_bounds = array<i64: 1, 400, 1>}, {pipeline_mode = #tpu.pipeline_mode<synchronous>, transform_indices = @transform_2, window_bounds = array<i64: 3, 128>}, {transform_indices = @transform_3, window_bounds = array<i64: 5, 400, 128>}]} {
    %get3A = arith.constant 0 : index
    %get3A_0 = arith.constant 0 : index
    %get3A_1 = arith.constant 0 : index
    %get3A_2 = vector.load %arg2[%get3A, %get3A_0, %get3A_1] : memref<1x400x1xi32, #tpu.memory_space<vmem>>, vector<1x400x1xi32>
    %get3A_3 = vector.shape_cast %get3A_2 : vector<1x400x1xi32> to vector<400x1xi32>
    %broadcast_in_dim3A = arith.constant 0.000000e+00 : f32
    %broadcast_in_dim3A_4 = vector.broadcast %broadcast_in_dim3A : f32 to vector<400x128xf32>
    %eq3A = arith.constant 0 : i32
    %eq3A_5 = vector.broadcast %eq3A : i32 to vector<400x1xi32>
    %eq3A_6 = arith.cmpi eq, %get3A_3, %eq3A_5 : vector<400x1xi32>
    %get3A_7 = arith.constant 0 : index
    %get3A_8 = arith.constant 0 : index
    %get3A_9 = vector.load %arg3[%get3A_7, %get3A_8] : memref<3x128xf32, #tpu.memory_space<vmem>>, vector<1x128xf32>
    %get3A_10 = vector.shape_cast %get3A_9 : vector<1x128xf32> to vector<128xf32>
    %broadcast_in_dim3A_11 = vector.shape_cast %get3A_10 : vector<128xf32> to vector<1x128xf32>
    %broadcast_in_dim3A_12 = vector.shape_cast %eq3A_6 : vector<400x1xi1> to vector<400x1xi1>
    %broadcast_in_dim3A_13 = vector.broadcast %broadcast_in_dim3A_12 : vector<400x1xi1> to vector<400x128xi1>
    %broadcast_in_dim3A_14 = vector.shape_cast %broadcast_in_dim3A_11 : vector<1x128xf32> to vector<1x128xf32>
    %broadcast_in_dim3A_15 = vector.broadcast %broadcast_in_dim3A_14 : vector<1x128xf32> to vector<400x128xf32>
    %select_n3A = arith.select %broadcast_in_dim3A_13, %broadcast_in_dim3A_15, %broadcast_in_dim3A_4 : vector<400x128xi1>, vector<400x128xf32>
    %eq3A_16 = arith.constant 1 : i32
    %eq3A_17 = vector.broadcast %eq3A_16 : i32 to vector<400x1xi32>
    %eq3A_18 = arith.cmpi eq, %get3A_3, %eq3A_17 : vector<400x1xi32>
    %get3A_19 = arith.constant 1 : index
    %get3A_20 = arith.constant 0 : index
    %get3A_21 = vector.load %arg3[%get3A_19, %get3A_20] : memref<3x128xf32, #tpu.memory_space<vmem>>, vector<1x128xf32>
    %get3A_22 = vector.shape_cast %get3A_21 : vector<1x128xf32> to vector<128xf32>
    %broadcast_in_dim3A_23 = vector.shape_cast %get3A_22 : vector<128xf32> to vector<1x128xf32>
    %broadcast_in_dim3A_24 = vector.shape_cast %eq3A_18 : vector<400x1xi1> to vector<400x1xi1>
    %broadcast_in_dim3A_25 = vector.broadcast %broadcast_in_dim3A_24 : vector<400x1xi1> to vector<400x128xi1>
    %broadcast_in_dim3A_26 = vector.shape_cast %broadcast_in_dim3A_23 : vector<1x128xf32> to vector<1x128xf32>
    %broadcast_in_dim3A_27 = vector.broadcast %broadcast_in_dim3A_26 : vector<1x128xf32> to vector<400x128xf32>
    %select_n3A_28 = arith.select %broadcast_in_dim3A_25, %broadcast_in_dim3A_27, %select_n3A : vector<400x128xi1>, vector<400x128xf32>
    %eq3A_29 = arith.constant 2 : i32
    %eq3A_30 = vector.broadcast %eq3A_29 : i32 to vector<400x1xi32>
    %eq3A_31 = arith.cmpi eq, %get3A_3, %eq3A_30 : vector<400x1xi32>
    %get3A_32 = arith.constant 2 : index
    %get3A_33 = arith.constant 0 : index
    %get3A_34 = vector.load %arg3[%get3A_32, %get3A_33] : memref<3x128xf32, #tpu.memory_space<vmem>>, vector<1x128xf32>
    %get3A_35 = vector.shape_cast %get3A_34 : vector<1x128xf32> to vector<128xf32>
    %broadcast_in_dim3A_36 = vector.shape_cast %get3A_35 : vector<128xf32> to vector<1x128xf32>
    %broadcast_in_dim3A_37 = vector.shape_cast %eq3A_31 : vector<400x1xi1> to vector<400x1xi1>
    %broadcast_in_dim3A_38 = vector.broadcast %broadcast_in_dim3A_37 : vector<400x1xi1> to vector<400x128xi1>
    %broadcast_in_dim3A_39 = vector.shape_cast %broadcast_in_dim3A_36 : vector<1x128xf32> to vector<1x128xf32>
    %broadcast_in_dim3A_40 = vector.broadcast %broadcast_in_dim3A_39 : vector<1x128xf32> to vector<400x128xf32>
    %select_n3A_41 = arith.select %broadcast_in_dim3A_38, %broadcast_in_dim3A_40, %select_n3A_28 : vector<400x128xi1>, vector<400x128xf32>
    %get3A_42 = arith.constant 0 : index
    %get3A_43 = arith.constant 0 : index
    %get3A_44 = vector.load %arg1[%get3A_42, %get3A_43] : memref<400x512xf32, #tpu.memory_space<vmem>>, vector<400x128xf32>
    %swap3A = arith.constant 0 : index
    %swap3A_45 = arith.constant 0 : index
    %swap3A_46 = arith.constant 0 : index
    %swap3A_47 = vector.load %arg4[%swap3A, %swap3A_45, %swap3A_46] : memref<5x400x128xf32, #tpu.memory_space<vmem>>, vector<1x400x128xf32>
    %swap3A_48 = vector.shape_cast %swap3A_47 : vector<1x400x128xf32> to vector<400x128xf32>
    %swap3A_49 = vector.shape_cast %get3A_44 : vector<400x128xf32> to vector<1x400x128xf32>
    tpu.vector_store %arg4[%swap3A, %swap3A_45, %swap3A_46], %swap3A_49 {strides = array<i32>} : memref<5x400x128xf32, #tpu.memory_space<vmem>>, vector<1x400x128xf32>,
    %get3A_50 = arith.constant 0 : index
    %get3A_51 = arith.constant 128 : index
    %get3A_52 = vector.load %arg1[%get3A_50, %get3A_51] : memref<400x512xf32, #tpu.memory_space<vmem>>, vector<400x128xf32>
    %swap3A_53 = arith.constant 1 : index
    %swap3A_54 = arith.constant 0 : index
    %swap3A_55 = arith.constant 0 : index
    %swap3A_56 = vector.load %arg4[%swap3A_53, %swap3A_54, %swap3A_55] : memref<5x400x128xf32, #tpu.memory_space<vmem>>, vector<1x400x128xf32>
    %swap3A_57 = vector.shape_cast %swap3A_56 : vector<1x400x128xf32> to vector<400x128xf32>
    %swap3A_58 = vector.shape_cast %get3A_52 : vector<400x128xf32> to vector<1x400x128xf32>
    tpu.vector_store %arg4[%swap3A_53, %swap3A_54, %swap3A_55], %swap3A_58 {strides = array<i32>} : memref<5x400x128xf32, #tpu.memory_space<vmem>>, vector<1x400x128xf32>,
    %get3A_59 = arith.constant 0 : index
    %get3A_60 = arith.constant 256 : index
    %get3A_61 = vector.load %arg1[%get3A_59, %get3A_60] : memref<400x512xf32, #tpu.memory_space<vmem>>, vector<400x128xf32>
    %swap3A_62 = arith.constant 2 : index
    %swap3A_63 = arith.constant 0 : index
    %swap3A_64 = arith.constant 0 : index
    %swap3A_65 = vector.load %arg4[%swap3A_62, %swap3A_63, %swap3A_64] : memref<5x400x128xf32, #tpu.memory_space<vmem>>, vector<1x400x128xf32>
    %swap3A_66 = vector.shape_cast %swap3A_65 : vector<1x400x128xf32> to vector<400x128xf32>
    %swap3A_67 = vector.shape_cast %get3A_61 : vector<400x128xf32> to vector<1x400x128xf32>
    tpu.vector_store %arg4[%swap3A_62, %swap3A_63, %swap3A_64], %swap3A_67 {strides = array<i32>} : memref<5x400x128xf32, #tpu.memory_space<vmem>>, vector<1x400x128xf32>,
    %get3A_68 = arith.constant 0 : index
    %get3A_69 = arith.constant 384 : index
    %get3A_70 = vector.load %arg1[%get3A_68, %get3A_69] : memref<400x512xf32, #tpu.memory_space<vmem>>, vector<400x128xf32>
    %swap3A_71 = arith.constant 3 : index
    %swap3A_72 = arith.constant 0 : index
    %swap3A_73 = arith.constant 0 : index
    %swap3A_74 = vector.load %arg4[%swap3A_71, %swap3A_72, %swap3A_73] : memref<5x400x128xf32, #tpu.memory_space<vmem>>, vector<1x400x128xf32>
    %swap3A_75 = vector.shape_cast %swap3A_74 : vector<1x400x128xf32> to vector<400x128xf32>
    %swap3A_76 = vector.shape_cast %get3A_70 : vector<400x128xf32> to vector<1x400x128xf32>
    tpu.vector_store %arg4[%swap3A_71, %swap3A_72, %swap3A_73], %swap3A_76 {strides = array<i32>} : memref<5x400x128xf32, #tpu.memory_space<vmem>>, vector<1x400x128xf32>,
    %swap3A_77 = arith.constant 4 : index
    %swap3A_78 = arith.constant 0 : index
    %swap3A_79 = arith.constant 0 : index
    %swap3A_80 = vector.load %arg4[%swap3A_77, %swap3A_78, %swap3A_79] : memref<5x400x128xf32, #tpu.memory_space<vmem>>, vector<1x400x128xf32>
    %swap3A_81 = vector.shape_cast %swap3A_80 : vector<1x400x128xf32> to vector<400x128xf32>
    %swap3A_82 = vector.shape_cast %select_n3A_41 : vector<400x128xf32> to vector<1x400x128xf32>
    tpu.vector_store %arg4[%swap3A_77, %swap3A_78, %swap3A_79], %swap3A_82 {strides = array<i32>} : memref<5x400x128xf32, #tpu.memory_space<vmem>>, vector<1x400x128xf32>,
    return
  }
  func.func @transform_0(%arg0: i32) -> (i32, i32) {
    %c0_i32 = arith.constant 0 : i32
    %c0_i32_0 = arith.constant 0 : i32
    return %arg0, %c0_i32 : i32, i32
  }
  func.func @transform_1(%arg0: i32) -> (i32, i32, i32) {
    %c0_i32 = arith.constant 0 : i32
    %c0_i32_0 = arith.constant 0 : i32
    %c0_i32_1 = arith.constant 0 : i32
    return %arg0, %c0_i32, %c0_i32_0 : i32, i32, i32
  }
  func.func @transform_2(%arg0: i32) -> (i32, i32) {
    %c0_i32 = arith.constant 0 : i32
    %c0_i32_0 = arith.constant 0 : i32
    %c0_i32_1 = arith.constant 0 : i32
    return %c0_i32, %c0_i32_0 : i32, i32
  }
  func.func @transform_3(%arg0: i32) -> (i32, i32, i32) {
    %c0_i32 = arith.constant 0 : i32
    %c0_i32_0 = arith.constant 0 : i32
    %c0_i32_1 = arith.constant 0 : i32
    return %c0_i32, %arg0, %c0_i32_0 : i32, i32, i32
  }
}

module attributes {stable_mosaic.version = 14 : i64} {
  func.func @body(%arg0: i32, %arg1: memref<5x400x128xf32, #tpu.memory_space<vmem>>, %arg2: memref<4x400x640xf32, #tpu.memory_space<vmem>>, %arg3: memref<640x512xf32, #tpu.memory_space<vmem>>, %arg4: memref<4x640x512xf32, #tpu.memory_space<vmem>>, %arg5: memref<1x512xf32, #tpu.memory_space<vmem>>, %arg6: memref<4x400x128xf32, #tpu.memory_space<vmem>>) attributes {dimension_semantics = [#tpu.dimension_semantics<arbitrary>], iteration_bounds = array<i64: 25>, scalar_prefetch = 0 : i64, scratch_operands = 0 : i64, tpu.core_type = #tpu.core_type<tc>, window_params = [{transform_indices = @transform_0, window_bounds = array<i64: 5, 400, 128>}, {transform_indices = @transform_1, window_bounds = array<i64: 4, 400, 640>}, {pipeline_mode = #tpu.pipeline_mode<synchronous>, transform_indices = @transform_2, window_bounds = array<i64: 640, 512>}, {pipeline_mode = #tpu.pipeline_mode<synchronous>, transform_indices = @transform_3, window_bounds = array<i64: 4, 640, 512>}, {pipeline_mode = #tpu.pipeline_mode<synchronous>, transform_indices = @transform_4, window_bounds = array<i64: 1, 512>}, {transform_indices = @transform_5, window_bounds = array<i64: 4, 400, 128>}]} {
    %get3A = arith.constant 0 : index
    %get3A_0 = arith.constant 0 : index
    %get3A_1 = arith.constant 0 : index
    %get3A_2 = vector.load %arg1[%get3A, %get3A_0, %get3A_1] : memref<5x400x128xf32, #tpu.memory_space<vmem>>, vector<1x400x128xf32>
    %get3A_3 = vector.shape_cast %get3A_2 : vector<1x400x128xf32> to vector<400x128xf32>
    %get3A_4 = arith.constant 1 : index
    %get3A_5 = arith.constant 0 : index
    %get3A_6 = arith.constant 0 : index
    %get3A_7 = vector.load %arg1[%get3A_4, %get3A_5, %get3A_6] : memref<5x400x128xf32, #tpu.memory_space<vmem>>, vector<1x400x128xf32>
    %get3A_8 = vector.shape_cast %get3A_7 : vector<1x400x128xf32> to vector<400x128xf32>
    %get3A_9 = arith.constant 2 : index
    %get3A_10 = arith.constant 0 : index
    %get3A_11 = arith.constant 0 : index
    %get3A_12 = vector.load %arg1[%get3A_9, %get3A_10, %get3A_11] : memref<5x400x128xf32, #tpu.memory_space<vmem>>, vector<1x400x128xf32>
    %get3A_13 = vector.shape_cast %get3A_12 : vector<1x400x128xf32> to vector<400x128xf32>
    %get3A_14 = arith.constant 3 : index
    %get3A_15 = arith.constant 0 : index
    %get3A_16 = arith.constant 0 : index
    %get3A_17 = vector.load %arg1[%get3A_14, %get3A_15, %get3A_16] : memref<5x400x128xf32, #tpu.memory_space<vmem>>, vector<1x400x128xf32>
    %get3A_18 = vector.shape_cast %get3A_17 : vector<1x400x128xf32> to vector<400x128xf32>
    %get3A_19 = arith.constant 4 : index
    %get3A_20 = arith.constant 0 : index
    %get3A_21 = arith.constant 0 : index
    %get3A_22 = vector.load %arg1[%get3A_19, %get3A_20, %get3A_21] : memref<5x400x128xf32, #tpu.memory_space<vmem>>, vector<1x400x128xf32>
    %get3A_23 = vector.shape_cast %get3A_22 : vector<1x400x128xf32> to vector<400x128xf32>
    %concatenate3A = tpu.concatenate %get3A_3, %get3A_8, %get3A_13, %get3A_18, %get3A_23 in 1 : vector<400x128xf32>, vector<400x128xf32>, vector<400x128xf32>, vector<400x128xf32>, vector<400x128xf32> -> vector<400x640xf32>
    %get3A_24 = arith.constant 0 : index
    %get3A_25 = arith.constant 0 : index
    %get3A_26 = vector.load %arg3[%get3A_24, %get3A_25] : memref<640x512xf32, #tpu.memory_space<vmem>>, vector<640x512xf32>
    %dot_general3A = arith.constant dense<0.000000e+00> : vector<400x512xf32>
    %dot_general3A_27 = tpu.matmul %concatenate3A, %get3A_26, %dot_general3A {dimension_numbers = #tpu.dot_dimension_numbers<[1], [0], [0], [1], [0, 0, 1, 1], [], []>, transpose_lhs_hint = false} : vector<400x640xf32>, vector<640x512xf32>, vector<400x512xf32> -> vector<400x512xf32>
    %get3A_28 = arith.constant 0 : index
    %get3A_29 = arith.constant 0 : index
    %get3A_30 = vector.load %arg5[%get3A_28, %get3A_29] : memref<1x512xf32, #tpu.memory_space<vmem>>, vector<1x512xf32>
    %get3A_31 = vector.shape_cast %get3A_30 : vector<1x512xf32> to vector<512xf32>
    %broadcast_in_dim3A = vector.shape_cast %get3A_31 : vector<512xf32> to vector<1x512xf32>
    %add3A = vector.broadcast %broadcast_in_dim3A : vector<1x512xf32> to vector<400x512xf32>
    %add3A_32 = arith.addf %dot_general3A_27, %add3A : vector<400x512xf32>
    %get3A_33 = arith.constant 0 : index
    %get3A_34 = arith.constant 0 : index
    %get3A_35 = arith.constant 0 : index
    %get3A_36 = vector.load %arg2[%get3A_33, %get3A_34, %get3A_35] : memref<4x400x640xf32, #tpu.memory_space<vmem>>, vector<1x400x640xf32>
    %get3A_37 = vector.shape_cast %get3A_36 : vector<1x400x640xf32> to vector<400x640xf32>
    %get3A_38 = arith.constant 0 : index
    %get3A_39 = arith.constant 0 : index
    %get3A_40 = arith.constant 0 : index
    %get3A_41 = vector.load %arg4[%get3A_38, %get3A_39, %get3A_40] : memref<4x640x512xf32, #tpu.memory_space<vmem>>, vector<1x640x512xf32>
    %get3A_42 = vector.shape_cast %get3A_41 : vector<1x640x512xf32> to vector<640x512xf32>
    %dot_general3A_43 = arith.constant dense<0.000000e+00> : vector<400x512xf32>
    %dot_general3A_44 = tpu.matmul %get3A_37, %get3A_42, %dot_general3A_43 {dimension_numbers = #tpu.dot_dimension_numbers<[1], [0], [0], [1], [0, 0, 1, 1], [], []>, transpose_lhs_hint = false} : vector<400x640xf32>, vector<640x512xf32>, vector<400x512xf32> -> vector<400x512xf32>
    %add3A_45 = arith.addf %add3A_32, %dot_general3A_44 : vector<400x512xf32>
    %get3A_46 = arith.constant 1 : index
    %get3A_47 = arith.constant 0 : index
    %get3A_48 = arith.constant 0 : index
    %get3A_49 = vector.load %arg2[%get3A_46, %get3A_47, %get3A_48] : memref<4x400x640xf32, #tpu.memory_space<vmem>>, vector<1x400x640xf32>
    %get3A_50 = vector.shape_cast %get3A_49 : vector<1x400x640xf32> to vector<400x640xf32>
    %get3A_51 = arith.constant 1 : index
    %get3A_52 = arith.constant 0 : index
    %get3A_53 = arith.constant 0 : index
    %get3A_54 = vector.load %arg4[%get3A_51, %get3A_52, %get3A_53] : memref<4x640x512xf32, #tpu.memory_space<vmem>>, vector<1x640x512xf32>
    %get3A_55 = vector.shape_cast %get3A_54 : vector<1x640x512xf32> to vector<640x512xf32>
    %dot_general3A_56 = arith.constant dense<0.000000e+00> : vector<400x512xf32>
    %dot_general3A_57 = tpu.matmul %get3A_50, %get3A_55, %dot_general3A_56 {dimension_numbers = #tpu.dot_dimension_numbers<[1], [0], [0], [1], [0, 0, 1, 1], [], []>, transpose_lhs_hint = false} : vector<400x640xf32>, vector<640x512xf32>, vector<400x512xf32> -> vector<400x512xf32>
    %add3A_58 = arith.addf %add3A_45, %dot_general3A_57 : vector<400x512xf32>
    %get3A_59 = arith.constant 2 : index
    %get3A_60 = arith.constant 0 : index
    %get3A_61 = arith.constant 0 : index
    %get3A_62 = vector.load %arg2[%get3A_59, %get3A_60, %get3A_61] : memref<4x400x640xf32, #tpu.memory_space<vmem>>, vector<1x400x640xf32>
    %get3A_63 = vector.shape_cast %get3A_62 : vector<1x400x640xf32> to vector<400x640xf32>
    %get3A_64 = arith.constant 2 : index
    %get3A_65 = arith.constant 0 : index
    %get3A_66 = arith.constant 0 : index
    %get3A_67 = vector.load %arg4[%get3A_64, %get3A_65, %get3A_66] : memref<4x640x512xf32, #tpu.memory_space<vmem>>, vector<1x640x512xf32>
    %get3A_68 = vector.shape_cast %get3A_67 : vector<1x640x512xf32> to vector<640x512xf32>
    %dot_general3A_69 = arith.constant dense<0.000000e+00> : vector<400x512xf32>
    %dot_general3A_70 = tpu.matmul %get3A_63, %get3A_68, %dot_general3A_69 {dimension_numbers = #tpu.dot_dimension_numbers<[1], [0], [0], [1], [0, 0, 1, 1], [], []>, transpose_lhs_hint = false} : vector<400x640xf32>, vector<640x512xf32>, vector<400x512xf32> -> vector<400x512xf32>
    %add3A_71 = arith.addf %add3A_58, %dot_general3A_70 : vector<400x512xf32>
    %get3A_72 = arith.constant 3 : index
    %get3A_73 = arith.constant 0 : index
    %get3A_74 = arith.constant 0 : index
    %get3A_75 = vector.load %arg2[%get3A_72, %get3A_73, %get3A_74] : memref<4x400x640xf32, #tpu.memory_space<vmem>>, vector<1x400x640xf32>
    %get3A_76 = vector.shape_cast %get3A_75 : vector<1x400x640xf32> to vector<400x640xf32>
    %get3A_77 = arith.constant 3 : index
    %get3A_78 = arith.constant 0 : index
    %get3A_79 = arith.constant 0 : index
    %get3A_80 = vector.load %arg4[%get3A_77, %get3A_78, %get3A_79] : memref<4x640x512xf32, #tpu.memory_space<vmem>>, vector<1x640x512xf32>
    %get3A_81 = vector.shape_cast %get3A_80 : vector<1x640x512xf32> to vector<640x512xf32>
    %dot_general3A_82 = arith.constant dense<0.000000e+00> : vector<400x512xf32>
    %dot_general3A_83 = tpu.matmul %get3A_76, %get3A_81, %dot_general3A_82 {dimension_numbers = #tpu.dot_dimension_numbers<[1], [0], [0], [1], [0, 0, 1, 1], [], []>, transpose_lhs_hint = false} : vector<400x640xf32>, vector<640x512xf32>, vector<400x512xf32> -> vector<400x512xf32>
    %add3A_84 = arith.addf %add3A_71, %dot_general3A_83 : vector<400x512xf32>
    %max3A = arith.constant 0.000000e+00 : f32
    %max3A_85 = vector.broadcast %max3A : f32 to vector<400x512xf32>
    %max3A_86 = arith.maximumf %add3A_84, %max3A_85 : vector<400x512xf32>
    %slice3A = vector.extract_strided_slice %max3A_86 {offsets = [0, 0], sizes = [400, 128], strides = [1, 1]} : vector<400x512xf32> to vector<400x128xf32>
    %swap3A = arith.constant 0 : index
    %swap3A_87 = arith.constant 0 : index
    %swap3A_88 = arith.constant 0 : index
    %swap3A_89 = vector.load %arg6[%swap3A, %swap3A_87, %swap3A_88] : memref<4x400x128xf32, #tpu.memory_space<vmem>>, vector<1x400x128xf32>
    %swap3A_90 = vector.shape_cast %swap3A_89 : vector<1x400x128xf32> to vector<400x128xf32>
    %swap3A_91 = vector.shape_cast %slice3A : vector<400x128xf32> to vector<1x400x128xf32>
    tpu.vector_store %arg6[%swap3A, %swap3A_87, %swap3A_88], %swap3A_91 {strides = array<i32>} : memref<4x400x128xf32, #tpu.memory_space<vmem>>, vector<1x400x128xf32>,
    %slice3A_92 = vector.extract_strided_slice %max3A_86 {offsets = [0, 128], sizes = [400, 128], strides = [1, 1]} : vector<400x512xf32> to vector<400x128xf32>
    %swap3A_93 = arith.constant 1 : index
    %swap3A_94 = arith.constant 0 : index
    %swap3A_95 = arith.constant 0 : index
    %swap3A_96 = vector.load %arg6[%swap3A_93, %swap3A_94, %swap3A_95] : memref<4x400x128xf32, #tpu.memory_space<vmem>>, vector<1x400x128xf32>
    %swap3A_97 = vector.shape_cast %swap3A_96 : vector<1x400x128xf32> to vector<400x128xf32>
    %swap3A_98 = vector.shape_cast %slice3A_92 : vector<400x128xf32> to vector<1x400x128xf32>
    tpu.vector_store %arg6[%swap3A_93, %swap3A_94, %swap3A_95], %swap3A_98 {strides = array<i32>} : memref<4x400x128xf32, #tpu.memory_space<vmem>>, vector<1x400x128xf32>,
    %slice3A_99 = vector.extract_strided_slice %max3A_86 {offsets = [0, 256], sizes = [400, 128], strides = [1, 1]} : vector<400x512xf32> to vector<400x128xf32>
    %swap3A_100 = arith.constant 2 : index
    %swap3A_101 = arith.constant 0 : index
    %swap3A_102 = arith.constant 0 : index
    %swap3A_103 = vector.load %arg6[%swap3A_100, %swap3A_101, %swap3A_102] : memref<4x400x128xf32, #tpu.memory_space<vmem>>, vector<1x400x128xf32>
    %swap3A_104 = vector.shape_cast %swap3A_103 : vector<1x400x128xf32> to vector<400x128xf32>
    %swap3A_105 = vector.shape_cast %slice3A_99 : vector<400x128xf32> to vector<1x400x128xf32>
    tpu.vector_store %arg6[%swap3A_100, %swap3A_101, %swap3A_102], %swap3A_105 {strides = array<i32>} : memref<4x400x128xf32, #tpu.memory_space<vmem>>, vector<1x400x128xf32>,
    %slice3A_106 = vector.extract_strided_slice %max3A_86 {offsets = [0, 384], sizes = [400, 128], strides = [1, 1]} : vector<400x512xf32> to vector<400x128xf32>
    %swap3A_107 = arith.constant 3 : index
    %swap3A_108 = arith.constant 0 : index
    %swap3A_109 = arith.constant 0 : index
    %swap3A_110 = vector.load %arg6[%swap3A_107, %swap3A_108, %swap3A_109] : memref<4x400x128xf32, #tpu.memory_space<vmem>>, vector<1x400x128xf32>
    %swap3A_111 = vector.shape_cast %swap3A_110 : vector<1x400x128xf32> to vector<400x128xf32>
    %swap3A_112 = vector.shape_cast %slice3A_106 : vector<400x128xf32> to vector<1x400x128xf32>
    tpu.vector_store %arg6[%swap3A_107, %swap3A_108, %swap3A_109], %swap3A_112 {strides = array<i32>} : memref<4x400x128xf32, #tpu.memory_space<vmem>>, vector<1x400x128xf32>,
    return
  }
  func.func @transform_0(%arg0: i32) -> (i32, i32, i32) {
    %c0_i32 = arith.constant 0 : i32
    %c0_i32_0 = arith.constant 0 : i32
    %c0_i32_1 = arith.constant 0 : i32
    return %c0_i32, %arg0, %c0_i32_0 : i32, i32, i32
  }
  func.func @transform_1(%arg0: i32) -> (i32, i32, i32) {
    %c0_i32 = arith.constant 0 : i32
    %c0_i32_0 = arith.constant 0 : i32
    %c0_i32_1 = arith.constant 0 : i32
    return %c0_i32, %arg0, %c0_i32_0 : i32, i32, i32
  }
  func.func @transform_2(%arg0: i32) -> (i32, i32) {
    %c0_i32 = arith.constant 0 : i32
    %c0_i32_0 = arith.constant 0 : i32
    %c0_i32_1 = arith.constant 0 : i32
    return %c0_i32, %c0_i32_0 : i32, i32
  }
  func.func @transform_3(%arg0: i32) -> (i32, i32, i32) {
    %c0_i32 = arith.constant 0 : i32
    %c0_i32_0 = arith.constant 0 : i32
    %c0_i32_1 = arith.constant 0 : i32
    %c0_i32_2 = arith.constant 0 : i32
    return %c0_i32, %c0_i32_0, %c0_i32_1 : i32, i32, i32
  }
  func.func @transform_4(%arg0: i32) -> (i32, i32) {
    %c0_i32 = arith.constant 0 : i32
    %c0_i32_0 = arith.constant 0 : i32
    %c0_i32_1 = arith.constant 0 : i32
    return %c0_i32, %c0_i32_0 : i32, i32
  }
  func.func @transform_5(%arg0: i32) -> (i32, i32, i32) {
    %c0_i32 = arith.constant 0 : i32
    %c0_i32_0 = arith.constant 0 : i32
    %c0_i32_1 = arith.constant 0 : i32
    return %c0_i32, %arg0, %c0_i32_0 : i32, i32, i32
  }
}

module attributes {stable_mosaic.version = 14 : i64} {
  func.func @body(%arg0: i32, %arg1: i32, %arg2: memref<2x1x2000x128xf32, #tpu.memory_space<vmem>>, %arg3: memref<2x2000x128xf32, #tpu.memory_space<vmem>>, %arg4: memref<2000x128xf32, #tpu.memory_space<vmem>>) attributes {dimension_semantics = [#tpu.dimension_semantics<arbitrary>, #tpu.dimension_semantics<arbitrary>], iteration_bounds = array<i64: 4, 20>, scalar_prefetch = 0 : i64, scratch_operands = 0 : i64, tpu.core_type = #tpu.core_type<tc>, window_params = [{transform_indices = @transform_0, window_bounds = array<i64: 2, 1, 2000, 128>}, {transform_indices = @transform_1, window_bounds = array<i64: 2, 2000, 128>}, {transform_indices = @transform_2, window_bounds = array<i64: 2000, 128>}]} {
    %get3A = arith.constant 0 : index
    %get3A_0 = arith.constant 0 : index
    %get3A_1 = arith.constant 0 : index
    %get3A_2 = vector.load %arg3[%get3A, %get3A_0, %get3A_1] : memref<2x2000x128xf32, #tpu.memory_space<vmem>>, vector<1x2000x1xf32>
    %get3A_3 = vector.shape_cast %get3A_2 : vector<1x2000x1xf32> to vector<2000x1xf32>
    %get3A_4 = arith.constant 1 : index
    %get3A_5 = arith.constant 0 : index
    %get3A_6 = arith.constant 0 : index
    %get3A_7 = vector.load %arg3[%get3A_4, %get3A_5, %get3A_6] : memref<2x2000x128xf32, #tpu.memory_space<vmem>>, vector<1x2000x1xf32>
    %get3A_8 = vector.shape_cast %get3A_7 : vector<1x2000x1xf32> to vector<2000x1xf32>
    %add3A = arith.addf %get3A_3, %get3A_8 : vector<2000x1xf32>
    %max3A = arith.constant 1.000000e+00 : f32
    %max3A_9 = vector.broadcast %max3A : f32 to vector<2000x1xf32>
    %max3A_10 = arith.maximumf %add3A, %max3A_9 : vector<2000x1xf32>
    %div3A = arith.constant 1.000000e+00 : f32
    %div3A_11 = vector.broadcast %div3A : f32 to vector<2000x1xf32>
    %div3A_12 = arith.divf %div3A_11, %max3A_10 : vector<2000x1xf32>
    %get3A_13 = arith.constant 0 : index
    %get3A_14 = arith.constant 0 : index
    %get3A_15 = arith.constant 0 : index
    %get3A_16 = arith.constant 0 : index
    %get3A_17 = vector.load %arg2[%get3A_13, %get3A_14, %get3A_15, %get3A_16] : memref<2x1x2000x128xf32, #tpu.memory_space<vmem>>, vector<1x1x2000x128xf32>
    %get3A_18 = vector.shape_cast %get3A_17 : vector<1x1x2000x128xf32> to vector<2000x128xf32>
    %get3A_19 = arith.constant 1 : index
    %get3A_20 = arith.constant 0 : index
    %get3A_21 = arith.constant 0 : index
    %get3A_22 = arith.constant 0 : index
    %get3A_23 = vector.load %arg2[%get3A_19, %get3A_20, %get3A_21, %get3A_22] : memref<2x1x2000x128xf32, #tpu.memory_space<vmem>>, vector<1x1x2000x128xf32>
    %get3A_24 = vector.shape_cast %get3A_23 : vector<1x1x2000x128xf32> to vector<2000x128xf32>
    %add3A_25 = arith.addf %get3A_18, %get3A_24 : vector<2000x128xf32>
    %mul3A = vector.broadcast %div3A_12 : vector<2000x1xf32> to vector<2000x128xf32>
    %mul3A_26 = arith.mulf %add3A_25, %mul3A : vector<2000x128xf32>
    %swap3A = arith.constant 0 : index
    %swap3A_27 = arith.constant 0 : index
    %swap3A_28 = vector.load %arg4[%swap3A, %swap3A_27] : memref<2000x128xf32, #tpu.memory_space<vmem>>, vector<2000x128xf32>
    tpu.vector_store %arg4[%swap3A, %swap3A_27], %mul3A_26 {strides = array<i32>} : memref<2000x128xf32, #tpu.memory_space<vmem>>, vector<2000x128xf32>,
    return
  }
  func.func @transform_0(%arg0: i32, %arg1: i32) -> (i32, i32, i32, i32) {
    %c0_i32 = arith.constant 0 : i32
    %c0_i32_0 = arith.constant 0 : i32
    %c0_i32_1 = arith.constant 0 : i32
    return %c0_i32, %arg0, %arg1, %c0_i32_0 : i32, i32, i32, i32
  }
  func.func @transform_1(%arg0: i32, %arg1: i32) -> (i32, i32, i32) {
    %c0_i32 = arith.constant 0 : i32
    %c0_i32_0 = arith.constant 0 : i32
    %c0_i32_1 = arith.constant 0 : i32
    return %c0_i32, %arg1, %c0_i32_0 : i32, i32, i32
  }
  func.func @transform_2(%arg0: i32, %arg1: i32) -> (i32, i32) {
    %c0_i32 = arith.constant 0 : i32
    return %arg1, %arg0 : i32, i32
  }
}

module attributes {stable_mosaic.version = 14 : i64} {
  func.func @body(%arg0: i32, %arg1: memref<4x400x128xf32, #tpu.memory_space<vmem>>, %arg2: memref<4x400x512xf32, #tpu.memory_space<vmem>>, %arg3: memref<512x512xf32, #tpu.memory_space<vmem>>, %arg4: memref<4x512x512xf32, #tpu.memory_space<vmem>>, %arg5: memref<1x512xf32, #tpu.memory_space<vmem>>, %arg6: memref<400x512xf32, #tpu.memory_space<vmem>>) attributes {dimension_semantics = [#tpu.dimension_semantics<arbitrary>], iteration_bounds = array<i64: 25>, scalar_prefetch = 0 : i64, scratch_operands = 0 : i64, tpu.core_type = #tpu.core_type<tc>, window_params = [{transform_indices = @transform_0, window_bounds = array<i64: 4, 400, 128>}, {transform_indices = @transform_1, window_bounds = array<i64: 4, 400, 512>}, {pipeline_mode = #tpu.pipeline_mode<synchronous>, transform_indices = @transform_2, window_bounds = array<i64: 512, 512>}, {pipeline_mode = #tpu.pipeline_mode<synchronous>, transform_indices = @transform_3, window_bounds = array<i64: 4, 512, 512>}, {pipeline_mode = #tpu.pipeline_mode<synchronous>, transform_indices = @transform_4, window_bounds = array<i64: 1, 512>}, {transform_indices = @transform_5, window_bounds = array<i64: 400, 512>}]} {
    %get3A = arith.constant 0 : index
    %get3A_0 = arith.constant 0 : index
    %get3A_1 = arith.constant 0 : index
    %get3A_2 = vector.load %arg1[%get3A, %get3A_0, %get3A_1] : memref<4x400x128xf32, #tpu.memory_space<vmem>>, vector<1x400x128xf32>
    %get3A_3 = vector.shape_cast %get3A_2 : vector<1x400x128xf32> to vector<400x128xf32>
    %get3A_4 = arith.constant 1 : index
    %get3A_5 = arith.constant 0 : index
    %get3A_6 = arith.constant 0 : index
    %get3A_7 = vector.load %arg1[%get3A_4, %get3A_5, %get3A_6] : memref<4x400x128xf32, #tpu.memory_space<vmem>>, vector<1x400x128xf32>
    %get3A_8 = vector.shape_cast %get3A_7 : vector<1x400x128xf32> to vector<400x128xf32>
    %get3A_9 = arith.constant 2 : index
    %get3A_10 = arith.constant 0 : index
    %get3A_11 = arith.constant 0 : index
    %get3A_12 = vector.load %arg1[%get3A_9, %get3A_10, %get3A_11] : memref<4x400x128xf32, #tpu.memory_space<vmem>>, vector<1x400x128xf32>
    %get3A_13 = vector.shape_cast %get3A_12 : vector<1x400x128xf32> to vector<400x128xf32>
    %get3A_14 = arith.constant 3 : index
    %get3A_15 = arith.constant 0 : index
    %get3A_16 = arith.constant 0 : index
    %get3A_17 = vector.load %arg1[%get3A_14, %get3A_15, %get3A_16] : memref<4x400x128xf32, #tpu.memory_space<vmem>>, vector<1x400x128xf32>
    %get3A_18 = vector.shape_cast %get3A_17 : vector<1x400x128xf32> to vector<400x128xf32>
    %concatenate3A = tpu.concatenate %get3A_3, %get3A_8, %get3A_13, %get3A_18 in 1 : vector<400x128xf32>, vector<400x128xf32>, vector<400x128xf32>, vector<400x128xf32> -> vector<400x512xf32>
    %get3A_19 = arith.constant 0 : index
    %get3A_20 = arith.constant 0 : index
    %get3A_21 = vector.load %arg3[%get3A_19, %get3A_20] : memref<512x512xf32, #tpu.memory_space<vmem>>, vector<512x512xf32>
    %dot_general3A = arith.constant dense<0.000000e+00> : vector<400x512xf32>
    %dot_general3A_22 = tpu.matmul %concatenate3A, %get3A_21, %dot_general3A {dimension_numbers = #tpu.dot_dimension_numbers<[1], [0], [0], [1], [0, 0, 1, 1], [], []>, transpose_lhs_hint = false} : vector<400x512xf32>, vector<512x512xf32>, vector<400x512xf32> -> vector<400x512xf32>
    %get3A_23 = arith.constant 0 : index
    %get3A_24 = arith.constant 0 : index
    %get3A_25 = vector.load %arg5[%get3A_23, %get3A_24] : memref<1x512xf32, #tpu.memory_space<vmem>>, vector<1x512xf32>
    %get3A_26 = vector.shape_cast %get3A_25 : vector<1x512xf32> to vector<512xf32>
    %broadcast_in_dim3A = vector.shape_cast %get3A_26 : vector<512xf32> to vector<1x512xf32>
    %add3A = vector.broadcast %broadcast_in_dim3A : vector<1x512xf32> to vector<400x512xf32>
    %add3A_27 = arith.addf %dot_general3A_22, %add3A : vector<400x512xf32>
    %get3A_28 = arith.constant 0 : index
    %get3A_29 = arith.constant 0 : index
    %get3A_30 = arith.constant 0 : index
    %get3A_31 = vector.load %arg2[%get3A_28, %get3A_29, %get3A_30] : memref<4x400x512xf32, #tpu.memory_space<vmem>>, vector<1x400x512xf32>
    %get3A_32 = vector.shape_cast %get3A_31 : vector<1x400x512xf32> to vector<400x512xf32>
    %get3A_33 = arith.constant 0 : index
    %get3A_34 = arith.constant 0 : index
    %get3A_35 = arith.constant 0 : index
    %get3A_36 = vector.load %arg4[%get3A_33, %get3A_34, %get3A_35] : memref<4x512x512xf32, #tpu.memory_space<vmem>>, vector<1x512x512xf32>
    %get3A_37 = vector.shape_cast %get3A_36 : vector<1x512x512xf32> to vector<512x512xf32>
    %dot_general3A_38 = arith.constant dense<0.000000e+00> : vector<400x512xf32>
    %dot_general3A_39 = tpu.matmul %get3A_32, %get3A_37, %dot_general3A_38 {dimension_numbers = #tpu.dot_dimension_numbers<[1], [0], [0], [1], [0, 0, 1, 1], [], []>, transpose_lhs_hint = false} : vector<400x512xf32>, vector<512x512xf32>, vector<400x512xf32> -> vector<400x512xf32>
    %add3A_40 = arith.addf %add3A_27, %dot_general3A_39 : vector<400x512xf32>
    %get3A_41 = arith.constant 1 : index
    %get3A_42 = arith.constant 0 : index
    %get3A_43 = arith.constant 0 : index
    %get3A_44 = vector.load %arg2[%get3A_41, %get3A_42, %get3A_43] : memref<4x400x512xf32, #tpu.memory_space<vmem>>, vector<1x400x512xf32>
    %get3A_45 = vector.shape_cast %get3A_44 : vector<1x400x512xf32> to vector<400x512xf32>
    %get3A_46 = arith.constant 1 : index
    %get3A_47 = arith.constant 0 : index
    %get3A_48 = arith.constant 0 : index
    %get3A_49 = vector.load %arg4[%get3A_46, %get3A_47, %get3A_48] : memref<4x512x512xf32, #tpu.memory_space<vmem>>, vector<1x512x512xf32>
    %get3A_50 = vector.shape_cast %get3A_49 : vector<1x512x512xf32> to vector<512x512xf32>
    %dot_general3A_51 = arith.constant dense<0.000000e+00> : vector<400x512xf32>
    %dot_general3A_52 = tpu.matmul %get3A_45, %get3A_50, %dot_general3A_51 {dimension_numbers = #tpu.dot_dimension_numbers<[1], [0], [0], [1], [0, 0, 1, 1], [], []>, transpose_lhs_hint = false} : vector<400x512xf32>, vector<512x512xf32>, vector<400x512xf32> -> vector<400x512xf32>
    %add3A_53 = arith.addf %add3A_40, %dot_general3A_52 : vector<400x512xf32>
    %get3A_54 = arith.constant 2 : index
    %get3A_55 = arith.constant 0 : index
    %get3A_56 = arith.constant 0 : index
    %get3A_57 = vector.load %arg2[%get3A_54, %get3A_55, %get3A_56] : memref<4x400x512xf32, #tpu.memory_space<vmem>>, vector<1x400x512xf32>
    %get3A_58 = vector.shape_cast %get3A_57 : vector<1x400x512xf32> to vector<400x512xf32>
    %get3A_59 = arith.constant 2 : index
    %get3A_60 = arith.constant 0 : index
    %get3A_61 = arith.constant 0 : index
    %get3A_62 = vector.load %arg4[%get3A_59, %get3A_60, %get3A_61] : memref<4x512x512xf32, #tpu.memory_space<vmem>>, vector<1x512x512xf32>
    %get3A_63 = vector.shape_cast %get3A_62 : vector<1x512x512xf32> to vector<512x512xf32>
    %dot_general3A_64 = arith.constant dense<0.000000e+00> : vector<400x512xf32>
    %dot_general3A_65 = tpu.matmul %get3A_58, %get3A_63, %dot_general3A_64 {dimension_numbers = #tpu.dot_dimension_numbers<[1], [0], [0], [1], [0, 0, 1, 1], [], []>, transpose_lhs_hint = false} : vector<400x512xf32>, vector<512x512xf32>, vector<400x512xf32> -> vector<400x512xf32>
    %add3A_66 = arith.addf %add3A_53, %dot_general3A_65 : vector<400x512xf32>
    %get3A_67 = arith.constant 3 : index
    %get3A_68 = arith.constant 0 : index
    %get3A_69 = arith.constant 0 : index
    %get3A_70 = vector.load %arg2[%get3A_67, %get3A_68, %get3A_69] : memref<4x400x512xf32, #tpu.memory_space<vmem>>, vector<1x400x512xf32>
    %get3A_71 = vector.shape_cast %get3A_70 : vector<1x400x512xf32> to vector<400x512xf32>
    %get3A_72 = arith.constant 3 : index
    %get3A_73 = arith.constant 0 : index
    %get3A_74 = arith.constant 0 : index
    %get3A_75 = vector.load %arg4[%get3A_72, %get3A_73, %get3A_74] : memref<4x512x512xf32, #tpu.memory_space<vmem>>, vector<1x512x512xf32>
    %get3A_76 = vector.shape_cast %get3A_75 : vector<1x512x512xf32> to vector<512x512xf32>
    %dot_general3A_77 = arith.constant dense<0.000000e+00> : vector<400x512xf32>
    %dot_general3A_78 = tpu.matmul %get3A_71, %get3A_76, %dot_general3A_77 {dimension_numbers = #tpu.dot_dimension_numbers<[1], [0], [0], [1], [0, 0, 1, 1], [], []>, transpose_lhs_hint = false} : vector<400x512xf32>, vector<512x512xf32>, vector<400x512xf32> -> vector<400x512xf32>
    %add3A_79 = arith.addf %add3A_66, %dot_general3A_78 : vector<400x512xf32>
    %max3A = arith.constant 0.000000e+00 : f32
    %max3A_80 = vector.broadcast %max3A : f32 to vector<400x512xf32>
    %max3A_81 = arith.maximumf %add3A_79, %max3A_80 : vector<400x512xf32>
    %swap3A = arith.constant 0 : index
    %swap3A_82 = arith.constant 0 : index
    %swap3A_83 = vector.load %arg6[%swap3A, %swap3A_82] : memref<400x512xf32, #tpu.memory_space<vmem>>, vector<400x512xf32>
    tpu.vector_store %arg6[%swap3A, %swap3A_82], %max3A_81 {strides = array<i32>} : memref<400x512xf32, #tpu.memory_space<vmem>>, vector<400x512xf32>,
    return
  }
  func.func @transform_0(%arg0: i32) -> (i32, i32, i32) {
    %c0_i32 = arith.constant 0 : i32
    %c0_i32_0 = arith.constant 0 : i32
    %c0_i32_1 = arith.constant 0 : i32
    return %c0_i32, %arg0, %c0_i32_0 : i32, i32, i32
  }
  func.func @transform_1(%arg0: i32) -> (i32, i32, i32) {
    %c0_i32 = arith.constant 0 : i32
    %c0_i32_0 = arith.constant 0 : i32
    %c0_i32_1 = arith.constant 0 : i32
    return %c0_i32, %arg0, %c0_i32_0 : i32, i32, i32
  }
  func.func @transform_2(%arg0: i32) -> (i32, i32) {
    %c0_i32 = arith.constant 0 : i32
    %c0_i32_0 = arith.constant 0 : i32
    %c0_i32_1 = arith.constant 0 : i32
    return %c0_i32, %c0_i32_0 : i32, i32
  }
  func.func @transform_3(%arg0: i32) -> (i32, i32, i32) {
    %c0_i32 = arith.constant 0 : i32
    %c0_i32_0 = arith.constant 0 : i32
    %c0_i32_1 = arith.constant 0 : i32
    %c0_i32_2 = arith.constant 0 : i32
    return %c0_i32, %c0_i32_0, %c0_i32_1 : i32, i32, i32
  }
  func.func @transform_4(%arg0: i32) -> (i32, i32) {
    %c0_i32 = arith.constant 0 : i32
    %c0_i32_0 = arith.constant 0 : i32
    %c0_i32_1 = arith.constant 0 : i32
    return %c0_i32, %c0_i32_0 : i32, i32
  }
  func.func @transform_5(%arg0: i32) -> (i32, i32) {
    %c0_i32 = arith.constant 0 : i32
    %c0_i32_0 = arith.constant 0 : i32
    return %arg0, %c0_i32 : i32, i32
  }
}

</mosaic_0001>

<sc_bundles>
// kernel: kernel.12.cloned.1.call-start
scs
__scs_entry_jumppad:
0x0: {  	(pc) =	sbr.rel $0x88, $3  }
0x1: {  	(tag) =	ssettag $0x0;
	lr =	simm.s32 $0x1  }
0x2: {  	[smem:$0x3F96] =	sst lr;
	_ =	strace $0xD0000000  }
0x3: {  	_ = 	snop  }
0x4: {  	_ = 	snop  }
0x5: {  	_ = 	snop  }
0x6: {  	_ = 	snop  }
0x7: {  	_ = 	snop  }
__scs_overlays_trampoline_lowered:
0x8: {  	[smem:$0x3FA5] =	sst s0  }
0x9: {  	[smem:$0x3FA6] =	sst s1  }
0xa: {  	[smem:$0x3FA7] =	sst s2  }
0xb: {  	[smem:$0x3FA8] =	sst s3  }
0xc: {  	[smem:$0x3FA9] =	sst s4  }
0xd: {  	[smem:$0x3FAA] =	sst s5  }
0xe: {  	[smem:$0x3FAB] =	sst s6  }
0xf: {  	[smem:$0x3FAC] =	sst s7  }
0x10: {  	[smem:$0x3FAD] =	sst s8  }
0x11: {  	[smem:$0x3FAE] =	sst s9;
	s0 =	simm.s32 @!p0 $0x0  }
0x12: {  	s1 =	sld [smem:$0x3F94];
	s0 =	simm.s32 @p0 $0x1  }
0x13: {  	[smem:$0x3FAF] =	sst s0;
	s0 =	simm.s32 @!p1 $0x0  }
0x14: {  	s2 =	sld [smem:$0x3F93];
	s0 =	simm.s32 @p1 $0x1  }
0x15: {  	[smem:$0x3FB0] =	sst s0;
	s0 =	simm.s32 @!p2 $0x0  }
0x16: {  	s3 =	sld [smem:$0x3FDB];
	s0 =	simm.s32 @p2 $0x1  }
0x17: {  	s4 =	simm.s32 $0x1BF5;
	[smem:$0x3FB2] =	sst s0  }
0x18: {  	s0 =	sld [smem:$0x3F95];
	_ =	swait.ge [sflag:s4], $0x0  }
0x19: {  	s7 =	sld [smem:$0x3F96]  }
0x1a: {  	s8 =	sadd.s32 $0xFFFFE003, lr  }
0x1b: {  	s9 =	sadd.s32 $0xFFFFFEF7, lr;
	s5 =	simm.s32 $0xFFFFFFFF;
	p2 =	slt.u32 s8, $0xFFFFF086  }
0x1c: {  	p1 =	slt.u32 s9, $0xF7A;
	s5 =	simm.s32 @!p2 $0x0  }
0x1d: {  	s5 =	simm.s32 @p1 $0x1;
	p0 =	seq.s32 s7, s2  }
0x1e: {  	s7 =	smul.u32 @!p0 $0xF7A, s2;
	p2 =	seq.s32 @!p0 s5, $0x0  }
0x1f: {  	s9 =	smul.u32 $0xF7A, s1;
	s8 =	simm.s32 @!p0 $0x1BF5;
	p2 =	por !p2, p0  }
0x20: {  	[sflag:s8] =	ssyncset.s32 @!p0 $0xFFFFF086;
	s6 =	sadd.s32 @!p0 s3, s7;
	s7 =	simm.s32 @!p0 $0x108  }
0x21: {  	s3 =	sadd.s32 s3, s9;
	s6 =	sadd.s32 @!p0 $0x88, s6;
	s7 =	simm.s32 @p2 $0x1082  }
0x22: {  	[simem:s7], [sflag:s8] =	dma.local @!p0 [hbm:s6], $0xF7A  }
0x23: {  	s9 =	sor.u32 $0xD0000000, s2;
	s6 =	simm.s32 $0x108;
	_ =	swait.ge @!p0 [sflag:s8], $0x0  }
0x24: {  	s3 =	sadd.s32 $0x88, s3;
	s6 =	simm.s32 @!p1 $0x1082;
	[sflag:s4] =	ssyncset.s32 $0xFFFFF086  }
0x25: {  	[simem:s6], [sflag:s4] =	dma.local [hbm:s3], $0xF7A  }
0x26: {  	[smem:$0x3F96] =	sst s1;
	(tag) =	ssettag s2;
	_ =	strace s9  }
0x27: {  	s1 =	sld [smem:$0x3FA6]  }
0x28: {  	s2 =	sld [smem:$0x3FA7]  }
0x29: {  	s4 =	sld [smem:$0x3FA9]  }
0x2a: {  	p0 =	seq.s32 s5, $0x0;
	s5 =	sld [smem:$0x3FAA]  }
0x2b: {  	s6 =	sld [smem:$0x3FAB]  }
0x2c: {  	s7 =	sld [smem:$0x3FAC]  }
0x2d: {  	s3 =	simm.s32 $0x108;
	s8 =	sld [smem:$0x3FAD]  }
0x2e: {  	s3 =	simm.s32 @!p0 $0x1082;
	s9 =	sld [smem:$0x3FAE]  }
0x2f: {  	lr =	sadd.s32 s0, s3;
	s0 =	sld [smem:$0x3FA5]  }
0x30: {  	s3 =	sld [smem:$0x3FA8]  }
0x31: {  	[smem:$0x3FB1] =	sst s10  }
0x32: {  	s10 =	sld [smem:$0x3FAF];
	_ =	sdelay $0x3  }
0x33: {  	p0 =	seq.s32 s10, $0x1;
	s10 =	sld [smem:$0x3FB1];
	_ =	sdelay $0x3  }
0x34: {  	[smem:$0x3FB1] =	sst s10  }
0x35: {  	s10 =	sld [smem:$0x3FB0];
	_ =	sdelay $0x3  }
0x36: {  	p1 =	seq.s32 s10, $0x1;
	s10 =	sld [smem:$0x3FB1];
	_ =	sdelay $0x3  }
0x37: {  	[smem:$0x3FB1] =	sst s10  }
0x38: {  	s10 =	sld [smem:$0x3FB2]  }
0x39: {  	_ = 	snop;
	(pc) =	sbr.ind lr, $3  }
0x3a: {  	_ = 	snop  }
0x3b: {  	_ = 	snop  }
0x3c: {  	p2 =	seq.s32 s10, $0x1;
	s10 =	sld [smem:$0x3FB1]  }
0x3d: {  	_ =	shalt  }
0x3e: {  	_ =	shalt  }
0x3f: {  	_ =	shalt  }
0x40: {  	_ =	shalt  }
0x41: {  	_ =	shalt  }
0x42: {  	_ =	shalt  }
0x43: {  	_ =	shalt  }
0x44: {  	_ =	shalt  }
0x45: {  	_ =	shalt  }
0x46: {  	_ =	shalt  }
0x47: {  	_ =	shalt  }
0x48: {  	_ =	shalt  }
0x49: {  	_ =	shalt  }
0x4a: {  	_ =	shalt  }
0x4b: {  	_ =	shalt  }
0x4c: {  	_ =	shalt  }
0x4d: {  	_ =	shalt  }
0x4e: {  	_ =	shalt  }
0x4f: {  	_ =	shalt  }
0x50: {  	_ =	shalt  }
0x51: {  	_ =	shalt  }
0x52: {  	_ =	shalt  }
0x53: {  	_ =	shalt  }
0x54: {  	_ =	shalt  }
0x55: {  	_ =	shalt  }
0x56: {  	_ =	shalt  }
0x57: {  	_ =	shalt  }
0x58: {  	_ =	shalt  }
0x59: {  	_ =	shalt  }
0x5a: {  	_ =	shalt  }
0x5b: {  	_ =	shalt  }
0x5c: {  	_ =	shalt  }
0x5d: {  	_ =	shalt  }
0x5e: {  	_ =	shalt  }
0x5f: {  	_ =	shalt  }
0x60: {  	_ =	shalt  }
0x61: {  	_ =	shalt  }
0x62: {  	_ =	shalt  }
0x63: {  	_ =	shalt  }
0x64: {  	_ =	shalt  }
0x65: {  	_ =	shalt  }
0x66: {  	_ =	shalt  }
0x67: {  	_ =	shalt  }
0x68: {  	_ =	shalt  }
0x69: {  	_ =	shalt  }
0x6a: {  	_ =	shalt  }
0x6b: {  	_ =	shalt  }
0x6c: {  	_ =	shalt  }
0x6d: {  	_ =	shalt  }
0x6e: {  	_ =	shalt  }
0x6f: {  	_ =	shalt  }
0x70: {  	_ =	shalt  }
0x71: {  	_ =	shalt  }
0x72: {  	_ =	shalt  }
0x73: {  	_ =	shalt  }
0x74: {  	_ =	shalt  }
0x75: {  	_ =	shalt  }
0x76: {  	_ =	shalt  }
0x77: {  	_ =	shalt  }
0x78: {  	_ =	shalt  }
0x79: {  	_ =	shalt  }
0x7a: {  	_ =	shalt  }
0x7b: {  	_ =	shalt  }
0x7c: {  	_ =	shalt  }
0x7d: {  	_ =	shalt  }
0x7e: {  	_ =	shalt  }
0x7f: {  	_ =	shalt  }
0x80: {  	_ =	shalt  }
0x81: {  	_ =	shalt  }
0x82: {  	_ =	shalt  }
0x83: {  	_ =	shalt  }
0x84: {  	_ =	shalt  }
0x85: {  	_ =	shalt  }
0x86: {  	_ =	shalt  }
0x87: {  	_ =	shalt  }
.Lfunc_end0:
.L_simem_size_0:
called_computation.1_lowered:
.L_overlay_start_0:
0x88: {  	s2 =	sld [smem:$0x3FD9]  }
0x89: {  	s3 =	sld [smem:$0x3FFE];
	_ =	sdelay $0x1  }
0x8a: {  	s1 =	srdreg.scid  }
0x8b: {  	s0 =	sand.u32 $0x1, s1  }
0x8c: {  	s17 =	sshll.u32 s0, $0xA;
	s2 =	sadd.s32 s3, s2  }
0x8d: {  	s2 =	sadd.s32 s2, s17  }
0x8e: {  	[smem:$0x3FBD] =	sst s2  }
0x8f: {  	_ = 	snop  }
0x90: {  	s2 =	sld [smem:$0x3FD0];
	(tm) =	ssettm $0x1  }
0x91: {  	s18 =	sld [smem:$0x3FFB];
	_ =	sdelay $0x3  }
0x92: {  	_ =	strace s18  }
0x93: {  	s3 =	sld [smem:$0x3FFC];
	_ =	sdelay $0x3  }
0x94: {  	_ =	strace s3  }
0x95: {  	s3 =	sld [smem:$0x3FFD];
	_ =	sdelay $0x3  }
0x96: {  	_ =	strace s3  }
0x97: {  	_ =	strace $0x8FFFFFFF  }
0x98: {  	s19 =	sld [smem:$0x3FDB];
	_ =	sdelay $0x1  }
0x99: {  	s4 =	simm.s32 $_scs_section_size  }
0x9a: {  	s5 =	simm.s32 $_size__tile_overlayer_lowered;
	s6 =	simm.s32 $_tile_overlayer_lowered  }
0x9b: {  	s22 =	simm.s32 $0x1BFF;
	s21 =	sshll.u32 s6, $0x1;
	s3 =	sadd.s32 s4, s19  }
0x9c: {  	s7 =	simm.s32 $0x0;
	s20 =	sshll.u32 s5, $0x1;
	s5 =	sadd.s32 s21, s3  }
0x9d: {  	[timem:s7], [sflag:s22] =	dma.local [hbm:s5], s20  }
0x9e: {  	_ =	swait.ge [sflag:s22], s20  }
0x9f: {  	s4 =	ssub.s32 $0x0, s20;
	[sflag:s22] =	ssyncset.done $0x0  }
0xa0: {  	[sflag:s22] =	ssyncadd.s32 s4;
	_ =	sdelay $0x1  }
0xa1: {  	s23 =	simm.s32 $0x1B8B  }
0xa2: {  	_ =	swait.ge [sflag:s23], $0x1  }
0xa3: {  	[sflag:s23] =	ssyncset.done $0x0  }
0xa4: {  	s25 =	simm.s32 $0x1B8E;
	s24 =	sld [smem:$0x3FFE];
	[sflag:s23] =	ssyncadd.s32 $0xFFFFFFFF  }
0xa5: {  	s26 =	simm.s32 $execute0_lowered;
	[smem:$0x3FD2] =	sst s25  }
0xa6: {  	s5 =	sshll.u32 s26, $0x1;
	_ =	strace $0x80000049;
	[dreg:$0x1] =	wrdreg $0xFFFFFFFF  }
0xa7: {  	s28 =	simm.s32 $_size_execute0_lowered;
	s3 =	sadd.s32 s3, s5;
	[dreg:$0x0] =	wrdreg $0x0  }
0xa8: {  	s5 =	sshll.u32 s28, $0x1;
	[dreg:$0x2] =	wrdreg s3  }
0xa9: {  	[dreg:$0x3] =	wrdreg s5  }
0xaa: {  	[dreg:$0x4] =	wrdreg $0xC0  }
0xab: {  	_ =	task [dreg:s7], $0x5FFFF  }
0xac: {  	[dreg:$0x1] =	wrdreg $0xFFFFFFFF  }
0xad: {  	[dreg:$0x0] =	wrdreg $0x60  }
0xae: {  	[dreg:$0x2] =	wrdreg s24  }
0xaf: {  	[dreg:$0x3] =	wrdreg s2  }
0xb0: {  	[dreg:$0x4] =	wrdreg $0x0  }
0xb1: {  	[dreg:$0x5] =	wrdreg $0x9  }
0xb2: {  	_ =	task.clear_ibuf [dreg:s7], $0x6FFFF;
	_ =	strace $0x90000049  }
0xb3: {  	s29 =	simm.s32 $0x9;
	_ =	strace $0x8000004B  }
0xb4: {  	_ =	swait.ge [sflag:s29], $0x1  }
0xb5: {  	[sflag:s29] =	ssyncadd.s32 $0xFFFFFFFF  }
0xb6: {  	_ =	strace $0x9000004B  }
0xb7: {  	_ =	sfence  }
0xb8: {  	s30 =	sld [smem:$0x0];
	_ =	sdelay $0x2  }
0xb9: {  	s31 =	sshll.u32 s1, $0xD;
	s1 =	sshrl.u32 s1, $0x2  }
0xba: {  	s3 =	sand.u32 $0x4000, s31;
	s1 =	sadd.s32 s1, s30  }
0xbb: {  	s0 =	sor.u32 s3, s0;
	s1 =	sshll.u32 s1, $0x11  }
0xbc: {  	s0 =	sor.u32 s1, s0  }
0xbd: {  	s0 =	sadd.s32 $0x8F2B, s0  }
0xbe: {  	[sflag:s0] =	ssyncadd.remote.s32 $0x1  }
0xbf: {  	_ =	sfence.sel $0xFFFF  }
0xc0: {  	[dreg:$0x0] =	wrdreg $0xFFFFFFFF;
	(pc) =	sbr.abs _section_cstart, $3  }
0xc1: {  	[dreg:$0x1] =	wrdreg $0xFFFFFFFF  }
0xc2: {  	_ =	task.clear_ibuf [dreg:s7], $0x2FFFF;
	_ =	strace $0x9FFFFFFF  }
0xc3: {  	(tm) =	ssettm $0x7FFFFFFF  }
tec
execute0_lowered:
.L_overlay_start_1:
0x0: {  	(tag) =	ssettag $0x1  }
0x1: {  	s0 =	rddreg [dreg:$0x0]  }
0x2: {  	s1 =	rddreg [dreg:$0x1]  }
0x3: {  	s2 =	rddreg [dreg:$0x2]  }
0x4: {  	s3 =	srdreg.scid;
	s7 =	stileid.u32;
	s5 =	simm.s32 $0x0  }
0x5: {  	s31 =	simm.s32 $0x1BC00;
	s9 =	simm.s32 $0x5;
	s3 =	sand.u32 $0x1, s3  }
0x6: {  	s4 =	sshll.u32 s7, $0x1;
	[smem:$0x7FF] =	sst s5;
	s7 =	smul.u32 $0x50000, s7  }
0x7: {  	s4 =	sor.u32 s3, s4;
	s6 =	ssub.s32 $0x2, s3;
	s3 =	smul.u32 $0x1400000, s3  }
0x8: {  	s5 =	simm.s32 $0x1;
	_ =	strace $0x8000004A;
	s10 =	smul.u32 $0x280, s4  }
0x9: {  	s4 =	sadd.s32 $0xC9E00, s0;
	s11 =	sshrl.u32 s6, $0x1;
	s14 =	sadd.s32 s3, s7  }
0xa: {  	s8 =	sadd.s32 s10, s0;
	s0 =	sadd.s32 $0x166200, s0;
	[dreg:$0x7] =	wrdreg s14  }
0xb: {  	s12 =	sshrl.u32 s7, $0x2;
	s1 =	sadd.s32 s1, s10;
	[dreg:$0x4] =	wrdreg s0  }
0xc: {  	s0 =	ssub.s32 s6, s11;
	[dreg:$0x5] =	wrdreg s1;
	s13 =	sadd.s32 $0x1800, s8  }
0xd: {  	s8 =	sadd.s32 s12, s2;
	[dreg:$0x6] =	wrdreg s13;
	s0 =	smax.u32 s0, $0x1  }
0xe: {  	s3 =	simm.s32 $0x80;
	s15 =	sadd.s32 $0x1000, s8;
	[dreg:$0x8] =	wrdreg s0  }
0xf: {  	s7 =	simm.s32 $0x17C00;
	s16 =	sadd.s32 $0x2000, s8;
	[dreg:$0x9] =	wrdreg s15  }
0x10: {  	s10 =	simm.s32 $0x19C00;
	s17 =	sadd.s32 $0x3000, s8;
	[dreg:$0xa] =	wrdreg s16  }
0x11: {  	s14 =	simm.s32 $0x7;
	s18 =	sadd.s32 $0x4000, s8;
	[dreg:$0xb] =	wrdreg s17  }
0x12: {  	s1 =	simm.s32 $0x18C00;
	s19 =	sadd.s32 $0x5000, s8;
	[dreg:$0xc] =	wrdreg s18  }
0x13: {  	s6 =	simm.s32 $0x1AC00;
	s20 =	sadd.s32 $0x6000, s8;
	[dreg:$0xd] =	wrdreg s19  }
0x14: {  	s11 =	simm.s32 $0x2;
	s21 =	sadd.s32 $0x7000, s8;
	[dreg:$0xe] =	wrdreg s20  }
0x15: {  	s12 =	simm.s32 $0x6;
	s22 =	sadd.s32 $0x8000, s8;
	[dreg:$0xf] =	wrdreg s21  }
0x16: {  	s23 =	sadd.s32 $0x9000, s8;
	s24 =	sadd.s32 $0xA000, s8;
	[dreg:$0x10] =	wrdreg s22  }
0x17: {  	s25 =	sadd.s32 $0xB000, s8;
	s26 =	sadd.s32 $0xC000, s8;
	[dreg:$0x11] =	wrdreg s23  }
0x18: {  	s28 =	sadd.s32 $0x11000, s8;
	s29 =	sadd.s32 $0x12000, s8;
	[dreg:$0x12] =	wrdreg s24  }
0x19: {  	s30 =	sadd.s32 $0x13000, s8;
	s13 =	simm.s32 $0x3;
	[dreg:$0x13] =	wrdreg s25  }
0x1a: {  	[dreg:$0x14] =	wrdreg s26;
	s23 =	sadd.s32 $0xD000, s8;
	s24 =	sadd.s32 $0xE000, s8  }
0x1b: {  	s25 =	sadd.s32 $0xF000, s8;
	s26 =	sadd.s32 $0x10000, s8;
	s0 =	simm.s32 $0x9  }
0x1c: {  	v0 =	vimm.f32 $0.0e+00;
	s15 =	simm.s32 $0x4;
	s16 =	simm.s32 $0x8;
	s18 =	simm.s32 $0x0  }
.LBB2_1:
0x1d: {  	[dreg:$0x15] =	wrdreg s18  }
0x1e: {  	s17 =	simm.s32 $0x0;
	s20 =	rddreg [dreg:$0x5];
	s19 =	simm.s32 $0x14000  }
0x1f: {  	[tilespmem:s19], [sflag:$0x9] =	stream.linear.gather [hbm4b:s20+s17], $0x1400, $0x38;
	[tilespmem:$0x1CC00] =	vst v63  }
0x20: {  	_ =	swait.ge [sflag:s0], $0x1400  }
0x21: {  	[sflag:s0] =	ssyncset.done $0x0  }
0x22: {  	s22 =	simm.s32 $0x15400;
	s21 =	rddreg [dreg:$0x6];
	[sflag:s0] =	ssyncadd.s32 $0xFFFFEC00  }
0x23: {  	[tilespmem:s22], [sflag:$0x9] =	stream.linear.gather [hbm4b:s21+s17], $0x1400, $0x38;
	[tilespmem:$0x1CC00] =	vst v63  }
0x24: {  	_ =	swait.ge [sflag:s0], $0x1400  }
0x25: {  	[sflag:s0] =	ssyncset.done $0x0  }
0x26: {  	s18 =	simm.s32 $0x0;
	s17 =	simm.s32 $0x80;
	[sflag:s0] =	ssyncadd.s32 $0xFFFFEC00  }
.LBB2_2:
0x27: {  	p0 =	sne.s32 s17, $0x3F80;
	[tilespmem:s18+$0x1BC00] =	vst v0;
	s19 =	smov.u32 s17;
	s17 =	sadd.s32 $0x80, s17  }
.Ltmp0:
0x28: {  	[tilespmem:s18+$0x1BC10] =	vst v0;
	(pc) =	sbr.rel @p0 .LBB2_2-.Ltmp0, $2  }
0x29: {  	_ =	sdelay $0x2  }
0x2a: {  	s18 =	sshra.s32 s19, $0x2  }
0x2b: {  	[tilespmem:s18+$0x1BC00] =	vst v0  }
0x2c: {  	s17 =	simm.s32 $0x0;
	[tilespmem:s18+$0x1BC10] =	vst v0  }
.LBB2_4:
0x2d: {  	[spmem:s8] =	stream.linear.scatter [tilespmem:s31], [sflag:$0x9], $0x1000, $0x38;
	[tilespmem:$0x1CC00] =	vst v63  }
0x2e: {  	_ =	swait.ge [sflag:s0], $0x1000  }
0x2f: {  	[sflag:s0] =	ssyncset.done $0x0  }
0x30: {  	s18 =	rddreg [dreg:$0x9];
	[sflag:s0] =	ssyncadd.s32 $0xFFFFF000  }
0x31: {  	[spmem:s18] =	stream.linear.scatter [tilespmem:s31], [sflag:$0x9], $0x1000, $0x38;
	[tilespmem:$0x1CC00] =	vst v63  }
0x32: {  	_ =	swait.ge [sflag:s0], $0x1000  }
0x33: {  	[sflag:s0] =	ssyncset.done $0x0  }
0x34: {  	s20 =	rddreg [dreg:$0xa];
	[sflag:s0] =	ssyncadd.s32 $0xFFFFF000  }
0x35: {  	[spmem:s20] =	stream.linear.scatter [tilespmem:s31], [sflag:$0x9], $0x1000, $0x38;
	[tilespmem:$0x1CC00] =	vst v63  }
0x36: {  	_ =	swait.ge [sflag:s0], $0x1000  }
0x37: {  	[sflag:s0] =	ssyncset.done $0x0  }
0x38: {  	s21 =	rddreg [dreg:$0xb];
	[sflag:s0] =	ssyncadd.s32 $0xFFFFF000  }
0x39: {  	[spmem:s21] =	stream.linear.scatter [tilespmem:s31], [sflag:$0x9], $0x1000, $0x38;
	[tilespmem:$0x1CC00] =	vst v63  }
0x3a: {  	_ =	swait.ge [sflag:s0], $0x1000  }
0x3b: {  	[sflag:s0] =	ssyncset.done $0x0  }
0x3c: {  	s22 =	rddreg [dreg:$0xc];
	[sflag:s0] =	ssyncadd.s32 $0xFFFFF000  }
0x3d: {  	[spmem:s22] =	stream.linear.scatter [tilespmem:s31], [sflag:$0x9], $0x1000, $0x38;
	[tilespmem:$0x1CC00] =	vst v63  }
0x3e: {  	_ =	swait.ge [sflag:s0], $0x1000  }
0x3f: {  	[sflag:s0] =	ssyncset.done $0x0  }
0x40: {  	s19 =	rddreg [dreg:$0xd];
	[sflag:s0] =	ssyncadd.s32 $0xFFFFF000  }
0x41: {  	[spmem:s19] =	stream.linear.scatter [tilespmem:s31], [sflag:$0x9], $0x1000, $0x38;
	[tilespmem:$0x1CC00] =	vst v63  }
0x42: {  	_ =	swait.ge [sflag:s0], $0x1000  }
0x43: {  	[sflag:s0] =	ssyncset.done $0x0  }
0x44: {  	s20 =	rddreg [dreg:$0xe];
	[sflag:s0] =	ssyncadd.s32 $0xFFFFF000  }
0x45: {  	[spmem:s20] =	stream.linear.scatter [tilespmem:s31], [sflag:$0x9], $0x1000, $0x38;
	[tilespmem:$0x1CC00] =	vst v63  }
0x46: {  	_ =	swait.ge [sflag:s0], $0x1000  }
0x47: {  	[sflag:s0] =	ssyncset.done $0x0  }
0x48: {  	s21 =	rddreg [dreg:$0xf];
	[sflag:s0] =	ssyncadd.s32 $0xFFFFF000  }
0x49: {  	[spmem:s21] =	stream.linear.scatter [tilespmem:s31], [sflag:$0x9], $0x1000, $0x38;
	[tilespmem:$0x1CC00] =	vst v63  }
0x4a: {  	_ =	swait.ge [sflag:s0], $0x1000  }
0x4b: {  	[sflag:s0] =	ssyncset.done $0x0  }
0x4c: {  	s22 =	rddreg [dreg:$0x10];
	[sflag:s0] =	ssyncadd.s32 $0xFFFFF000  }
0x4d: {  	[spmem:s22] =	stream.linear.scatter [tilespmem:s31], [sflag:$0x9], $0x1000, $0x38;
	[tilespmem:$0x1CC00] =	vst v63  }
0x4e: {  	_ =	swait.ge [sflag:s0], $0x1000  }
0x4f: {  	[sflag:s0] =	ssyncset.done $0x0  }
0x50: {  	s19 =	rddreg [dreg:$0x11];
	[sflag:s0] =	ssyncadd.s32 $0xFFFFF000  }
0x51: {  	[spmem:s19] =	stream.linear.scatter [tilespmem:s31], [sflag:$0x9], $0x1000, $0x38;
	[tilespmem:$0x1CC00] =	vst v63  }
0x52: {  	_ =	swait.ge [sflag:s0], $0x1000  }
0x53: {  	[sflag:s0] =	ssyncset.done $0x0  }
0x54: {  	s20 =	rddreg [dreg:$0x12];
	[sflag:s0] =	ssyncadd.s32 $0xFFFFF000  }
0x55: {  	[spmem:s20] =	stream.linear.scatter [tilespmem:s31], [sflag:$0x9], $0x1000, $0x38;
	[tilespmem:$0x1CC00] =	vst v63  }
0x56: {  	_ =	swait.ge [sflag:s0], $0x1000  }
0x57: {  	[sflag:s0] =	ssyncset.done $0x0  }
0x58: {  	s21 =	rddreg [dreg:$0x13];
	[sflag:s0] =	ssyncadd.s32 $0xFFFFF000  }
0x59: {  	[spmem:s21] =	stream.linear.scatter [tilespmem:s31], [sflag:$0x9], $0x1000, $0x38;
	[tilespmem:$0x1CC00] =	vst v63  }
0x5a: {  	_ =	swait.ge [sflag:s0], $0x1000  }
0x5b: {  	[sflag:s0] =	ssyncset.done $0x0  }
0x5c: {  	s22 =	rddreg [dreg:$0x14];
	[sflag:s0] =	ssyncadd.s32 $0xFFFFF000  }
0x5d: {  	[spmem:s22] =	stream.linear.scatter [tilespmem:s31], [sflag:$0x9], $0x1000, $0x38;
	[tilespmem:$0x1CC00] =	vst v63  }
0x5e: {  	_ =	swait.ge [sflag:s0], $0x1000  }
0x5f: {  	[sflag:s0] =	ssyncset.done $0x0  }
0x60: {  	[sflag:s0] =	ssyncadd.s32 $0xFFFFF000  }
0x61: {  	[spmem:s23] =	stream.linear.scatter [tilespmem:s31], [sflag:$0x9], $0x1000, $0x38;
	[tilespmem:$0x1CC00] =	vst v63  }
0x62: {  	_ =	swait.ge [sflag:s0], $0x1000  }
0x63: {  	[sflag:s0] =	ssyncset.done $0x0  }
0x64: {  	[sflag:s0] =	ssyncadd.s32 $0xFFFFF000  }
0x65: {  	[spmem:s24] =	stream.linear.scatter [tilespmem:s31], [sflag:$0x9], $0x1000, $0x38;
	[tilespmem:$0x1CC00] =	vst v63  }
0x66: {  	_ =	swait.ge [sflag:s0], $0x1000  }
0x67: {  	[sflag:s0] =	ssyncset.done $0x0  }
0x68: {  	[sflag:s0] =	ssyncadd.s32 $0xFFFFF000  }
0x69: {  	[spmem:s25] =	stream.linear.scatter [tilespmem:s31], [sflag:$0x9], $0x1000, $0x38;
	[tilespmem:$0x1CC00] =	vst v63  }
0x6a: {  	_ =	swait.ge [sflag:s0], $0x1000  }
0x6b: {  	[sflag:s0] =	ssyncset.done $0x0  }
0x6c: {  	[sflag:s0] =	ssyncadd.s32 $0xFFFFF000  }
0x6d: {  	[spmem:s26] =	stream.linear.scatter [tilespmem:s31], [sflag:$0x9], $0x1000, $0x38;
	[tilespmem:$0x1CC00] =	vst v63  }
0x6e: {  	_ =	swait.ge [sflag:s0], $0x1000  }
0x6f: {  	[sflag:s0] =	ssyncset.done $0x0  }
0x70: {  	[sflag:s0] =	ssyncadd.s32 $0xFFFFF000  }
0x71: {  	[spmem:s28] =	stream.linear.scatter [tilespmem:s31], [sflag:$0x9], $0x1000, $0x38;
	[tilespmem:$0x1CC00] =	vst v63  }
0x72: {  	_ =	swait.ge [sflag:s0], $0x1000  }
0x73: {  	[sflag:s0] =	ssyncset.done $0x0  }
0x74: {  	[sflag:s0] =	ssyncadd.s32 $0xFFFFF000  }
0x75: {  	[spmem:s29] =	stream.linear.scatter [tilespmem:s31], [sflag:$0x9], $0x1000, $0x38;
	[tilespmem:$0x1CC00] =	vst v63  }
0x76: {  	_ =	swait.ge [sflag:s0], $0x1000  }
0x77: {  	[sflag:s0] =	ssyncset.done $0x0  }
0x78: {  	[sflag:s0] =	ssyncadd.s32 $0xFFFFF000  }
0x79: {  	[spmem:s30] =	stream.linear.scatter [tilespmem:s31], [sflag:$0x9], $0x1000, $0x38;
	[tilespmem:$0x1CC00] =	vst v63  }
0x7a: {  	_ =	swait.ge [sflag:s0], $0x1000  }
0x7b: {  	[sflag:s0] =	ssyncset.done $0x0  }
0x7c: {  	s21 =	simm.s32 $0x0;
	[sflag:s0] =	ssyncadd.s32 $0xFFFFF000  }
0x7d: {  	v3 =	vld [tilespmem:s21+$0x14070]  }
0x7e: {  	s18 =	sshrl.u32 s17, $0x2;
	v5 =	vld [tilespmem:s21+$0x14000]  }
0x7f: {  	s20 =	smul.u32 $0x9C40, s18;
	v8 =	vld [tilespmem:s21+$0x14010]  }
0x80: {  	s19 =	sand.u32 $0x3, s17;
	v6 =	vld [tilespmem:s21+$0x14020]  }
0x81: {  	s20 =	sor.u32 s19, s20;
	v4 =	vld [tilespmem:s21+$0x14030]  }
0x82: {  	v1 =	vmov s20;
	v2 =	vld [tilespmem:s21+$0x14040];
	v7 =	vshll.u32 v3, $0x2  }
0x83: {  	v3 =	vld [tilespmem:s21+$0x14050];
	v9 =	vshll.u32 v5, $0x2;
	v10 =	vadd.s32 v1, v7  }
0x84: {  	s20 =	simm.s32 $0x80;
	s22 =	simm.s32 $0x400;
	v5 =	vld [tilespmem:s21+$0x14060];
	v8 =	vshll.u32 v8, $0x2;
	v7 =	vadd.s32 v1, v9;
	[tilespmem:s21+$0x16870] =	vst v10  }
.LBB2_5:
0x85: {  	p0 =	sne.s32 s22, $0x4E00;
	v9 =	vld [tilespmem:s20+$0x14070];
	[tilespmem:s21+$0x16800] =	vst v7;
	v7 =	vadd.s32 v1, v8;
	v6 =	vshll.u32 v6, $0x2  }
0x86: {  	v8 =	vld [tilespmem:s20+$0x14000];
	[tilespmem:s21+$0x16810] =	vst v7;
	v6 =	vadd.s32 v1, v6;
	v4 =	vshll.u32 v4, $0x2  }
0x87: {  	v10 =	vld [tilespmem:s20+$0x14010];
	[tilespmem:s21+$0x16820] =	vst v6;
	v4 =	vadd.s32 v1, v4;
	v2 =	vshll.u32 v2, $0x2  }
.Ltmp1:
0x88: {  	v6 =	vld [tilespmem:s20+$0x14020];
	[tilespmem:s21+$0x16830] =	vst v4;
	v2 =	vadd.s32 v1, v2;
	v3 =	vshll.u32 v3, $0x2;
	(pc) =	sbr.rel @p0 .LBB2_5-.Ltmp1, $4  }
0x89: {  	v4 =	vld [tilespmem:s20+$0x14030];
	[tilespmem:s21+$0x16840] =	vst v2;
	v3 =	vadd.s32 v1, v3;
	v5 =	vshll.u32 v5, $0x2  }
0x8a: {  	v2 =	vld [tilespmem:s20+$0x14040];
	v7 =	vshll.u32 v9, $0x2;
	[tilespmem:s21+$0x16850] =	vst v3;
	v5 =	vadd.s32 v1, v5  }
0x8b: {  	v8 =	vshll.u32 v8, $0x2;
	v3 =	vld [tilespmem:s20+$0x14050];
	v9 =	vadd.s32 v1, v7;
	[tilespmem:s21+$0x16860] =	vst v5;
	s21 =	smov.u32 s20  }
0x8c: {  	s20 =	sshra.s32 s22, $0x2;
	s22 =	sadd.s32 $0x200, s22;
	v7 =	vadd.s32 v1, v8;
	v8 =	vshll.u32 v10, $0x2;
	v5 =	vld [tilespmem:s21+$0x14060];
	[tilespmem:s21+$0x16870] =	vst v9  }
0x8d: {  	v9 =	vld [tilespmem:s20+$0x14070];
	[tilespmem:s21+$0x16800] =	vst v7;
	v59 =	vadd.s32 v1, v8;
	v6 =	vshll.u32 v6, $0x2  }
0x8e: {  	v60 =	vld [tilespmem:s20+$0x14000];
	[tilespmem:s21+$0x16810] =	vst v59;
	v6 =	vadd.s32 v1, v6;
	v4 =	vshll.u32 v4, $0x2  }
0x8f: {  	v7 =	vld [tilespmem:s20+$0x14010];
	[tilespmem:s21+$0x16820] =	vst v6;
	v4 =	vadd.s32 v1, v4;
	v2 =	vshll.u32 v2, $0x2  }
0x90: {  	v6 =	vld [tilespmem:s20+$0x14020];
	[tilespmem:s21+$0x16830] =	vst v4;
	v2 =	vadd.s32 v1, v2;
	v3 =	vshll.u32 v3, $0x2  }
0x91: {  	v4 =	vld [tilespmem:s20+$0x14030];
	[tilespmem:s21+$0x16840] =	vst v2;
	v2 =	vadd.s32 v1, v3;
	v5 =	vshll.u32 v5, $0x2  }
0x92: {  	v3 =	vld [tilespmem:s20+$0x14040];
	[tilespmem:s21+$0x16850] =	vst v2;
	v2 =	vadd.s32 v1, v5;
	v9 =	vshll.u32 v9, $0x2  }
0x93: {  	v61 =	vld [tilespmem:s20+$0x14050];
	[tilespmem:s21+$0x16860] =	vst v2;
	v2 =	vshll.u32 v60, $0x2;
	v62 =	vadd.s32 v1, v9  }
0x94: {  	v63 =	vld [tilespmem:s20+$0x14060];
	v2 =	vadd.s32 v1, v2;
	v7 =	vshll.u32 v7, $0x2;
	[tilespmem:s20+$0x16870] =	vst v62  }
0x95: {  	[tilespmem:s20+$0x16800] =	vst v2;
	v2 =	vadd.s32 v1, v7;
	v6 =	vshll.u32 v6, $0x2  }
0x96: {  	[tilespmem:s20+$0x16810] =	vst v2;
	v2 =	vadd.s32 v1, v6;
	v4 =	vshll.u32 v4, $0x2  }
0x97: {  	[tilespmem:s20+$0x16820] =	vst v2;
	v2 =	vadd.s32 v1, v4;
	v3 =	vshll.u32 v3, $0x2  }
0x98: {  	[tilespmem:s20+$0x16830] =	vst v2;
	v2 =	vadd.s32 v1, v3;
	v3 =	vshll.u32 v61, $0x2  }
0x99: {  	[tilespmem:s20+$0x16840] =	vst v2;
	v2 =	vadd.s32 v1, v3;
	v3 =	vshll.u32 v63, $0x2  }
0x9a: {  	[tilespmem:s20+$0x16850] =	vst v2;
	v1 =	vadd.s32 v1, v3  }
0x9b: {  	[tilespmem:s20+$0x16860] =	vst v1  }
0x9c: {  	s22 =	simm.s32 $0x16800;
	[bflag:$0x0] =	sbarrier.arrive $0xFFFF  }
0x9d: {  	[tilespmem:s7], [sflag:$0x1] =	stream.indirect.gather [hbm4b:s4+s3], $0x20, s22, s3, $0xb8;
	[tilespmem:$0x1CC00] =	vst v63  }
0x9e: {  	s21 =	simm.s32 $0x16880  }
0x9f: {  	[tilespmem:s1], [sflag:$0x2] =	stream.indirect.gather [hbm4b:s4+s3], $0x20, s21, s3, $0xb8;
	[tilespmem:$0x1CC00] =	vst v63  }
0xa0: {  	s22 =	simm.s32 $0x16900  }
0xa1: {  	[tilespmem:s10], [sflag:$0x3] =	stream.indirect.gather [hbm4b:s4+s3], $0x20, s22, s3, $0xb8;
	[tilespmem:$0x1CC00] =	vst v63  }
0xa2: {  	s21 =	simm.s32 $0x16980  }
0xa3: {  	[tilespmem:s6], [sflag:$0x4] =	stream.indirect.gather [hbm4b:s4+s3], $0x20, s21, s3, $0xb8;
	[tilespmem:$0x1CC00] =	vst v63  }
0xa4: {  	_ =	swait.ge [sflag:s5], $0x1000  }
0xa5: {  	[sflag:s5] =	ssyncset.done $0x0  }
0xa6: {  	s22 =	simm.s32 $0x15400;
	[sflag:s5] =	ssyncadd.s32 $0xFFFFF000  }
0xa7: {  	[spmem:s2] =	stream.indirect.scatter.add.f32 [tilespmem:s7], [sflag:$0x5], $0x20, s22, s3, $0xb8;
	[tilespmem:$0x1CC00] =	vst v63  }
0xa8: {  	_ =	swait.ge [sflag:s9], $0x1000  }
0xa9: {  	[sflag:s9] =	ssyncset.done $0x0  }
0xaa: {  	s21 =	simm.s32 $0x16A00;
	[sflag:s9] =	ssyncadd.s32 $0xFFFFF000  }
0xab: {  	[tilespmem:s7], [sflag:$0x1] =	stream.indirect.gather [hbm4b:s4+s3], $0x20, s21, s3, $0xb8;
	[tilespmem:$0x1CC00] =	vst v63  }
0xac: {  	_ =	swait.ge [sflag:s11], $0x1000  }
0xad: {  	[sflag:s11] =	ssyncset.done $0x0  }
0xae: {  	s22 =	simm.s32 $0x15480;
	[sflag:s11] =	ssyncadd.s32 $0xFFFFF000  }
0xaf: {  	[spmem:s2] =	stream.indirect.scatter.add.f32 [tilespmem:s1], [sflag:$0x6], $0x20, s22, s3, $0xb8;
	[tilespmem:$0x1CC00] =	vst v63  }
0xb0: {  	_ =	swait.ge [sflag:s12], $0x1000  }
0xb1: {  	[sflag:s12] =	ssyncset.done $0x0  }
0xb2: {  	s21 =	simm.s32 $0x16A80;
	[sflag:s12] =	ssyncadd.s32 $0xFFFFF000  }
0xb3: {  	[tilespmem:s1], [sflag:$0x2] =	stream.indirect.gather [hbm4b:s4+s3], $0x20, s21, s3, $0xb8;
	[tilespmem:$0x1CC00] =	vst v63  }
0xb4: {  	_ =	swait.ge [sflag:s13], $0x1000  }
0xb5: {  	[sflag:s13] =	ssyncset.done $0x0  }
0xb6: {  	s22 =	simm.s32 $0x15500;
	[sflag:s13] =	ssyncadd.s32 $0xFFFFF000  }
0xb7: {  	[spmem:s2] =	stream.indirect.scatter.add.f32 [tilespmem:s10], [sflag:$0x7], $0x20, s22, s3, $0xb8;
	[tilespmem:$0x1CC00] =	vst v63  }
0xb8: {  	_ =	swait.ge [sflag:s14], $0x1000  }
0xb9: {  	[sflag:s14] =	ssyncset.done $0x0  }
0xba: {  	s21 =	simm.s32 $0x16B00;
	[sflag:s14] =	ssyncadd.s32 $0xFFFFF000  }
0xbb: {  	[tilespmem:s10], [sflag:$0x3] =	stream.indirect.gather [hbm4b:s4+s3], $0x20, s21, s3, $0xb8;
	[tilespmem:$0x1CC00] =	vst v63  }
0xbc: {  	_ =	swait.ge [sflag:s15], $0x1000  }
0xbd: {  	[sflag:s15] =	ssyncset.done $0x0  }
0xbe: {  	s22 =	simm.s32 $0x15580;
	[sflag:s15] =	ssyncadd.s32 $0xFFFFF000  }
0xbf: {  	[spmem:s2] =	stream.indirect.scatter.add.f32 [tilespmem:s6], [sflag:$0x8], $0x20, s22, s3, $0xb8;
	[tilespmem:$0x1CC00] =	vst v63  }
0xc0: {  	_ =	swait.ge [sflag:s16], $0x1000  }
0xc1: {  	[sflag:s16] =	ssyncset.done $0x0  }
0xc2: {  	s20 =	simm.s32 $0x800;
	s21 =	simm.s32 $0x16B80;
	[sflag:s16] =	ssyncadd.s32 $0xFFFFF000  }
.LBB2_7:
0xc3: {  	[tilespmem:s6], [sflag:$0x4] =	stream.indirect.gather [hbm4b:s4+s3], $0x20, s21, s3, $0xb8;
	[tilespmem:$0x1CC00] =	vst v63  }
0xc4: {  	s21 =	smov.u32 s20  }
0xc5: {  	p0 =	sne.s32 s20, $0x4000;
	s20 =	sadd.s32 $0x800, s20;
	_ =	swait.ge [sflag:s5], $0x1000  }
0xc6: {  	s21 =	sshra.s32 s21, $0x2;
	[sflag:s5] =	ssyncset.done $0x0  }
0xc7: {  	s22 =	sadd.s32 $0x15400, s21;
	[sflag:s5] =	ssyncadd.s32 $0xFFFFF000  }
0xc8: {  	[spmem:s2] =	stream.indirect.scatter.add.f32 [tilespmem:s7], [sflag:$0x5], $0x20, s22, s3, $0xb8;
	[tilespmem:$0x1CC00] =	vst v63  }
0xc9: {  	_ =	swait.ge [sflag:s9], $0x1000  }
0xca: {  	[sflag:s9] =	ssyncset.done $0x0  }
0xcb: {  	s22 =	sadd.s32 $0x16A00, s21;
	[sflag:s9] =	ssyncadd.s32 $0xFFFFF000  }
0xcc: {  	[tilespmem:s7], [sflag:$0x1] =	stream.indirect.gather [hbm4b:s4+s3], $0x20, s22, s3, $0xb8;
	[tilespmem:$0x1CC00] =	vst v63  }
0xcd: {  	_ =	swait.ge [sflag:s11], $0x1000  }
0xce: {  	[sflag:s11] =	ssyncset.done $0x0  }
0xcf: {  	s22 =	sadd.s32 $0x15480, s21;
	[sflag:s11] =	ssyncadd.s32 $0xFFFFF000  }
0xd0: {  	[spmem:s2] =	stream.indirect.scatter.add.f32 [tilespmem:s1], [sflag:$0x6], $0x20, s22, s3, $0xb8;
	[tilespmem:$0x1CC00] =	vst v63  }
0xd1: {  	_ =	swait.ge [sflag:s12], $0x1000  }
0xd2: {  	[sflag:s12] =	ssyncset.done $0x0  }
0xd3: {  	s22 =	sadd.s32 $0x16A80, s21;
	[sflag:s12] =	ssyncadd.s32 $0xFFFFF000  }
0xd4: {  	[tilespmem:s1], [sflag:$0x2] =	stream.indirect.gather [hbm4b:s4+s3], $0x20, s22, s3, $0xb8;
	[tilespmem:$0x1CC00] =	vst v63  }
0xd5: {  	_ =	swait.ge [sflag:s13], $0x1000  }
0xd6: {  	[sflag:s13] =	ssyncset.done $0x0  }
0xd7: {  	s22 =	sadd.s32 $0x15500, s21;
	[sflag:s13] =	ssyncadd.s32 $0xFFFFF000  }
0xd8: {  	[spmem:s2] =	stream.indirect.scatter.add.f32 [tilespmem:s10], [sflag:$0x7], $0x20, s22, s3, $0xb8;
	[tilespmem:$0x1CC00] =	vst v63  }
0xd9: {  	_ =	swait.ge [sflag:s14], $0x1000  }
0xda: {  	[sflag:s14] =	ssyncset.done $0x0  }
0xdb: {  	s22 =	sadd.s32 $0x16B00, s21;
	[sflag:s14] =	ssyncadd.s32 $0xFFFFF000  }
0xdc: {  	[tilespmem:s10], [sflag:$0x3] =	stream.indirect.gather [hbm4b:s4+s3], $0x20, s22, s3, $0xb8;
	[tilespmem:$0x1CC00] =	vst v63  }
0xdd: {  	_ =	swait.ge [sflag:s15], $0x1000  }
0xde: {  	[sflag:s15] =	ssyncset.done $0x0  }
.Ltmp2:
0xdf: {  	s22 =	sadd.s32 $0x15580, s21;
	[sflag:s15] =	ssyncadd.s32 $0xFFFFF000;
	(pc) =	sbr.rel @p0 .LBB2_7-.Ltmp2, $4  }
0xe0: {  	[spmem:s2] =	stream.indirect.scatter.add.f32 [tilespmem:s6], [sflag:$0x8], $0x20, s22, s3, $0xb8;
	[tilespmem:$0x1CC00] =	vst v63  }
0xe1: {  	_ =	swait.ge [sflag:s16], $0x1000  }
0xe2: {  	[sflag:s16] =	ssyncset.done $0x0  }
0xe3: {  	s21 =	sadd.s32 $0x16B80, s21;
	[sflag:s16] =	ssyncadd.s32 $0xFFFFF000  }
0xe4: {  	[tilespmem:s6], [sflag:$0x4] =	stream.indirect.gather [hbm4b:s4+s3], $0x20, s21, s3, $0xb8;
	[tilespmem:$0x1CC00] =	vst v63  }
0xe5: {  	_ =	swait.ge [sflag:s5], $0x1000  }
0xe6: {  	[sflag:s5] =	ssyncset.done $0x0  }
0xe7: {  	s20 =	simm.s32 $0x16600;
	[sflag:s5] =	ssyncadd.s32 $0xFFFFF000  }
0xe8: {  	[spmem:s2] =	stream.indirect.scatter.add.f32 [tilespmem:s7], [sflag:$0x5], $0x20, s20, s3, $0xb8;
	[tilespmem:$0x1CC00] =	vst v63  }
0xe9: {  	_ =	swait.ge [sflag:s9], $0x1000  }
0xea: {  	[sflag:s9] =	ssyncset.done $0x0  }
0xeb: {  	[sflag:s9] =	ssyncadd.s32 $0xFFFFF000  }
0xec: {  	_ =	swait.ge [sflag:s11], $0x1000  }
0xed: {  	[sflag:s11] =	ssyncset.done $0x0  }
0xee: {  	s21 =	simm.s32 $0x16680;
	[sflag:s11] =	ssyncadd.s32 $0xFFFFF000  }
0xef: {  	[spmem:s2] =	stream.indirect.scatter.add.f32 [tilespmem:s1], [sflag:$0x6], $0x20, s21, s3, $0xb8;
	[tilespmem:$0x1CC00] =	vst v63  }
0xf0: {  	_ =	swait.ge [sflag:s12], $0x1000  }
0xf1: {  	[sflag:s12] =	ssyncset.done $0x0  }
0xf2: {  	[sflag:s12] =	ssyncadd.s32 $0xFFFFF000  }
0xf3: {  	_ =	swait.ge [sflag:s13], $0x1000  }
0xf4: {  	[sflag:s13] =	ssyncset.done $0x0  }
0xf5: {  	s22 =	simm.s32 $0x16700;
	[sflag:s13] =	ssyncadd.s32 $0xFFFFF000  }
0xf6: {  	[spmem:s2] =	stream.indirect.scatter.add.f32 [tilespmem:s10], [sflag:$0x7], $0x20, s22, s3, $0xb8;
	[tilespmem:$0x1CC00] =	vst v63  }
0xf7: {  	_ =	swait.ge [sflag:s14], $0x1000  }
0xf8: {  	[sflag:s14] =	ssyncset.done $0x0  }
0xf9: {  	[sflag:s14] =	ssyncadd.s32 $0xFFFFF000  }
0xfa: {  	_ =	swait.ge [sflag:s15], $0x1000  }
0xfb: {  	[sflag:s15] =	ssyncset.done $0x0  }
0xfc: {  	s18 =	smul.u32 $0x500000, s18;
	s21 =	simm.s32 $0x16780;
	[sflag:s15] =	ssyncadd.s32 $0xFFFFF000  }
0xfd: {  	[spmem:s2] =	stream.indirect.scatter.add.f32 [tilespmem:s6], [sflag:$0x8], $0x20, s21, s3, $0xb8;
	[tilespmem:$0x1CC00] =	vst v63  }
0xfe: {  	s19 =	sshll.u32 s19, $0x5;
	s17 =	sadd.s32 $0x1, s17;
	_ =	swait.ge [sflag:s16], $0x1000  }
0xff: {  	p0 =	sne.s32 s17, $0x10;
	[sflag:s16] =	ssyncset.done $0x0;
	s22 =	rddreg [dreg:$0x7]  }
0x100: {  	s21 =	stileid.u32;
	s18 =	sadd.s32 s18, s22;
	[sflag:s16] =	ssyncadd.s32 $0xFFFFF000  }
0x101: {  	s18 =	sor.u32 s19, s18;
	[bflag:$0x0] =	sbarrier.arrive $0xFFFF;
	s19 =	sshll.u32 s21, $0x6  }
0x102: {  	s21 =	sshrl.u32 s8, $0x3;
	s18 =	sshrl.u32 s18, $0x3;
	s22 =	rddreg [dreg:$0x4]  }
0x103: {  	s19 =	sor.u32 $0x1C09, s19;
	s18 =	sadd.s32 s22, s18;
	s22 =	simm.s32 $0x10  }
0x104: {  	[hbm:s18@s22], [sflag:s19] =	dma.strided [spmem:s21@s15], $0x2800, s5, $0x4   }
.Ltmp3:
0x105: {  	_ =	swait.ge [sflag:s0], $0x2800;
	(pc) =	sbr.rel @p0 .LBB2_4-.Ltmp3, $3  }
0x106: {  	[sflag:s0] =	ssyncset.done $0x0  }
0x107: {  	[sflag:s0] =	ssyncadd.s32 $0xFFFFD800  }
0x108: {  	[bflag:$0x0] =	sbarrier.arrive $0xFFFF;
	_ =	sdelay $0x1  }
0x109: {  	s18 =	rddreg [dreg:$0x15]  }
0x10a: {  	s17 =	rddreg [dreg:$0x8];
	s18 =	sadd.s32 $0x1, s18  }
0x10b: {  	p0 =	sne.s32 s18, s17  }
.Ltmp4:
0x10c: {  	_ = 	snop;
	(pc) =	sbr.rel @p0 .LBB2_1-.Ltmp4, $1  }
0x10d: {  	_ =	sdelay $0x3  }
0x10e: {  	_ =	sfence.sel $0x180000  }
0x10f: {  	[bflag:$0x0] =	sbarrier.arrive $0xFFFF  }
0x110: {  	_ =	strace $0x9000004A  }
0x111: {  	s0 =	stileid.u32;
	[bflag:$0x2] =	sbarrier.arrive $0xFFFF  }
0x112: {  	p0 =	sne.s32 s0, $0x0;
	s0 =	rddreg [dreg:$0x3]  }
0x113: {  	s0 =	sadd.s32 @!p0 $0x100000, s0  }
0x114: {  	[sflag:s0] =	ssyncadd.tile.s32 @!p0 $0x1;
	_ =	shalt  }
.Lfunc_end2:
_tile_overlayer_lowered:
.L_overlay_start_2:
0x115: {  	(tag) =	ssettag $0x2  }
0x116: {  	s0 =	rddreg [dreg:$0x0];
	s2 =	stileid.u32  }
0x117: {  	s1 =	rddreg [dreg:$0x1];
	p0 =	sne.s32 s2, $0x0  }
0x118: {  	s3 =	rddreg [dreg:$0x2];
	[bflag:$0x3] =	sbarrier.arrive $0xFFFF;
	s2 =	simm.s32 @!p0 $0x1C09  }
0x119: {  	[timem:s3], [sflag:s2] =	dma.local @!p0 [hbm:s0], s1  }
0x11a: {  	s0 =	simm.s32 @!p0 $0x9  }
0x11b: {  	_ =	swait.ge @!p0 [sflag:s0], s1  }
0x11c: {  	s1 =	ssub.s32 @!p0 $0x0, s1;
	[sflag:s0] =	ssyncset.done @!p0 $0x0  }
0x11d: {  	[sflag:s0] =	ssyncadd.s32 @!p0 s1  }
0x11e: {  	[bflag:$0x3] =	sbarrier.arrive $0xFFFF  }
0x11f: {  	_ =	shalt  }

// kernel: kernel.9.cloned.1.call-start
scs
__scs_entry_jumppad:
0x0: {  	(pc) =	sbr.rel $0x88, $3  }
0x1: {  	(tag) =	ssettag $0x0;
	lr =	simm.s32 $0x1  }
0x2: {  	[smem:$0x3F96] =	sst lr;
	_ =	strace $0xD0000000  }
0x3: {  	_ = 	snop  }
0x4: {  	_ = 	snop  }
0x5: {  	_ = 	snop  }
0x6: {  	_ = 	snop  }
0x7: {  	_ = 	snop  }
__scs_overlays_trampoline_lowered:
0x8: {  	[smem:$0x3FA5] =	sst s0  }
0x9: {  	[smem:$0x3FA6] =	sst s1  }
0xa: {  	[smem:$0x3FA7] =	sst s2  }
0xb: {  	[smem:$0x3FA8] =	sst s3  }
0xc: {  	[smem:$0x3FA9] =	sst s4  }
0xd: {  	[smem:$0x3FAA] =	sst s5  }
0xe: {  	[smem:$0x3FAB] =	sst s6  }
0xf: {  	[smem:$0x3FAC] =	sst s7  }
0x10: {  	[smem:$0x3FAD] =	sst s8  }
0x11: {  	[smem:$0x3FAE] =	sst s9;
	s0 =	simm.s32 @!p0 $0x0  }
0x12: {  	s1 =	sld [smem:$0x3F94];
	s0 =	simm.s32 @p0 $0x1  }
0x13: {  	[smem:$0x3FAF] =	sst s0;
	s0 =	simm.s32 @!p1 $0x0  }
0x14: {  	s2 =	sld [smem:$0x3F93];
	s0 =	simm.s32 @p1 $0x1  }
0x15: {  	[smem:$0x3FB0] =	sst s0;
	s0 =	simm.s32 @!p2 $0x0  }
0x16: {  	s3 =	sld [smem:$0x3FDB];
	s0 =	simm.s32 @p2 $0x1  }
0x17: {  	s4 =	simm.s32 $0x1BF5;
	[smem:$0x3FB2] =	sst s0  }
0x18: {  	s0 =	sld [smem:$0x3F95];
	_ =	swait.ge [sflag:s4], $0x0  }
0x19: {  	s7 =	sld [smem:$0x3F96]  }
0x1a: {  	s8 =	sadd.s32 $0xFFFFE003, lr  }
0x1b: {  	s9 =	sadd.s32 $0xFFFFFEF7, lr;
	s5 =	simm.s32 $0xFFFFFFFF;
	p2 =	slt.u32 s8, $0xFFFFF086  }
0x1c: {  	p1 =	slt.u32 s9, $0xF7A;
	s5 =	simm.s32 @!p2 $0x0  }
0x1d: {  	s5 =	simm.s32 @p1 $0x1;
	p0 =	seq.s32 s7, s2  }
0x1e: {  	s7 =	smul.u32 @!p0 $0xF7A, s2;
	p2 =	seq.s32 @!p0 s5, $0x0  }
0x1f: {  	s9 =	smul.u32 $0xF7A, s1;
	s8 =	simm.s32 @!p0 $0x1BF5;
	p2 =	por !p2, p0  }
0x20: {  	[sflag:s8] =	ssyncset.s32 @!p0 $0xFFFFF086;
	s6 =	sadd.s32 @!p0 s3, s7;
	s7 =	simm.s32 @!p0 $0x108  }
0x21: {  	s3 =	sadd.s32 s3, s9;
	s6 =	sadd.s32 @!p0 $0x88, s6;
	s7 =	simm.s32 @p2 $0x1082  }
0x22: {  	[simem:s7], [sflag:s8] =	dma.local @!p0 [hbm:s6], $0xF7A  }
0x23: {  	s9 =	sor.u32 $0xD0000000, s2;
	s6 =	simm.s32 $0x108;
	_ =	swait.ge @!p0 [sflag:s8], $0x0  }
0x24: {  	s3 =	sadd.s32 $0x88, s3;
	s6 =	simm.s32 @!p1 $0x1082;
	[sflag:s4] =	ssyncset.s32 $0xFFFFF086  }
0x25: {  	[simem:s6], [sflag:s4] =	dma.local [hbm:s3], $0xF7A  }
0x26: {  	[smem:$0x3F96] =	sst s1;
	(tag) =	ssettag s2;
	_ =	strace s9  }
0x27: {  	s1 =	sld [smem:$0x3FA6]  }
0x28: {  	s2 =	sld [smem:$0x3FA7]  }
0x29: {  	s4 =	sld [smem:$0x3FA9]  }
0x2a: {  	p0 =	seq.s32 s5, $0x0;
	s5 =	sld [smem:$0x3FAA]  }
0x2b: {  	s6 =	sld [smem:$0x3FAB]  }
0x2c: {  	s7 =	sld [smem:$0x3FAC]  }
0x2d: {  	s3 =	simm.s32 $0x108;
	s8 =	sld [smem:$0x3FAD]  }
0x2e: {  	s3 =	simm.s32 @!p0 $0x1082;
	s9 =	sld [smem:$0x3FAE]  }
0x2f: {  	lr =	sadd.s32 s0, s3;
	s0 =	sld [smem:$0x3FA5]  }
0x30: {  	s3 =	sld [smem:$0x3FA8]  }
0x31: {  	[smem:$0x3FB1] =	sst s10  }
0x32: {  	s10 =	sld [smem:$0x3FAF];
	_ =	sdelay $0x3  }
0x33: {  	p0 =	seq.s32 s10, $0x1;
	s10 =	sld [smem:$0x3FB1];
	_ =	sdelay $0x3  }
0x34: {  	[smem:$0x3FB1] =	sst s10  }
0x35: {  	s10 =	sld [smem:$0x3FB0];
	_ =	sdelay $0x3  }
0x36: {  	p1 =	seq.s32 s10, $0x1;
	s10 =	sld [smem:$0x3FB1];
	_ =	sdelay $0x3  }
0x37: {  	[smem:$0x3FB1] =	sst s10  }
0x38: {  	s10 =	sld [smem:$0x3FB2]  }
0x39: {  	_ = 	snop;
	(pc) =	sbr.ind lr, $3  }
0x3a: {  	_ = 	snop  }
0x3b: {  	_ = 	snop  }
0x3c: {  	p2 =	seq.s32 s10, $0x1;
	s10 =	sld [smem:$0x3FB1]  }
0x3d: {  	_ =	shalt  }
0x3e: {  	_ =	shalt  }
0x3f: {  	_ =	shalt  }
0x40: {  	_ =	shalt  }
0x41: {  	_ =	shalt  }
0x42: {  	_ =	shalt  }
0x43: {  	_ =	shalt  }
0x44: {  	_ =	shalt  }
0x45: {  	_ =	shalt  }
0x46: {  	_ =	shalt  }
0x47: {  	_ =	shalt  }
0x48: {  	_ =	shalt  }
0x49: {  	_ =	shalt  }
0x4a: {  	_ =	shalt  }
0x4b: {  	_ =	shalt  }
0x4c: {  	_ =	shalt  }
0x4d: {  	_ =	shalt  }
0x4e: {  	_ =	shalt  }
0x4f: {  	_ =	shalt  }
0x50: {  	_ =	shalt  }
0x51: {  	_ =	shalt  }
0x52: {  	_ =	shalt  }
0x53: {  	_ =	shalt  }
0x54: {  	_ =	shalt  }
0x55: {  	_ =	shalt  }
0x56: {  	_ =	shalt  }
0x57: {  	_ =	shalt  }
0x58: {  	_ =	shalt  }
0x59: {  	_ =	shalt  }
0x5a: {  	_ =	shalt  }
0x5b: {  	_ =	shalt  }
0x5c: {  	_ =	shalt  }
0x5d: {  	_ =	shalt  }
0x5e: {  	_ =	shalt  }
0x5f: {  	_ =	shalt  }
0x60: {  	_ =	shalt  }
0x61: {  	_ =	shalt  }
0x62: {  	_ =	shalt  }
0x63: {  	_ =	shalt  }
0x64: {  	_ =	shalt  }
0x65: {  	_ =	shalt  }
0x66: {  	_ =	shalt  }
0x67: {  	_ =	shalt  }
0x68: {  	_ =	shalt  }
0x69: {  	_ =	shalt  }
0x6a: {  	_ =	shalt  }
0x6b: {  	_ =	shalt  }
0x6c: {  	_ =	shalt  }
0x6d: {  	_ =	shalt  }
0x6e: {  	_ =	shalt  }
0x6f: {  	_ =	shalt  }
0x70: {  	_ =	shalt  }
0x71: {  	_ =	shalt  }
0x72: {  	_ =	shalt  }
0x73: {  	_ =	shalt  }
0x74: {  	_ =	shalt  }
0x75: {  	_ =	shalt  }
0x76: {  	_ =	shalt  }
0x77: {  	_ =	shalt  }
0x78: {  	_ =	shalt  }
0x79: {  	_ =	shalt  }
0x7a: {  	_ =	shalt  }
0x7b: {  	_ =	shalt  }
0x7c: {  	_ =	shalt  }
0x7d: {  	_ =	shalt  }
0x7e: {  	_ =	shalt  }
0x7f: {  	_ =	shalt  }
0x80: {  	_ =	shalt  }
0x81: {  	_ =	shalt  }
0x82: {  	_ =	shalt  }
0x83: {  	_ =	shalt  }
0x84: {  	_ =	shalt  }
0x85: {  	_ =	shalt  }
0x86: {  	_ =	shalt  }
0x87: {  	_ =	shalt  }
.Lfunc_end0:
.L_simem_size_0:
called_computation_lowered:
.L_overlay_start_0:
0x88: {  	s2 =	sld [smem:$0x3FD9]  }
0x89: {  	s3 =	sld [smem:$0x3FFE];
	_ =	sdelay $0x1  }
0x8a: {  	s1 =	srdreg.scid  }
0x8b: {  	s0 =	sand.u32 $0x1, s1  }
0x8c: {  	s17 =	sshll.u32 s0, $0xA;
	s2 =	sadd.s32 s3, s2  }
0x8d: {  	s2 =	sadd.s32 s2, s17  }
0x8e: {  	[smem:$0x3FBD] =	sst s2  }
0x8f: {  	_ = 	snop  }
0x90: {  	s2 =	sld [smem:$0x3FD0];
	(tm) =	ssettm $0x1  }
0x91: {  	s18 =	sld [smem:$0x3FFB];
	_ =	sdelay $0x3  }
0x92: {  	_ =	strace s18  }
0x93: {  	s3 =	sld [smem:$0x3FFC];
	_ =	sdelay $0x3  }
0x94: {  	_ =	strace s3  }
0x95: {  	s3 =	sld [smem:$0x3FFD];
	_ =	sdelay $0x3  }
0x96: {  	_ =	strace s3  }
0x97: {  	_ =	strace $0x8FFFFFFF  }
0x98: {  	s19 =	sld [smem:$0x3FDB];
	_ =	sdelay $0x1  }
0x99: {  	s4 =	simm.s32 $_scs_section_size  }
0x9a: {  	s5 =	simm.s32 $_size__tile_overlayer_lowered;
	s6 =	simm.s32 $_tile_overlayer_lowered  }
0x9b: {  	s22 =	simm.s32 $0x1BFF;
	s21 =	sshll.u32 s6, $0x1;
	s3 =	sadd.s32 s4, s19  }
0x9c: {  	s7 =	simm.s32 $0x0;
	s20 =	sshll.u32 s5, $0x1;
	s5 =	sadd.s32 s21, s3  }
0x9d: {  	[timem:s7], [sflag:s22] =	dma.local [hbm:s5], s20  }
0x9e: {  	_ =	swait.ge [sflag:s22], s20  }
0x9f: {  	s4 =	ssub.s32 $0x0, s20;
	[sflag:s22] =	ssyncset.done $0x0  }
0xa0: {  	[sflag:s22] =	ssyncadd.s32 s4;
	_ =	sdelay $0x1  }
0xa1: {  	s23 =	simm.s32 $0x1B8B  }
0xa2: {  	_ =	swait.ge [sflag:s23], $0x1  }
0xa3: {  	[sflag:s23] =	ssyncset.done $0x0  }
0xa4: {  	s25 =	simm.s32 $0x1B8E;
	s24 =	sld [smem:$0x3FFE];
	[sflag:s23] =	ssyncadd.s32 $0xFFFFFFFF  }
0xa5: {  	s26 =	simm.s32 $execute0_lowered;
	[smem:$0x3FD2] =	sst s25  }
0xa6: {  	s5 =	sshll.u32 s26, $0x1;
	_ =	strace $0x80000046;
	[dreg:$0x1] =	wrdreg $0xFFFFFFFF  }
0xa7: {  	s28 =	simm.s32 $_size_execute0_lowered;
	s3 =	sadd.s32 s3, s5;
	[dreg:$0x0] =	wrdreg $0x0  }
0xa8: {  	s5 =	sshll.u32 s28, $0x1;
	[dreg:$0x2] =	wrdreg s3  }
0xa9: {  	[dreg:$0x3] =	wrdreg s5  }
0xaa: {  	[dreg:$0x4] =	wrdreg $0xC0  }
0xab: {  	_ =	task [dreg:s7], $0x5FFFF  }
0xac: {  	[dreg:$0x1] =	wrdreg $0xFFFFFFFF  }
0xad: {  	[dreg:$0x0] =	wrdreg $0x60  }
0xae: {  	[dreg:$0x2] =	wrdreg s24  }
0xaf: {  	[dreg:$0x3] =	wrdreg s2  }
0xb0: {  	[dreg:$0x4] =	wrdreg $0x0  }
0xb1: {  	[dreg:$0x5] =	wrdreg $0x9  }
0xb2: {  	_ =	task.clear_ibuf [dreg:s7], $0x6FFFF;
	_ =	strace $0x90000046  }
0xb3: {  	s29 =	simm.s32 $0x9;
	_ =	strace $0x80000048  }
0xb4: {  	_ =	swait.ge [sflag:s29], $0x1  }
0xb5: {  	[sflag:s29] =	ssyncadd.s32 $0xFFFFFFFF  }
0xb6: {  	_ =	strace $0x90000048  }
0xb7: {  	_ =	sfence  }
0xb8: {  	s30 =	sld [smem:$0x0];
	_ =	sdelay $0x2  }
0xb9: {  	s31 =	sshll.u32 s1, $0xD;
	s1 =	sshrl.u32 s1, $0x2  }
0xba: {  	s3 =	sand.u32 $0x4000, s31;
	s1 =	sadd.s32 s1, s30  }
0xbb: {  	s0 =	sor.u32 s3, s0;
	s1 =	sshll.u32 s1, $0x11  }
0xbc: {  	s0 =	sor.u32 s1, s0  }
0xbd: {  	s0 =	sadd.s32 $0x8F2B, s0  }
0xbe: {  	[sflag:s0] =	ssyncadd.remote.s32 $0x1  }
0xbf: {  	_ =	sfence.sel $0xFFFF  }
0xc0: {  	[dreg:$0x0] =	wrdreg $0xFFFFFFFF;
	(pc) =	sbr.abs _section_cstart, $3  }
0xc1: {  	[dreg:$0x1] =	wrdreg $0xFFFFFFFF  }
0xc2: {  	_ =	task.clear_ibuf [dreg:s7], $0x2FFFF;
	_ =	strace $0x9FFFFFFF  }
0xc3: {  	(tm) =	ssettm $0x7FFFFFFF  }
tec
execute0_lowered:
.L_overlay_start_1:
0x0: {  	(tag) =	ssettag $0x1  }
0x1: {  	s0 =	rddreg [dreg:$0x0]  }
0x2: {  	s1 =	rddreg [dreg:$0x1]  }
0x3: {  	s2 =	rddreg [dreg:$0x2]  }
0x4: {  	s3 =	srdreg.scid;
	s5 =	stileid.u32  }
0x5: {  	s6 =	simm.s32 $0x0;
	s3 =	sand.u32 $0x1, s3;
	s4 =	sshll.u32 s5, $0x1  }
0x6: {  	s5 =	smul.u32 $0x50000, s5;
	[smem:$0x7FF] =	sst s6;
	s11 =	sadd.s32 $0xC9E00, s0  }
0x7: {  	s4 =	sor.u32 s3, s4;
	s25 =	smul.u32 $0x500000, s3;
	_ =	strace $0x80000047  }
0x8: {  	s8 =	ssub.s32 $0x2, s3;
	[dreg:$0x4] =	wrdreg s11;
	s3 =	smul.u32 $0x1900000, s3  }
0x9: {  	s7 =	smul.u32 $0x280, s4;
	s4 =	sadd.s32 $0x6800, s0;
	s10 =	sshrl.u32 s8, $0x1  }
0xa: {  	s6 =	sadd.s32 s5, s25;
	s26 =	ssub.s32 s8, s10;
	s11 =	sadd.s32 s3, s5  }
0xb: {  	s8 =	sshrl.u32 s5, $0x2;
	s1 =	sadd.s32 s1, s7;
	[dreg:$0x8] =	wrdreg s11  }
0xc: {  	s9 =	sadd.s32 s7, s0;
	s12 =	smax.u32 s26, $0x1;
	[dreg:$0x5] =	wrdreg s1  }
0xd: {  	s8 =	sadd.s32 s8, s2;
	s10 =	sadd.s32 $0x1800, s9;
	[dreg:$0x9] =	wrdreg s12  }
0xe: {  	s3 =	simm.s32 $0x80;
	s13 =	sadd.s32 $0x1000, s8;
	[dreg:$0x6] =	wrdreg s10  }
0xf: {  	s5 =	simm.s32 $0x19C00;
	s14 =	sadd.s32 $0x2000, s8;
	[dreg:$0xa] =	wrdreg s13  }
0x10: {  	s6 =	sshrl.u32 s6, $0x3;
	s15 =	sadd.s32 $0x3000, s8;
	[dreg:$0xb] =	wrdreg s14  }
0x11: {  	s7 =	simm.s32 $0x1;
	s16 =	sadd.s32 $0x4000, s8;
	[dreg:$0xc] =	wrdreg s15  }
0x12: {  	s11 =	simm.s32 $0x4;
	s17 =	sadd.s32 $0x5000, s8;
	[dreg:$0xd] =	wrdreg s16  }
0x13: {  	s0 =	sadd.s32 s6, s0;
	s18 =	sadd.s32 $0x6000, s8;
	[dreg:$0xe] =	wrdreg s17  }
0x14: {  	s19 =	sadd.s32 $0x7000, s8;
	s20 =	sadd.s32 $0x8000, s8;
	[dreg:$0xf] =	wrdreg s18  }
0x15: {  	s21 =	sadd.s32 $0x9000, s8;
	s22 =	sadd.s32 $0xA000, s8;
	[dreg:$0x10] =	wrdreg s19  }
0x16: {  	s23 =	sadd.s32 $0xB000, s8;
	s24 =	sadd.s32 $0xC000, s8;
	[dreg:$0x11] =	wrdreg s20  }
0x17: {  	s25 =	sadd.s32 $0xD000, s8;
	s26 =	sadd.s32 $0xE000, s8;
	[dreg:$0x12] =	wrdreg s21  }
0x18: {  	s28 =	sadd.s32 $0x10000, s8;
	s29 =	sadd.s32 $0x11000, s8;
	[dreg:$0x13] =	wrdreg s22  }
0x19: {  	s30 =	sadd.s32 $0x12000, s8;
	s31 =	sadd.s32 $0x13000, s8;
	[dreg:$0x14] =	wrdreg s23  }
0x1a: {  	s1 =	simm.s32 $0x1BC00;
	s6 =	simm.s32 $0x17C00;
	[dreg:$0x15] =	wrdreg s24  }
0x1b: {  	s9 =	simm.s32 $0x18C00;
	s12 =	simm.s32 $0x5;
	[dreg:$0x16] =	wrdreg s25  }
0x1c: {  	s0 =	sadd.s32 $0x709E00, s0;
	[dreg:$0x17] =	wrdreg s26;
	s26 =	sadd.s32 $0xF000, s8  }
0x1d: {  	s10 =	simm.s32 $0x1AC00;
	s13 =	simm.s32 $0x2;
	s14 =	simm.s32 $0x6  }
0x1e: {  	s15 =	simm.s32 $0x3;
	s16 =	simm.s32 $0x7;
	s17 =	simm.s32 $0x8  }
0x1f: {  	v0 =	vimm.f32 $0.0e+00;
	v1 =	vimm.f32 $1.000000000e+00;
	s19 =	simm.s32 $0x0;
	[dreg:$0x7] =	wrdreg s0;
	s0 =	simm.s32 $0x9  }
.LBB2_1:
0x20: {  	[dreg:$0x18] =	wrdreg s19  }
0x21: {  	s18 =	simm.s32 $0x0;
	s23 =	rddreg [dreg:$0x5];
	s20 =	simm.s32 $0x14000  }
0x22: {  	[tilespmem:s20], [sflag:$0x9] =	stream.linear.gather [hbm4b:s23+s18], $0x1400, $0x38;
	[tilespmem:$0x1CC00] =	vst v63  }
0x23: {  	_ =	swait.ge [sflag:s0], $0x1400  }
0x24: {  	[sflag:s0] =	ssyncset.done $0x0  }
0x25: {  	s25 =	simm.s32 $0x15400;
	s24 =	rddreg [dreg:$0x6];
	[sflag:s0] =	ssyncadd.s32 $0xFFFFEC00  }
0x26: {  	[tilespmem:s25], [sflag:$0x9] =	stream.linear.gather [hbm4b:s24+s18], $0x1400, $0x38;
	[tilespmem:$0x1CC00] =	vst v63  }
0x27: {  	_ =	swait.ge [sflag:s0], $0x1400  }
0x28: {  	[sflag:s0] =	ssyncset.done $0x0  }
0x29: {  	s18 =	simm.s32 $0x0;
	[sflag:s0] =	ssyncadd.s32 $0xFFFFEC00  }
.LBB2_2:
0x2a: {  	p0 =	sne.s32 s18, $0x3F80  }
.Ltmp0:
0x2b: {  	_ = 	snop;
	(pc) =	sbr.rel @p0 .LBB2_2-.Ltmp0, $4  }
0x2c: {  	_ = 	snop  }
0x2d: {  	s19 =	sshra.s32 s18, $0x2  }
0x2e: {  	[tilespmem:s19+$0x1BC00] =	vst v0  }
0x2f: {  	s18 =	sadd.s32 $0x80, s18;
	[tilespmem:s19+$0x1BC10] =	vst v0  }
0x30: {  	s18 =	simm.s32 $0x80;
	s19 =	simm.s32 $0x0  }
.LBB2_4:
0x31: {  	p0 =	sne.s32 s18, $0x3F80;
	[tilespmem:s19+$0x17C00] =	vst v1;
	s20 =	smov.u32 s18;
	s18 =	sadd.s32 $0x80, s18  }
.Ltmp1:
0x32: {  	[tilespmem:s19+$0x17C10] =	vst v1;
	(pc) =	sbr.rel @p0 .LBB2_4-.Ltmp1, $2  }
0x33: {  	_ =	sdelay $0x2  }
0x34: {  	s19 =	sshra.s32 s20, $0x2  }
0x35: {  	[tilespmem:s19+$0x17C00] =	vst v1  }
0x36: {  	[tilespmem:s19+$0x17C10] =	vst v1  }
0x37: {  	[spmem:s8] =	stream.linear.scatter [tilespmem:s1], [sflag:$0x9], $0x1000, $0x38;
	[tilespmem:$0x1CC00] =	vst v63  }
0x38: {  	_ =	swait.ge [sflag:s0], $0x1000  }
0x39: {  	[sflag:s0] =	ssyncset.done $0x0  }
0x3a: {  	s18 =	rddreg [dreg:$0xa];
	[sflag:s0] =	ssyncadd.s32 $0xFFFFF000  }
0x3b: {  	[spmem:s18] =	stream.linear.scatter [tilespmem:s1], [sflag:$0x9], $0x1000, $0x38;
	[tilespmem:$0x1CC00] =	vst v63  }
0x3c: {  	_ =	swait.ge [sflag:s0], $0x1000  }
0x3d: {  	[sflag:s0] =	ssyncset.done $0x0  }
0x3e: {  	s19 =	rddreg [dreg:$0xb];
	[sflag:s0] =	ssyncadd.s32 $0xFFFFF000  }
0x3f: {  	[spmem:s19] =	stream.linear.scatter [tilespmem:s1], [sflag:$0x9], $0x1000, $0x38;
	[tilespmem:$0x1CC00] =	vst v63  }
0x40: {  	_ =	swait.ge [sflag:s0], $0x1000  }
0x41: {  	[sflag:s0] =	ssyncset.done $0x0  }
0x42: {  	s20 =	rddreg [dreg:$0xc];
	[sflag:s0] =	ssyncadd.s32 $0xFFFFF000  }
0x43: {  	[spmem:s20] =	stream.linear.scatter [tilespmem:s1], [sflag:$0x9], $0x1000, $0x38;
	[tilespmem:$0x1CC00] =	vst v63  }
0x44: {  	_ =	swait.ge [sflag:s0], $0x1000  }
0x45: {  	[sflag:s0] =	ssyncset.done $0x0  }
0x46: {  	s21 =	rddreg [dreg:$0xd];
	[sflag:s0] =	ssyncadd.s32 $0xFFFFF000  }
0x47: {  	[spmem:s21] =	stream.linear.scatter [tilespmem:s1], [sflag:$0x9], $0x1000, $0x38;
	[tilespmem:$0x1CC00] =	vst v63  }
0x48: {  	_ =	swait.ge [sflag:s0], $0x1000  }
0x49: {  	[sflag:s0] =	ssyncset.done $0x0  }
0x4a: {  	s22 =	rddreg [dreg:$0xe];
	[sflag:s0] =	ssyncadd.s32 $0xFFFFF000  }
0x4b: {  	[spmem:s22] =	stream.linear.scatter [tilespmem:s1], [sflag:$0x9], $0x1000, $0x38;
	[tilespmem:$0x1CC00] =	vst v63  }
0x4c: {  	_ =	swait.ge [sflag:s0], $0x1000  }
0x4d: {  	[sflag:s0] =	ssyncset.done $0x0  }
0x4e: {  	s23 =	rddreg [dreg:$0xf];
	[sflag:s0] =	ssyncadd.s32 $0xFFFFF000  }
0x4f: {  	[spmem:s23] =	stream.linear.scatter [tilespmem:s1], [sflag:$0x9], $0x1000, $0x38;
	[tilespmem:$0x1CC00] =	vst v63  }
0x50: {  	_ =	swait.ge [sflag:s0], $0x1000  }
0x51: {  	[sflag:s0] =	ssyncset.done $0x0  }
0x52: {  	s24 =	rddreg [dreg:$0x10];
	[sflag:s0] =	ssyncadd.s32 $0xFFFFF000  }
0x53: {  	[spmem:s24] =	stream.linear.scatter [tilespmem:s1], [sflag:$0x9], $0x1000, $0x38;
	[tilespmem:$0x1CC00] =	vst v63  }
0x54: {  	_ =	swait.ge [sflag:s0], $0x1000  }
0x55: {  	[sflag:s0] =	ssyncset.done $0x0  }
0x56: {  	s25 =	rddreg [dreg:$0x11];
	[sflag:s0] =	ssyncadd.s32 $0xFFFFF000  }
0x57: {  	[spmem:s25] =	stream.linear.scatter [tilespmem:s1], [sflag:$0x9], $0x1000, $0x38;
	[tilespmem:$0x1CC00] =	vst v63  }
0x58: {  	_ =	swait.ge [sflag:s0], $0x1000  }
0x59: {  	[sflag:s0] =	ssyncset.done $0x0  }
0x5a: {  	s19 =	rddreg [dreg:$0x12];
	[sflag:s0] =	ssyncadd.s32 $0xFFFFF000  }
0x5b: {  	[spmem:s19] =	stream.linear.scatter [tilespmem:s1], [sflag:$0x9], $0x1000, $0x38;
	[tilespmem:$0x1CC00] =	vst v63  }
0x5c: {  	_ =	swait.ge [sflag:s0], $0x1000  }
0x5d: {  	[sflag:s0] =	ssyncset.done $0x0  }
0x5e: {  	s20 =	rddreg [dreg:$0x13];
	[sflag:s0] =	ssyncadd.s32 $0xFFFFF000  }
0x5f: {  	[spmem:s20] =	stream.linear.scatter [tilespmem:s1], [sflag:$0x9], $0x1000, $0x38;
	[tilespmem:$0x1CC00] =	vst v63  }
0x60: {  	_ =	swait.ge [sflag:s0], $0x1000  }
0x61: {  	[sflag:s0] =	ssyncset.done $0x0  }
0x62: {  	s21 =	rddreg [dreg:$0x14];
	[sflag:s0] =	ssyncadd.s32 $0xFFFFF000  }
0x63: {  	[spmem:s21] =	stream.linear.scatter [tilespmem:s1], [sflag:$0x9], $0x1000, $0x38;
	[tilespmem:$0x1CC00] =	vst v63  }
0x64: {  	_ =	swait.ge [sflag:s0], $0x1000  }
0x65: {  	[sflag:s0] =	ssyncset.done $0x0  }
0x66: {  	s22 =	rddreg [dreg:$0x15];
	[sflag:s0] =	ssyncadd.s32 $0xFFFFF000  }
0x67: {  	[spmem:s22] =	stream.linear.scatter [tilespmem:s1], [sflag:$0x9], $0x1000, $0x38;
	[tilespmem:$0x1CC00] =	vst v63  }
0x68: {  	_ =	swait.ge [sflag:s0], $0x1000  }
0x69: {  	[sflag:s0] =	ssyncset.done $0x0  }
0x6a: {  	s23 =	rddreg [dreg:$0x16];
	[sflag:s0] =	ssyncadd.s32 $0xFFFFF000  }
0x6b: {  	[spmem:s23] =	stream.linear.scatter [tilespmem:s1], [sflag:$0x9], $0x1000, $0x38;
	[tilespmem:$0x1CC00] =	vst v63  }
0x6c: {  	_ =	swait.ge [sflag:s0], $0x1000  }
0x6d: {  	[sflag:s0] =	ssyncset.done $0x0  }
0x6e: {  	s24 =	rddreg [dreg:$0x17];
	[sflag:s0] =	ssyncadd.s32 $0xFFFFF000  }
0x6f: {  	[spmem:s24] =	stream.linear.scatter [tilespmem:s1], [sflag:$0x9], $0x1000, $0x38;
	[tilespmem:$0x1CC00] =	vst v63  }
0x70: {  	_ =	swait.ge [sflag:s0], $0x1000  }
0x71: {  	[sflag:s0] =	ssyncset.done $0x0  }
0x72: {  	[sflag:s0] =	ssyncadd.s32 $0xFFFFF000  }
0x73: {  	[spmem:s26] =	stream.linear.scatter [tilespmem:s1], [sflag:$0x9], $0x1000, $0x38;
	[tilespmem:$0x1CC00] =	vst v63  }
0x74: {  	_ =	swait.ge [sflag:s0], $0x1000  }
0x75: {  	[sflag:s0] =	ssyncset.done $0x0  }
0x76: {  	[sflag:s0] =	ssyncadd.s32 $0xFFFFF000  }
0x77: {  	[spmem:s28] =	stream.linear.scatter [tilespmem:s1], [sflag:$0x9], $0x1000, $0x38;
	[tilespmem:$0x1CC00] =	vst v63  }
0x78: {  	_ =	swait.ge [sflag:s0], $0x1000  }
0x79: {  	[sflag:s0] =	ssyncset.done $0x0  }
0x7a: {  	[sflag:s0] =	ssyncadd.s32 $0xFFFFF000  }
0x7b: {  	[spmem:s29] =	stream.linear.scatter [tilespmem:s1], [sflag:$0x9], $0x1000, $0x38;
	[tilespmem:$0x1CC00] =	vst v63  }
0x7c: {  	_ =	swait.ge [sflag:s0], $0x1000  }
0x7d: {  	[sflag:s0] =	ssyncset.done $0x0  }
0x7e: {  	[sflag:s0] =	ssyncadd.s32 $0xFFFFF000  }
0x7f: {  	[spmem:s30] =	stream.linear.scatter [tilespmem:s1], [sflag:$0x9], $0x1000, $0x38;
	[tilespmem:$0x1CC00] =	vst v63  }
0x80: {  	_ =	swait.ge [sflag:s0], $0x1000  }
0x81: {  	[sflag:s0] =	ssyncset.done $0x0  }
0x82: {  	[sflag:s0] =	ssyncadd.s32 $0xFFFFF000  }
0x83: {  	[spmem:s31] =	stream.linear.scatter [tilespmem:s1], [sflag:$0x9], $0x1000, $0x38;
	[tilespmem:$0x1CC00] =	vst v63  }
0x84: {  	_ =	swait.ge [sflag:s0], $0x1000  }
0x85: {  	[sflag:s0] =	ssyncset.done $0x0  }
0x86: {  	[sflag:s0] =	ssyncadd.s32 $0xFFFFF000  }
0x87: {  	s25 =	simm.s32 $0x15400;
	[bflag:$0x0] =	sbarrier.arrive $0xFFFF  }
0x88: {  	[spmem:s2] =	stream.indirect.scatter.add.f32 [tilespmem:s6], [sflag:$0x9], $0x20, s25, s3, $0xb8;
	[tilespmem:$0x1CC00] =	vst v63  }
0x89: {  	s18 =	simm.s32 $0x200;
	_ =	swait.ge [sflag:s0], $0x1000  }
.LBB2_6:
0x8a: {  	s19 =	sshra.s32 s18, $0x2;
	[sflag:s0] =	ssyncset.done $0x0;
	p0 =	sne.s32 s18, $0x4E00  }
.Ltmp2:
0x8b: {  	s19 =	sadd.s32 $0x15400, s19;
	[sflag:s0] =	ssyncadd.s32 $0xFFFFF000;
	(pc) =	sbr.rel @p0 .LBB2_6-.Ltmp2, $3  }
0x8c: {  	[spmem:s2] =	stream.indirect.scatter.add.f32 [tilespmem:s6], [sflag:$0x9], $0x20, s19, s3, $0xb8;
	[tilespmem:$0x1CC00] =	vst v63  }
0x8d: {  	s18 =	sadd.s32 $0x200, s18;
	_ =	sdelay $0x1  }
0x8e: {  	_ =	swait.ge [sflag:s0], $0x1000  }
0x8f: {  	[sflag:s0] =	ssyncset.done $0x0  }
0x90: {  	s18 =	stileid.u32;
	[sflag:s0] =	ssyncadd.s32 $0xFFFFF000  }
0x91: {  	s19 =	sshrl.u32 s8, $0x3;
	s18 =	sshll.u32 s18, $0x6;
	[bflag:$0x0] =	sbarrier.arrive $0xFFFF  }
0x92: {  	s21 =	simm.s32 $0x10;
	s18 =	sor.u32 $0x1C09, s18;
	s20 =	rddreg [dreg:$0x7]  }
0x93: {  	[hbm:s20@s21], [sflag:s18] =	dma.strided [spmem:s19@s11], $0x2800, s7, $0x4   }
0x94: {  	_ =	swait.ge [sflag:s0], $0x2800  }
0x95: {  	[sflag:s0] =	ssyncset.done $0x0  }
0x96: {  	[sflag:s0] =	ssyncadd.s32 $0xFFFFD800  }
0x97: {  	s20 =	simm.s32 $0x0;
	[bflag:$0x0] =	sbarrier.arrive $0xFFFF  }
.LBB2_8:
0x98: {  	[spmem:s8] =	stream.linear.scatter [tilespmem:s1], [sflag:$0x9], $0x1000, $0x38;
	[tilespmem:$0x1CC00] =	vst v63  }
0x99: {  	_ =	swait.ge [sflag:s0], $0x1000  }
0x9a: {  	[sflag:s0] =	ssyncset.done $0x0  }
0x9b: {  	s21 =	rddreg [dreg:$0xa];
	[sflag:s0] =	ssyncadd.s32 $0xFFFFF000  }
0x9c: {  	[spmem:s21] =	stream.linear.scatter [tilespmem:s1], [sflag:$0x9], $0x1000, $0x38;
	[tilespmem:$0x1CC00] =	vst v63  }
0x9d: {  	_ =	swait.ge [sflag:s0], $0x1000  }
0x9e: {  	[sflag:s0] =	ssyncset.done $0x0  }
0x9f: {  	s25 =	rddreg [dreg:$0xb];
	[sflag:s0] =	ssyncadd.s32 $0xFFFFF000  }
0xa0: {  	[spmem:s25] =	stream.linear.scatter [tilespmem:s1], [sflag:$0x9], $0x1000, $0x38;
	[tilespmem:$0x1CC00] =	vst v63  }
0xa1: {  	_ =	swait.ge [sflag:s0], $0x1000  }
0xa2: {  	[sflag:s0] =	ssyncset.done $0x0  }
0xa3: {  	s22 =	rddreg [dreg:$0xc];
	[sflag:s0] =	ssyncadd.s32 $0xFFFFF000  }
0xa4: {  	[spmem:s22] =	stream.linear.scatter [tilespmem:s1], [sflag:$0x9], $0x1000, $0x38;
	[tilespmem:$0x1CC00] =	vst v63  }
0xa5: {  	_ =	swait.ge [sflag:s0], $0x1000  }
0xa6: {  	[sflag:s0] =	ssyncset.done $0x0  }
0xa7: {  	s23 =	rddreg [dreg:$0xd];
	[sflag:s0] =	ssyncadd.s32 $0xFFFFF000  }
0xa8: {  	[spmem:s23] =	stream.linear.scatter [tilespmem:s1], [sflag:$0x9], $0x1000, $0x38;
	[tilespmem:$0x1CC00] =	vst v63  }
0xa9: {  	_ =	swait.ge [sflag:s0], $0x1000  }
0xaa: {  	[sflag:s0] =	ssyncset.done $0x0  }
0xab: {  	s24 =	rddreg [dreg:$0xe];
	[sflag:s0] =	ssyncadd.s32 $0xFFFFF000  }
0xac: {  	[spmem:s24] =	stream.linear.scatter [tilespmem:s1], [sflag:$0x9], $0x1000, $0x38;
	[tilespmem:$0x1CC00] =	vst v63  }
0xad: {  	_ =	swait.ge [sflag:s0], $0x1000  }
0xae: {  	[sflag:s0] =	ssyncset.done $0x0  }
0xaf: {  	s25 =	rddreg [dreg:$0xf];
	[sflag:s0] =	ssyncadd.s32 $0xFFFFF000  }
0xb0: {  	[spmem:s25] =	stream.linear.scatter [tilespmem:s1], [sflag:$0x9], $0x1000, $0x38;
	[tilespmem:$0x1CC00] =	vst v63  }
0xb1: {  	_ =	swait.ge [sflag:s0], $0x1000  }
0xb2: {  	[sflag:s0] =	ssyncset.done $0x0  }
0xb3: {  	s22 =	rddreg [dreg:$0x10];
	[sflag:s0] =	ssyncadd.s32 $0xFFFFF000  }
0xb4: {  	[spmem:s22] =	stream.linear.scatter [tilespmem:s1], [sflag:$0x9], $0x1000, $0x38;
	[tilespmem:$0x1CC00] =	vst v63  }
0xb5: {  	_ =	swait.ge [sflag:s0], $0x1000  }
0xb6: {  	[sflag:s0] =	ssyncset.done $0x0  }
0xb7: {  	s23 =	rddreg [dreg:$0x11];
	[sflag:s0] =	ssyncadd.s32 $0xFFFFF000  }
0xb8: {  	[spmem:s23] =	stream.linear.scatter [tilespmem:s1], [sflag:$0x9], $0x1000, $0x38;
	[tilespmem:$0x1CC00] =	vst v63  }
0xb9: {  	_ =	swait.ge [sflag:s0], $0x1000  }
0xba: {  	[sflag:s0] =	ssyncset.done $0x0  }
0xbb: {  	s24 =	rddreg [dreg:$0x12];
	[sflag:s0] =	ssyncadd.s32 $0xFFFFF000  }
0xbc: {  	[spmem:s24] =	stream.linear.scatter [tilespmem:s1], [sflag:$0x9], $0x1000, $0x38;
	[tilespmem:$0x1CC00] =	vst v63  }
0xbd: {  	_ =	swait.ge [sflag:s0], $0x1000  }
0xbe: {  	[sflag:s0] =	ssyncset.done $0x0  }
0xbf: {  	s25 =	rddreg [dreg:$0x13];
	[sflag:s0] =	ssyncadd.s32 $0xFFFFF000  }
0xc0: {  	[spmem:s25] =	stream.linear.scatter [tilespmem:s1], [sflag:$0x9], $0x1000, $0x38;
	[tilespmem:$0x1CC00] =	vst v63  }
0xc1: {  	_ =	swait.ge [sflag:s0], $0x1000  }
0xc2: {  	[sflag:s0] =	ssyncset.done $0x0  }
0xc3: {  	s22 =	rddreg [dreg:$0x14];
	[sflag:s0] =	ssyncadd.s32 $0xFFFFF000  }
0xc4: {  	[spmem:s22] =	stream.linear.scatter [tilespmem:s1], [sflag:$0x9], $0x1000, $0x38;
	[tilespmem:$0x1CC00] =	vst v63  }
0xc5: {  	_ =	swait.ge [sflag:s0], $0x1000  }
0xc6: {  	[sflag:s0] =	ssyncset.done $0x0  }
0xc7: {  	s23 =	rddreg [dreg:$0x15];
	[sflag:s0] =	ssyncadd.s32 $0xFFFFF000  }
0xc8: {  	[spmem:s23] =	stream.linear.scatter [tilespmem:s1], [sflag:$0x9], $0x1000, $0x38;
	[tilespmem:$0x1CC00] =	vst v63  }
0xc9: {  	_ =	swait.ge [sflag:s0], $0x1000  }
0xca: {  	[sflag:s0] =	ssyncset.done $0x0  }
0xcb: {  	s24 =	rddreg [dreg:$0x16];
	[sflag:s0] =	ssyncadd.s32 $0xFFFFF000  }
0xcc: {  	[spmem:s24] =	stream.linear.scatter [tilespmem:s1], [sflag:$0x9], $0x1000, $0x38;
	[tilespmem:$0x1CC00] =	vst v63  }
0xcd: {  	_ =	swait.ge [sflag:s0], $0x1000  }
0xce: {  	[sflag:s0] =	ssyncset.done $0x0  }
0xcf: {  	s25 =	rddreg [dreg:$0x17];
	[sflag:s0] =	ssyncadd.s32 $0xFFFFF000  }
0xd0: {  	[spmem:s25] =	stream.linear.scatter [tilespmem:s1], [sflag:$0x9], $0x1000, $0x38;
	[tilespmem:$0x1CC00] =	vst v63  }
0xd1: {  	_ =	swait.ge [sflag:s0], $0x1000  }
0xd2: {  	[sflag:s0] =	ssyncset.done $0x0  }
0xd3: {  	[sflag:s0] =	ssyncadd.s32 $0xFFFFF000  }
0xd4: {  	[spmem:s26] =	stream.linear.scatter [tilespmem:s1], [sflag:$0x9], $0x1000, $0x38;
	[tilespmem:$0x1CC00] =	vst v63  }
0xd5: {  	_ =	swait.ge [sflag:s0], $0x1000  }
0xd6: {  	[sflag:s0] =	ssyncset.done $0x0  }
0xd7: {  	[sflag:s0] =	ssyncadd.s32 $0xFFFFF000  }
0xd8: {  	[spmem:s28] =	stream.linear.scatter [tilespmem:s1], [sflag:$0x9], $0x1000, $0x38;
	[tilespmem:$0x1CC00] =	vst v63  }
0xd9: {  	_ =	swait.ge [sflag:s0], $0x1000  }
0xda: {  	[sflag:s0] =	ssyncset.done $0x0  }
0xdb: {  	[sflag:s0] =	ssyncadd.s32 $0xFFFFF000  }
0xdc: {  	[spmem:s29] =	stream.linear.scatter [tilespmem:s1], [sflag:$0x9], $0x1000, $0x38;
	[tilespmem:$0x1CC00] =	vst v63  }
0xdd: {  	_ =	swait.ge [sflag:s0], $0x1000  }
0xde: {  	[sflag:s0] =	ssyncset.done $0x0  }
0xdf: {  	[sflag:s0] =	ssyncadd.s32 $0xFFFFF000  }
0xe0: {  	[spmem:s30] =	stream.linear.scatter [tilespmem:s1], [sflag:$0x9], $0x1000, $0x38;
	[tilespmem:$0x1CC00] =	vst v63  }
0xe1: {  	_ =	swait.ge [sflag:s0], $0x1000  }
0xe2: {  	[sflag:s0] =	ssyncset.done $0x0  }
0xe3: {  	[sflag:s0] =	ssyncadd.s32 $0xFFFFF000  }
0xe4: {  	[spmem:s31] =	stream.linear.scatter [tilespmem:s1], [sflag:$0x9], $0x1000, $0x38;
	[tilespmem:$0x1CC00] =	vst v63  }
0xe5: {  	_ =	swait.ge [sflag:s0], $0x1000  }
0xe6: {  	[sflag:s0] =	ssyncset.done $0x0  }
0xe7: {  	s24 =	simm.s32 $0x0;
	[sflag:s0] =	ssyncadd.s32 $0xFFFFF000  }
0xe8: {  	v4 =	vld [tilespmem:s24+$0x14070]  }
0xe9: {  	s21 =	sshrl.u32 s20, $0x2;
	v6 =	vld [tilespmem:s24+$0x14000]  }
0xea: {  	s23 =	smul.u32 $0x9C40, s21;
	v9 =	vld [tilespmem:s24+$0x14010]  }
0xeb: {  	s22 =	sand.u32 $0x3, s20;
	v7 =	vld [tilespmem:s24+$0x14020]  }
0xec: {  	s23 =	sor.u32 s22, s23;
	v5 =	vld [tilespmem:s24+$0x14030]  }
0xed: {  	v2 =	vmov s23;
	v3 =	vld [tilespmem:s24+$0x14040];
	v8 =	vshll.u32 v4, $0x2  }
0xee: {  	v4 =	vld [tilespmem:s24+$0x14050];
	v10 =	vshll.u32 v6, $0x2;
	v11 =	vadd.s32 v2, v8  }
0xef: {  	s23 =	simm.s32 $0x80;
	s25 =	simm.s32 $0x400;
	v6 =	vld [tilespmem:s24+$0x14060];
	v9 =	vshll.u32 v9, $0x2;
	v8 =	vadd.s32 v2, v10;
	[tilespmem:s24+$0x16870] =	vst v11  }
.LBB2_9:
0xf0: {  	p0 =	sne.s32 s25, $0x4E00;
	v10 =	vld [tilespmem:s23+$0x14070];
	[tilespmem:s24+$0x16800] =	vst v8;
	v8 =	vadd.s32 v2, v9;
	v7 =	vshll.u32 v7, $0x2  }
0xf1: {  	v9 =	vld [tilespmem:s23+$0x14000];
	[tilespmem:s24+$0x16810] =	vst v8;
	v7 =	vadd.s32 v2, v7;
	v5 =	vshll.u32 v5, $0x2  }
0xf2: {  	v11 =	vld [tilespmem:s23+$0x14010];
	[tilespmem:s24+$0x16820] =	vst v7;
	v5 =	vadd.s32 v2, v5;
	v3 =	vshll.u32 v3, $0x2  }
.Ltmp3:
0xf3: {  	v7 =	vld [tilespmem:s23+$0x14020];
	[tilespmem:s24+$0x16830] =	vst v5;
	v3 =	vadd.s32 v2, v3;
	v4 =	vshll.u32 v4, $0x2;
	(pc) =	sbr.rel @p0 .LBB2_9-.Ltmp3, $4  }
0xf4: {  	v5 =	vld [tilespmem:s23+$0x14030];
	[tilespmem:s24+$0x16840] =	vst v3;
	v4 =	vadd.s32 v2, v4;
	v6 =	vshll.u32 v6, $0x2  }
0xf5: {  	v3 =	vld [tilespmem:s23+$0x14040];
	v8 =	vshll.u32 v10, $0x2;
	[tilespmem:s24+$0x16850] =	vst v4;
	v6 =	vadd.s32 v2, v6  }
0xf6: {  	v9 =	vshll.u32 v9, $0x2;
	v4 =	vld [tilespmem:s23+$0x14050];
	v10 =	vadd.s32 v2, v8;
	[tilespmem:s24+$0x16860] =	vst v6;
	s24 =	smov.u32 s23  }
0xf7: {  	s23 =	sshra.s32 s25, $0x2;
	s25 =	sadd.s32 $0x200, s25;
	v8 =	vadd.s32 v2, v9;
	v9 =	vshll.u32 v11, $0x2;
	v6 =	vld [tilespmem:s24+$0x14060];
	[tilespmem:s24+$0x16870] =	vst v10  }
0xf8: {  	v10 =	vld [tilespmem:s23+$0x14070];
	[tilespmem:s24+$0x16800] =	vst v8;
	v56 =	vadd.s32 v2, v9;
	v7 =	vshll.u32 v7, $0x2  }
0xf9: {  	v57 =	vld [tilespmem:s23+$0x14000];
	[tilespmem:s24+$0x16810] =	vst v56;
	v7 =	vadd.s32 v2, v7;
	v5 =	vshll.u32 v5, $0x2  }
0xfa: {  	v8 =	vld [tilespmem:s23+$0x14010];
	[tilespmem:s24+$0x16820] =	vst v7;
	v5 =	vadd.s32 v2, v5;
	v3 =	vshll.u32 v3, $0x2  }
0xfb: {  	v7 =	vld [tilespmem:s23+$0x14020];
	[tilespmem:s24+$0x16830] =	vst v5;
	v3 =	vadd.s32 v2, v3;
	v4 =	vshll.u32 v4, $0x2  }
0xfc: {  	v5 =	vld [tilespmem:s23+$0x14030];
	[tilespmem:s24+$0x16840] =	vst v3;
	v3 =	vadd.s32 v2, v4;
	v6 =	vshll.u32 v6, $0x2  }
0xfd: {  	v58 =	vld [tilespmem:s23+$0x14040];
	[tilespmem:s24+$0x16850] =	vst v3;
	v3 =	vadd.s32 v2, v6;
	v10 =	vshll.u32 v10, $0x2  }
0xfe: {  	v59 =	vld [tilespmem:s23+$0x14050];
	[tilespmem:s24+$0x16860] =	vst v3;
	v3 =	vshll.u32 v57, $0x2;
	v60 =	vadd.s32 v2, v10  }
0xff: {  	v61 =	vld [tilespmem:s23+$0x14060];
	v3 =	vadd.s32 v2, v3;
	v8 =	vshll.u32 v8, $0x2;
	[tilespmem:s23+$0x16870] =	vst v60  }
0x100: {  	[tilespmem:s23+$0x16800] =	vst v3;
	v3 =	vadd.s32 v2, v8;
	v7 =	vshll.u32 v7, $0x2  }
0x101: {  	[tilespmem:s23+$0x16810] =	vst v3;
	v3 =	vadd.s32 v2, v7;
	v5 =	vshll.u32 v5, $0x2  }
0x102: {  	[tilespmem:s23+$0x16820] =	vst v3;
	v3 =	vadd.s32 v2, v5;
	v4 =	vshll.u32 v58, $0x2  }
0x103: {  	[tilespmem:s23+$0x16830] =	vst v3;
	v3 =	vadd.s32 v2, v4;
	v62 =	vshll.u32 v59, $0x2  }
0x104: {  	[tilespmem:s23+$0x16840] =	vst v3;
	v3 =	vadd.s32 v2, v62;
	v63 =	vshll.u32 v61, $0x2  }
0x105: {  	[tilespmem:s23+$0x16850] =	vst v3;
	v2 =	vadd.s32 v2, v63  }
0x106: {  	[tilespmem:s23+$0x16860] =	vst v2  }
0x107: {  	s25 =	simm.s32 $0x16800;
	[bflag:$0x0] =	sbarrier.arrive $0xFFFF  }
0x108: {  	[tilespmem:s6], [sflag:$0x1] =	stream.indirect.gather [hbm4b:s4+s3], $0x20, s25, s3, $0xb8;
	[tilespmem:$0x1CC00] =	vst v63  }
0x109: {  	s24 =	simm.s32 $0x16880  }
0x10a: {  	[tilespmem:s9], [sflag:$0x2] =	stream.indirect.gather [hbm4b:s4+s3], $0x20, s24, s3, $0xb8;
	[tilespmem:$0x1CC00] =	vst v63  }
0x10b: {  	s25 =	simm.s32 $0x16900  }
0x10c: {  	[tilespmem:s5], [sflag:$0x3] =	stream.indirect.gather [hbm4b:s4+s3], $0x20, s25, s3, $0xb8;
	[tilespmem:$0x1CC00] =	vst v63  }
0x10d: {  	s24 =	simm.s32 $0x16980  }
0x10e: {  	[tilespmem:s10], [sflag:$0x4] =	stream.indirect.gather [hbm4b:s4+s3], $0x20, s24, s3, $0xb8;
	[tilespmem:$0x1CC00] =	vst v63  }
0x10f: {  	_ =	swait.ge [sflag:s7], $0x1000  }
0x110: {  	[sflag:s7] =	ssyncset.done $0x0  }
0x111: {  	s25 =	simm.s32 $0x15400;
	[sflag:s7] =	ssyncadd.s32 $0xFFFFF000  }
0x112: {  	[spmem:s2] =	stream.indirect.scatter.add.f32 [tilespmem:s6], [sflag:$0x5], $0x20, s25, s3, $0xb8;
	[tilespmem:$0x1CC00] =	vst v63  }
0x113: {  	_ =	swait.ge [sflag:s12], $0x1000  }
0x114: {  	[sflag:s12] =	ssyncset.done $0x0  }
0x115: {  	s24 =	simm.s32 $0x16A00;
	[sflag:s12] =	ssyncadd.s32 $0xFFFFF000  }
0x116: {  	[tilespmem:s6], [sflag:$0x1] =	stream.indirect.gather [hbm4b:s4+s3], $0x20, s24, s3, $0xb8;
	[tilespmem:$0x1CC00] =	vst v63  }
0x117: {  	_ =	swait.ge [sflag:s13], $0x1000  }
0x118: {  	[sflag:s13] =	ssyncset.done $0x0  }
0x119: {  	s25 =	simm.s32 $0x15480;
	[sflag:s13] =	ssyncadd.s32 $0xFFFFF000  }
0x11a: {  	[spmem:s2] =	stream.indirect.scatter.add.f32 [tilespmem:s9], [sflag:$0x6], $0x20, s25, s3, $0xb8;
	[tilespmem:$0x1CC00] =	vst v63  }
0x11b: {  	_ =	swait.ge [sflag:s14], $0x1000  }
0x11c: {  	[sflag:s14] =	ssyncset.done $0x0  }
0x11d: {  	s24 =	simm.s32 $0x16A80;
	[sflag:s14] =	ssyncadd.s32 $0xFFFFF000  }
0x11e: {  	[tilespmem:s9], [sflag:$0x2] =	stream.indirect.gather [hbm4b:s4+s3], $0x20, s24, s3, $0xb8;
	[tilespmem:$0x1CC00] =	vst v63  }
0x11f: {  	_ =	swait.ge [sflag:s15], $0x1000  }
0x120: {  	[sflag:s15] =	ssyncset.done $0x0  }
0x121: {  	s25 =	simm.s32 $0x15500;
	[sflag:s15] =	ssyncadd.s32 $0xFFFFF000  }
0x122: {  	[spmem:s2] =	stream.indirect.scatter.add.f32 [tilespmem:s5], [sflag:$0x7], $0x20, s25, s3, $0xb8;
	[tilespmem:$0x1CC00] =	vst v63  }
0x123: {  	_ =	swait.ge [sflag:s16], $0x1000  }
0x124: {  	[sflag:s16] =	ssyncset.done $0x0  }
0x125: {  	s24 =	simm.s32 $0x16B00;
	[sflag:s16] =	ssyncadd.s32 $0xFFFFF000  }
0x126: {  	[tilespmem:s5], [sflag:$0x3] =	stream.indirect.gather [hbm4b:s4+s3], $0x20, s24, s3, $0xb8;
	[tilespmem:$0x1CC00] =	vst v63  }
0x127: {  	_ =	swait.ge [sflag:s11], $0x1000  }
0x128: {  	[sflag:s11] =	ssyncset.done $0x0  }
0x129: {  	s25 =	simm.s32 $0x15580;
	[sflag:s11] =	ssyncadd.s32 $0xFFFFF000  }
0x12a: {  	[spmem:s2] =	stream.indirect.scatter.add.f32 [tilespmem:s10], [sflag:$0x8], $0x20, s25, s3, $0xb8;
	[tilespmem:$0x1CC00] =	vst v63  }
0x12b: {  	_ =	swait.ge [sflag:s17], $0x1000  }
0x12c: {  	[sflag:s17] =	ssyncset.done $0x0  }
0x12d: {  	s23 =	simm.s32 $0x800;
	s24 =	simm.s32 $0x16B80;
	[sflag:s17] =	ssyncadd.s32 $0xFFFFF000  }
.LBB2_11:
0x12e: {  	[tilespmem:s10], [sflag:$0x4] =	stream.indirect.gather [hbm4b:s4+s3], $0x20, s24, s3, $0xb8;
	[tilespmem:$0x1CC00] =	vst v63  }
0x12f: {  	s24 =	smov.u32 s23  }
0x130: {  	p0 =	sne.s32 s23, $0x4000;
	s23 =	sadd.s32 $0x800, s23;
	_ =	swait.ge [sflag:s7], $0x1000  }
0x131: {  	s24 =	sshra.s32 s24, $0x2;
	[sflag:s7] =	ssyncset.done $0x0  }
0x132: {  	s25 =	sadd.s32 $0x15400, s24;
	[sflag:s7] =	ssyncadd.s32 $0xFFFFF000  }
0x133: {  	[spmem:s2] =	stream.indirect.scatter.add.f32 [tilespmem:s6], [sflag:$0x5], $0x20, s25, s3, $0xb8;
	[tilespmem:$0x1CC00] =	vst v63  }
0x134: {  	_ =	swait.ge [sflag:s12], $0x1000  }
0x135: {  	[sflag:s12] =	ssyncset.done $0x0  }
0x136: {  	s25 =	sadd.s32 $0x16A00, s24;
	[sflag:s12] =	ssyncadd.s32 $0xFFFFF000  }
0x137: {  	[tilespmem:s6], [sflag:$0x1] =	stream.indirect.gather [hbm4b:s4+s3], $0x20, s25, s3, $0xb8;
	[tilespmem:$0x1CC00] =	vst v63  }
0x138: {  	_ =	swait.ge [sflag:s13], $0x1000  }
0x139: {  	[sflag:s13] =	ssyncset.done $0x0  }
0x13a: {  	s25 =	sadd.s32 $0x15480, s24;
	[sflag:s13] =	ssyncadd.s32 $0xFFFFF000  }
0x13b: {  	[spmem:s2] =	stream.indirect.scatter.add.f32 [tilespmem:s9], [sflag:$0x6], $0x20, s25, s3, $0xb8;
	[tilespmem:$0x1CC00] =	vst v63  }
0x13c: {  	_ =	swait.ge [sflag:s14], $0x1000  }
0x13d: {  	[sflag:s14] =	ssyncset.done $0x0  }
0x13e: {  	s25 =	sadd.s32 $0x16A80, s24;
	[sflag:s14] =	ssyncadd.s32 $0xFFFFF000  }
0x13f: {  	[tilespmem:s9], [sflag:$0x2] =	stream.indirect.gather [hbm4b:s4+s3], $0x20, s25, s3, $0xb8;
	[tilespmem:$0x1CC00] =	vst v63  }
0x140: {  	_ =	swait.ge [sflag:s15], $0x1000  }
0x141: {  	[sflag:s15] =	ssyncset.done $0x0  }
0x142: {  	s25 =	sadd.s32 $0x15500, s24;
	[sflag:s15] =	ssyncadd.s32 $0xFFFFF000  }
0x143: {  	[spmem:s2] =	stream.indirect.scatter.add.f32 [tilespmem:s5], [sflag:$0x7], $0x20, s25, s3, $0xb8;
	[tilespmem:$0x1CC00] =	vst v63  }
0x144: {  	_ =	swait.ge [sflag:s16], $0x1000  }
0x145: {  	[sflag:s16] =	ssyncset.done $0x0  }
0x146: {  	s25 =	sadd.s32 $0x16B00, s24;
	[sflag:s16] =	ssyncadd.s32 $0xFFFFF000  }
0x147: {  	[tilespmem:s5], [sflag:$0x3] =	stream.indirect.gather [hbm4b:s4+s3], $0x20, s25, s3, $0xb8;
	[tilespmem:$0x1CC00] =	vst v63  }
0x148: {  	_ =	swait.ge [sflag:s11], $0x1000  }
0x149: {  	[sflag:s11] =	ssyncset.done $0x0  }
.Ltmp4:
0x14a: {  	s25 =	sadd.s32 $0x15580, s24;
	[sflag:s11] =	ssyncadd.s32 $0xFFFFF000;
	(pc) =	sbr.rel @p0 .LBB2_11-.Ltmp4, $4  }
0x14b: {  	[spmem:s2] =	stream.indirect.scatter.add.f32 [tilespmem:s10], [sflag:$0x8], $0x20, s25, s3, $0xb8;
	[tilespmem:$0x1CC00] =	vst v63  }
0x14c: {  	_ =	swait.ge [sflag:s17], $0x1000  }
0x14d: {  	[sflag:s17] =	ssyncset.done $0x0  }
0x14e: {  	s24 =	sadd.s32 $0x16B80, s24;
	[sflag:s17] =	ssyncadd.s32 $0xFFFFF000  }
0x14f: {  	[tilespmem:s10], [sflag:$0x4] =	stream.indirect.gather [hbm4b:s4+s3], $0x20, s24, s3, $0xb8;
	[tilespmem:$0x1CC00] =	vst v63  }
0x150: {  	_ =	swait.ge [sflag:s7], $0x1000  }
0x151: {  	[sflag:s7] =	ssyncset.done $0x0  }
0x152: {  	s23 =	simm.s32 $0x16600;
	[sflag:s7] =	ssyncadd.s32 $0xFFFFF000  }
0x153: {  	[spmem:s2] =	stream.indirect.scatter.add.f32 [tilespmem:s6], [sflag:$0x5], $0x20, s23, s3, $0xb8;
	[tilespmem:$0x1CC00] =	vst v63  }
0x154: {  	_ =	swait.ge [sflag:s12], $0x1000  }
0x155: {  	[sflag:s12] =	ssyncset.done $0x0  }
0x156: {  	[sflag:s12] =	ssyncadd.s32 $0xFFFFF000  }
0x157: {  	_ =	swait.ge [sflag:s13], $0x1000  }
0x158: {  	[sflag:s13] =	ssyncset.done $0x0  }
0x159: {  	s24 =	simm.s32 $0x16680;
	[sflag:s13] =	ssyncadd.s32 $0xFFFFF000  }
0x15a: {  	[spmem:s2] =	stream.indirect.scatter.add.f32 [tilespmem:s9], [sflag:$0x6], $0x20, s24, s3, $0xb8;
	[tilespmem:$0x1CC00] =	vst v63  }
0x15b: {  	_ =	swait.ge [sflag:s14], $0x1000  }
0x15c: {  	[sflag:s14] =	ssyncset.done $0x0  }
0x15d: {  	[sflag:s14] =	ssyncadd.s32 $0xFFFFF000  }
0x15e: {  	_ =	swait.ge [sflag:s15], $0x1000  }
0x15f: {  	[sflag:s15] =	ssyncset.done $0x0  }
0x160: {  	s25 =	simm.s32 $0x16700;
	[sflag:s15] =	ssyncadd.s32 $0xFFFFF000  }
0x161: {  	[spmem:s2] =	stream.indirect.scatter.add.f32 [tilespmem:s5], [sflag:$0x7], $0x20, s25, s3, $0xb8;
	[tilespmem:$0x1CC00] =	vst v63  }
0x162: {  	_ =	swait.ge [sflag:s16], $0x1000  }
0x163: {  	[sflag:s16] =	ssyncset.done $0x0  }
0x164: {  	[sflag:s16] =	ssyncadd.s32 $0xFFFFF000  }
0x165: {  	_ =	swait.ge [sflag:s11], $0x1000  }
0x166: {  	[sflag:s11] =	ssyncset.done $0x0  }
0x167: {  	s24 =	simm.s32 $0x16780;
	[sflag:s11] =	ssyncadd.s32 $0xFFFFF000  }
0x168: {  	[spmem:s2] =	stream.indirect.scatter.add.f32 [tilespmem:s10], [sflag:$0x8], $0x20, s24, s3, $0xb8;
	[tilespmem:$0x1CC00] =	vst v63  }
0x169: {  	s21 =	smul.u32 $0x500000, s21;
	_ =	swait.ge [sflag:s17], $0x1000  }
0x16a: {  	s25 =	rddreg [dreg:$0x8];
	[sflag:s17] =	ssyncset.done $0x0  }
0x16b: {  	s22 =	sshll.u32 s22, $0x5;
	s21 =	sadd.s32 s21, s25;
	[sflag:s17] =	ssyncadd.s32 $0xFFFFF000  }
0x16c: {  	s21 =	sor.u32 s22, s21;
	[bflag:$0x0] =	sbarrier.arrive $0xFFFF  }
0x16d: {  	s20 =	sadd.s32 $0x1, s20;
	s21 =	sshrl.u32 s21, $0x3;
	s24 =	rddreg [dreg:$0x4]  }
0x16e: {  	p0 =	sne.s32 s20, $0x14;
	s25 =	simm.s32 $0x10;
	s21 =	sadd.s32 s24, s21  }
0x16f: {  	[hbm:s21@s25], [sflag:s18] =	dma.strided [spmem:s19@s11], $0x2800, s7, $0x4   }
.Ltmp5:
0x170: {  	_ =	swait.ge [sflag:s0], $0x2800;
	(pc) =	sbr.rel @p0 .LBB2_8-.Ltmp5, $3  }
0x171: {  	[sflag:s0] =	ssyncset.done $0x0  }
0x172: {  	[sflag:s0] =	ssyncadd.s32 $0xFFFFD800  }
0x173: {  	[bflag:$0x0] =	sbarrier.arrive $0xFFFF;
	_ =	sdelay $0x1  }
0x174: {  	s19 =	rddreg [dreg:$0x18]  }
0x175: {  	s18 =	rddreg [dreg:$0x9];
	s19 =	sadd.s32 $0x1, s19  }
0x176: {  	p0 =	sne.s32 s19, s18  }
.Ltmp6:
0x177: {  	_ = 	snop;
	(pc) =	sbr.rel @p0 .LBB2_1-.Ltmp6, $1  }
0x178: {  	_ =	sdelay $0x3  }
0x179: {  	_ =	sfence.sel $0x180000  }
0x17a: {  	[bflag:$0x0] =	sbarrier.arrive $0xFFFF  }
0x17b: {  	_ =	strace $0x90000047  }
0x17c: {  	s0 =	stileid.u32;
	[bflag:$0x2] =	sbarrier.arrive $0xFFFF  }
0x17d: {  	p0 =	sne.s32 s0, $0x0;
	s0 =	rddreg [dreg:$0x3]  }
0x17e: {  	s0 =	sadd.s32 @!p0 $0x100000, s0  }
0x17f: {  	[sflag:s0] =	ssyncadd.tile.s32 @!p0 $0x1;
	_ =	shalt  }
.Lfunc_end2:
_tile_overlayer_lowered:
.L_overlay_start_2:
0x180: {  	(tag) =	ssettag $0x2  }
0x181: {  	s0 =	rddreg [dreg:$0x0];
	s2 =	stileid.u32  }
0x182: {  	s1 =	rddreg [dreg:$0x1];
	p0 =	sne.s32 s2, $0x0  }
0x183: {  	s3 =	rddreg [dreg:$0x2];
	[bflag:$0x3] =	sbarrier.arrive $0xFFFF;
	s2 =	simm.s32 @!p0 $0x1C09  }
0x184: {  	[timem:s3], [sflag:s2] =	dma.local @!p0 [hbm:s0], s1  }
0x185: {  	s0 =	simm.s32 @!p0 $0x9  }
0x186: {  	_ =	swait.ge @!p0 [sflag:s0], s1  }
0x187: {  	s1 =	ssub.s32 @!p0 $0x0, s1;
	[sflag:s0] =	ssyncset.done @!p0 $0x0  }
0x188: {  	[sflag:s0] =	ssyncadd.s32 @!p0 s1  }
0x189: {  	[bflag:$0x3] =	sbarrier.arrive $0xFFFF  }
0x18a: {  	_ =	shalt  }

</sc_bundles>
